<compile_context>
chip_gen: v7x
topology: tpu7x:2x2x1
jax: 0.10.2.dev20260603
libtpu: 0.0.44.dev20260713+nightly
codegen_flags: <defaults>
</compile_context>

<pallas_src>
import jax
import jax.numpy as jnp
from jax import lax
from jax.experimental import pallas as pl
from jax.experimental.pallas import tpu as pltpu
from jax.experimental.pallas import tpu_sc as plsc

N = 10000
E = 320000
D = 128
HD = 128
F = HD + D
FP = F // 2
_NC = 2
_NS = 16
_NW = _NC * _NS
_EPW = E // _NW
_BG = 80
_NBG = _EPW // _BG
_BS = 80
_NBS = _EPW // _BS
_NPAD = 10240
_RPS = _NPAD // _NS

_f32 = jnp.float32
_bf16 = jnp.bfloat16

def _mesh():
    return plsc.VectorSubcoreMesh(
        core_axis_name="c", subcore_axis_name="s",
        num_cores=_NC, num_subcores=_NS)



def _pack_rows(a_f32):
    m = a_f32.shape[0]
    return pltpu.bitcast(a_f32.astype(_bf16).reshape(2 * m, FP), jnp.int32)

def _node1_body(x_ref, bw_ref, bb_ref, w1_ref, b1_ref, w2_ref, b2_ref,
                cw_ref, cb_ref, x_out_ref, p_ref, q_ref):
    x = x_ref[...]
    mu = jnp.mean(x, axis=0, keepdims=True)
    xc = x - mu
    var = jnp.mean(xc * xc, axis=0, keepdims=True)
    xb = xc * lax.rsqrt(var + 1e-5) * bw_ref[...] + bb_ref[...]
    x_out_ref[...] = xb
    t = jnp.maximum(
        jnp.dot(xb, w1_ref[...], preferred_element_type=_f32) + b1_ref[...],
        0.0)
    h0 = jnp.tanh(
        jnp.dot(t, w2_ref[...], preferred_element_type=_f32) + b2_ref[...])
    feat = jnp.concatenate([h0, xb], axis=1)
    cw = cw_ref[...]
    wb = cw[F:]
    wa = cw[:F] - wb
    p_ref[...] = _pack_rows(
        jnp.dot(feat, wa, preferred_element_type=_f32) + cb_ref[...])
    q_ref[...] = _pack_rows(jnp.dot(feat, wb, preferred_element_type=_f32))


def _conv2_body(pg_ref, qg_ref, w_ref, b_ref, m_ref):
    pb = pltpu.bitcast(pg_ref[...], _bf16)
    qb = pltpu.bitcast(qg_ref[...], _bf16)
    t = jnp.maximum(pb + qb, 0).reshape(pg_ref.shape[0], F)
    m_ref[...] = jnp.tanh(
        jnp.dot(t, w_ref[...], preferred_element_type=_f32) + b_ref[...])


def _edgered_body(rg_ref, sg_ref, w2_ref, b2_ref, o_ref):
    rb_ = pltpu.bitcast(rg_ref[...], _bf16)
    sb_ = pltpu.bitcast(sg_ref[...], _bf16)
    t = jnp.maximum(rb_ + sb_, 0).reshape(rg_ref.shape[0], F)
    z = lax.dot_general(w2_ref[...], t, (((1,), (1,)), ((), ())),
                        preferred_element_type=_f32)
    o_ref[...] = (1.0 / (1.0 + jnp.exp(-(z + b2_ref[0, 0])))).reshape(
        1, 1, z.shape[1])


def _node2_body(h1_ref, h2_ref, xb_ref, w_ref, b_ref, r_ref, s_ref):
    feat = jnp.concatenate([h1_ref[0] + h2_ref[0], xb_ref[...]], axis=1)
    w = w_ref[...]
    r_ref[...] = _pack_rows(
        jnp.dot(feat, w[:F], preferred_element_type=_f32) + b_ref[...])
    s_ref[...] = _pack_rows(jnp.dot(feat, w[F:], preferred_element_type=_f32))



def _sc_gather2(p_hbm, q_hbm, ia_hbm, ib_hbm, pg_hbm, qg_hbm,
                iaall, iball, bp0, bp1, bp2, bp3, bq0, bq1, bq2, bq3,
                sp0, sp1, sp2, sp3, sq0, sq1, sq2, sq3,
                tp0, tp1, tp2, tp3, tq0, tq1, tq2, tq3):
    wid = lax.axis_index("s") * _NC + lax.axis_index("c")
    base = wid * _EPW
    pltpu.sync_copy(ia_hbm.at[pl.ds(base, _EPW)], iaall)
    pltpu.sync_copy(ib_hbm.at[pl.ds(base, _EPW)], iball)
    bp, bq = (bp0, bp1, bp2, bp3), (bq0, bq1, bq2, bq3)
    sp, sq = (sp0, sp1, sp2, sp3), (sq0, sq1, sq2, sq3)
    tp, tq = (tp0, tp1, tp2, tp3), (tq0, tq1, tq2, tq3)

    def gather(i, b):
        pltpu.async_copy(p_hbm.at[iaall.at[pl.ds(i * _BG, _BG)]], bp[b], sp[b])
        pltpu.async_copy(q_hbm.at[iball.at[pl.ds(i * _BG, _BG)]], bq[b], sq[b])

    def wait_gather(b):
        pltpu.make_async_copy(p_hbm.at[pl.ds(0, _BG)], bp[b], sp[b]).wait()
        pltpu.make_async_copy(q_hbm.at[pl.ds(0, _BG)], bq[b], sq[b]).wait()

    def store(i, b):
        off = base + i * _BG
        pltpu.async_copy(bp[b], pg_hbm.at[pl.ds(off, _BG)], tp[b])
        pltpu.async_copy(bq[b], qg_hbm.at[pl.ds(off, _BG)], tq[b])

    def wait_store(b):
        pltpu.make_async_copy(bp[b], pg_hbm.at[pl.ds(0, _BG)], tp[b]).wait()
        pltpu.make_async_copy(bq[b], qg_hbm.at[pl.ds(0, _BG)], tq[b]).wait()

    gather(0, 0)
    gather(1, 1)

    @pl.loop(0, (_NBG - 1) // 4)
    def _j(j):
        for b in range(4):
            i = j * 4 + b
            nxt = (b + 2) % 4
            if b < 2:
                @pl.when(j > 0)
                def _():
                    wait_store(nxt)
                gather(i + 2, nxt)
            elif b == 2:
                wait_store(nxt)
                gather(i + 2, nxt)
            else:
                wait_store(nxt)

                @pl.when(j < (_NBG - 1) // 4 - 1)
                def _():
                    gather(i + 2, nxt)
            wait_gather(b)
            store(i, b)

    wait_gather(0)
    store(_NBG - 1, 0)
    wait_store(2)
    wait_store(3)
    wait_store(0)


def _sc_scatter_add(msg_hbm, col_hbm, hp_hbm,
                    cv0, cv1, mb0, mb1, zbuf, acc, sc0, sc1, sm0, sm1):
    cidx = lax.axis_index("c")
    sidx = lax.axis_index("s")
    wid = sidx * _NC + cidx

    @pl.loop(0, 128)
    def _z(r):
        for ch in range(D // 16):
            zbuf[r, pl.ds(ch * 16, 16)] = jnp.zeros((16,), _f32)

    for j in range(_RPS // 128):
        pltpu.sync_copy(zbuf, acc.at[pl.ds(sidx * _RPS + j * 128, 128)])
    plsc.subcore_barrier()

    base = wid * _EPW
    cv, mb = (cv0, cv1), (mb0, mb1)
    sc_, sm = (sc0, sc1), (sm0, sm1)

    def issue(i, b):
        off = base + i * _BS
        pltpu.async_copy(col_hbm.at[pl.ds(off, _BS)], cv[b], sc_[b])
        pltpu.async_copy(msg_hbm.at[pl.ds(off, _BS)], mb[b], sm[b])

    def drain(b):
        pltpu.make_async_copy(col_hbm.at[pl.ds(0, _BS)], cv[b], sc_[b]).wait()
        pltpu.make_async_copy(msg_hbm.at[pl.ds(0, _BS)], mb[b], sm[b]).wait()

    issue(0, 0)

    @pl.loop(0, (_NBS - 1) // 2)
    def _j(j):
        for b in range(2):
            i = j * 2 + b
            issue(i + 1, 1 - b)
            drain(b)
            pltpu.sync_copy(mb[b], acc.at[cv[b]], add=True)

    drain(0)
    pltpu.sync_copy(mb[0], acc.at[cv[0]], add=True)

    plsc.subcore_barrier()
    for j in range(_RPS // 128):
        r0 = sidx * _RPS + j * 128
        pltpu.sync_copy(acc.at[pl.ds(r0, 128)],
                        hp_hbm.at[cidx, pl.ds(r0, 128)])



def _gather_pair(p_i32, q_i32, ia, ib):
    return pl.kernel(
        _sc_gather2,
        out_type=[jax.ShapeDtypeStruct((E, FP), jnp.int32)] * 2,
        mesh=_mesh(),
        scratch_types=(
            [pltpu.VMEM((_EPW,), jnp.int32)] * 2
            + [pltpu.VMEM((_BG, FP), jnp.int32)] * 8
            + [pltpu.SemaphoreType.DMA] * 16
        ),
    )(p_i32, q_i32, ia, ib)


@jax.jit
def kernel(x, edge_index, bn_w, bn_b, in1_W, in1_b, in2_W, in2_b,
           conv1_W, conv1_b, conv2_W, conv2_b, edge1_W, edge1_b,
           edge2_W, edge2_b):
    row = edge_index[0]
    col = edge_index[1]

    nblk = 5
    rb = N // nblk
    full = lambda shape: pl.BlockSpec(shape, lambda i: (0, 0))
    X, p, q = pl.pallas_call(
        _node1_body,
        out_shape=[jax.ShapeDtypeStruct((N, D), _f32)]
        + [jax.ShapeDtypeStruct((N, FP), jnp.int32)] * 2,
    )(x, bn_w.reshape(1, D), bn_b.reshape(1, D),
      in1_W, in1_b.reshape(1, HD), in2_W, in2_b.reshape(1, HD),
      conv1_W, conv1_b.reshape(1, F))

    pg, qg = _gather_pair(p, q, col, row)

    eblk = 8000
    msg = pl.pallas_call(
        _conv2_body,
        grid=(E // eblk,),
        in_specs=[
            pl.BlockSpec((eblk, FP), lambda i: (i, 0)),
            pl.BlockSpec((eblk, FP), lambda i: (i, 0)),
            full((F, HD)), full((1, HD)),
        ],
        out_specs=pl.BlockSpec((eblk, HD), lambda i: (i, 0)),
        out_shape=jax.ShapeDtypeStruct((E, HD), _f32),
    )(pg, qg, conv2_W.astype(_bf16), conv2_b.reshape(1, HD))

    hp = pl.kernel(
        _sc_scatter_add,
        out_type=jax.ShapeDtypeStruct((_NC, _NPAD, D), _f32),
        mesh=_mesh(),
        scratch_types=(
            [pltpu.VMEM((_BS,), jnp.int32)] * 2
            + [pltpu.VMEM((_BS, D), _f32)] * 2
            + [pltpu.VMEM((128, D), _f32),
               pltpu.VMEM_SHARED((_NPAD, D), _f32)]
            + [pltpu.SemaphoreType.DMA] * 4
        ),
    )(msg, col)

    r, s = pl.pallas_call(
        _node2_body,
        grid=(nblk,),
        in_specs=[
            pl.BlockSpec((1, rb, D), lambda i: (0, i, 0)),
            pl.BlockSpec((1, rb, D), lambda i: (1, i, 0)),
            pl.BlockSpec((rb, D), lambda i: (i, 0)),
            full((2 * F, F)), full((1, F)),
        ],
        out_specs=[pl.BlockSpec((rb, FP), lambda i: (i, 0))] * 2,
        out_shape=[jax.ShapeDtypeStruct((N, FP), jnp.int32)] * 2,
    )(hp, hp, X, edge1_W, edge1_b.reshape(1, F))

    rg, sg = _gather_pair(r, s, row, col)

    dblk = 8000
    out3d = pl.pallas_call(
        _edgered_body,
        grid=(E // dblk,),
        in_specs=[
            pl.BlockSpec((dblk, FP), lambda i: (i, 0)),
            pl.BlockSpec((dblk, FP), lambda i: (i, 0)),
            full((1, F)), full((1, 1)),
        ],
        out_specs=pl.BlockSpec((1, 1, dblk), lambda i: (i, 0, 0)),
        out_shape=jax.ShapeDtypeStruct((E // dblk, 1, dblk), _f32),
    )(rg, sg, edge2_W.reshape(1, F).astype(_bf16), edge2_b.reshape(1, 1))

    return out3d.reshape(E)

# --- scband reference (transcript-rebuilt; emitter-appended) ---
"""Pipeline reference for scband-edge-net-72284299592186 (READ-ONLY COPY).

The authoritative reference and input builder live on the scoring server;
editing this copy changes nothing except your own understanding.
"""

import jax, jax.numpy as jnp
import numpy as np

N = 10000
E = 320000
D = 128
HD = 128


def _lin(k, fan_in, fan_out):
    bound = 1.0 / np.sqrt(fan_in)
    kw, kb = jax.random.split(k)
    W = jax.random.uniform(kw, (fan_in, fan_out), jnp.float32, -bound, bound)
    b = jax.random.uniform(kb, (fan_out,), jnp.float32, -bound, bound)
    return W, b


def setup_inputs(seed: int = 0) -> dict:
    key = jax.random.key(seed)
    ks = jax.random.split(key, 10)
    x = jax.random.normal(ks[0], (N, D), jnp.float32)
    edge_index = jax.random.randint(ks[1], (2, E), 0, N, jnp.int32)
    bn_w = jnp.ones((D,), jnp.float32)
    bn_b = jnp.zeros((D,), jnp.float32)
    in1_W, in1_b = _lin(ks[2], D, HD)
    in2_W, in2_b = _lin(ks[3], HD, HD)
    conv1_W, conv1_b = _lin(ks[4], 2 * (HD + D), 2 * HD)
    conv2_W, conv2_b = _lin(ks[5], 2 * HD, HD)
    edge1_W, edge1_b = _lin(ks[6], 2 * (HD + D), 2 * HD)
    edge2_W, edge2_b = _lin(ks[7], 2 * HD, 1)
    return dict(x=x, edge_index=edge_index, bn_w=bn_w, bn_b=bn_b,
                in1_W=in1_W, in1_b=in1_b, in2_W=in2_W, in2_b=in2_b,
                conv1_W=conv1_W, conv1_b=conv1_b, conv2_W=conv2_W, conv2_b=conv2_b,
                edge1_W=edge1_W, edge1_b=edge1_b, edge2_W=edge2_W, edge2_b=edge2_b)


def reference(x, edge_index, bn_w, bn_b, in1_W, in1_b, in2_W, in2_b,
              conv1_W, conv1_b, conv2_W, conv2_b, edge1_W, edge1_b, edge2_W, edge2_b):
    # BatchNorm1d (training mode: biased batch stats, eps=1e-5)
    mean = jnp.mean(x, axis=0)
    var = jnp.var(x, axis=0)
    X = (x - mean) / jnp.sqrt(var + 1e-5) * bn_w + bn_b
    # inputnet: Linear -> ReLU -> Linear -> Tanh
    H = jnp.tanh(jnp.maximum(X @ in1_W + in1_b, 0.0) @ in2_W + in2_b)
    feat = jnp.concatenate([H, X], axis=-1)
    row = edge_index[0]
    col = edge_index[1]
    # n_iters = 1 pass of EdgeConv (aggr='add', flow source_to_target: aggregate at col)
    x_i = feat[col]
    x_j = feat[row]
    msg_in = jnp.concatenate([x_i, x_j - x_i], axis=-1)
    msg = jnp.tanh(jnp.maximum(msg_in @ conv1_W + conv1_b, 0.0) @ conv2_W + conv2_b)
    H = jax.ops.segment_sum(msg, col, num_segments=N)
    feat = jnp.concatenate([H, X], axis=-1)
    # edgenetwork on concatenated endpoint features
    e = jnp.concatenate([feat[row], feat[col]], axis=-1)
    out = jax.nn.sigmoid(jnp.maximum(e @ edge1_W + edge1_b, 0.0) @ edge2_W + edge2_b)
    return out.squeeze(-1)

if __name__ == "__main__":
    import jax
    _d = setup_inputs()
    print(jax.jit(kernel)(*tuple(_d.values())))

</pallas_src>

<mosaic_0001>
#map = affine_map<(d0, d1) -> (0, 0)>
#map1 = affine_map<(d0, d1) -> (0)>
module attributes {stable_mosaic.version = 14 : i64} {
  func.func @_sc_gather2(%arg0: i32, %arg1: i32, %arg2: memref<10000x128xi32, #tpu.memory_space<hbm>>, %arg3: memref<10000x128xi32, #tpu.memory_space<hbm>>, %arg4: memref<320000xi32, #tpu.memory_space<hbm>>, %arg5: memref<320000xi32, #tpu.memory_space<hbm>>, %arg6: memref<320000x128xi32, #tpu.memory_space<hbm>>, %arg7: memref<320000x128xi32, #tpu.memory_space<hbm>>, %arg8: memref<10000xi32, #tpu.memory_space<vmem>>, %arg9: memref<10000xi32, #tpu.memory_space<vmem>>, %arg10: memref<80x128xi32, #tpu.memory_space<vmem>>, %arg11: memref<80x128xi32, #tpu.memory_space<vmem>>, %arg12: memref<80x128xi32, #tpu.memory_space<vmem>>, %arg13: memref<80x128xi32, #tpu.memory_space<vmem>>, %arg14: memref<80x128xi32, #tpu.memory_space<vmem>>, %arg15: memref<80x128xi32, #tpu.memory_space<vmem>>, %arg16: memref<80x128xi32, #tpu.memory_space<vmem>>, %arg17: memref<80x128xi32, #tpu.memory_space<vmem>>, %arg18: memref<!tpu.dma_semaphore, #tpu.memory_space<semaphore_mem>>, %arg19: memref<!tpu.dma_semaphore, #tpu.memory_space<semaphore_mem>>, %arg20: memref<!tpu.dma_semaphore, #tpu.memory_space<semaphore_mem>>, %arg21: memref<!tpu.dma_semaphore, #tpu.memory_space<semaphore_mem>>, %arg22: memref<!tpu.dma_semaphore, #tpu.memory_space<semaphore_mem>>, %arg23: memref<!tpu.dma_semaphore, #tpu.memory_space<semaphore_mem>>, %arg24: memref<!tpu.dma_semaphore, #tpu.memory_space<semaphore_mem>>, %arg25: memref<!tpu.dma_semaphore, #tpu.memory_space<semaphore_mem>>, %arg26: memref<!tpu.dma_semaphore, #tpu.memory_space<semaphore_mem>>, %arg27: memref<!tpu.dma_semaphore, #tpu.memory_space<semaphore_mem>>, %arg28: memref<!tpu.dma_semaphore, #tpu.memory_space<semaphore_mem>>, %arg29: memref<!tpu.dma_semaphore, #tpu.memory_space<semaphore_mem>>, %arg30: memref<!tpu.dma_semaphore, #tpu.memory_space<semaphore_mem>>, %arg31: memref<!tpu.dma_semaphore, #tpu.memory_space<semaphore_mem>>, %arg32: memref<!tpu.dma_semaphore, #tpu.memory_space<semaphore_mem>>, %arg33: memref<!tpu.dma_semaphore, #tpu.memory_space<semaphore_mem>>) attributes {dimension_semantics = [#tpu.dimension_semantics<core_parallel>, #tpu.dimension_semantics<subcore_parallel>], iteration_bounds = array<i64: 2, 16>, scalar_prefetch = 0 : i64, scratch_operands = 26 : i64, tpu.core_type = #tpu.core_type<sc_vector_subcore>, window_params = [{transform_indices = #map}, {transform_indices = #map}, {transform_indices = #map1}, {transform_indices = #map1}, {transform_indices = #map}, {transform_indices = #map}]} {
    %mul3A = arith.constant 2 : i32
    %mul3A_0 = arith.muli %arg1, %mul3A : i32
    %add3A = arith.addi %mul3A_0, %arg0 : i32
    %mul3A_1 = arith.constant 10000 : i32
    %mul3A_2 = arith.muli %add3A, %mul3A_1 : i32
    "tpu.region"() ({
      %run_scoped3A = tpu.sem_alloc : memref<!tpu.dma_semaphore, #tpu.memory_space<semaphore_mem>>
      %dma_start3A_83 = tpu.memref_slice %arg4[%mul3A_2] : memref<320000xi32, #tpu.memory_space<hbm>> -> memref<10000xi32, #tpu.memory_space<hbm>>
      %dma_start3A_84 = tpu.memref_slice %arg4[%mul3A_2] : memref<320000xi32, #tpu.memory_space<hbm>> -> memref<10000xi32, #tpu.memory_space<hbm>>
      tpu.enqueue_dma source(%dma_start3A_84 : memref<10000xi32, #tpu.memory_space<hbm>>) target(%arg8 : memref<10000xi32, #tpu.memory_space<vmem>>) target_semaphore(%run_scoped3A : memref<!tpu.dma_semaphore, #tpu.memory_space<semaphore_mem>>)
      %dma_wait3A_85 = tpu.memref_slice %arg4[%mul3A_2] : memref<320000xi32, #tpu.memory_space<hbm>> -> memref<10000xi32, #tpu.memory_space<hbm>>
      %dma_wait3A_86 = tpu.memref_slice %arg4[%mul3A_2] : memref<320000xi32, #tpu.memory_space<hbm>> -> memref<10000xi32, #tpu.memory_space<hbm>>
      tpu.wait_dma2 semaphore(%run_scoped3A : memref<!tpu.dma_semaphore, #tpu.memory_space<semaphore_mem>>) src(%dma_wait3A_86 : memref<10000xi32, #tpu.memory_space<hbm>>) dst(%arg8 : memref<10000xi32, #tpu.memory_space<vmem>>)
      tpu.yield
    }) : () -> ()
    "tpu.region"() ({
      %run_scoped3A = tpu.sem_alloc : memref<!tpu.dma_semaphore, #tpu.memory_space<semaphore_mem>>
      %dma_start3A_83 = tpu.memref_slice %arg5[%mul3A_2] : memref<320000xi32, #tpu.memory_space<hbm>> -> memref<10000xi32, #tpu.memory_space<hbm>>
      %dma_start3A_84 = tpu.memref_slice %arg5[%mul3A_2] : memref<320000xi32, #tpu.memory_space<hbm>> -> memref<10000xi32, #tpu.memory_space<hbm>>
      tpu.enqueue_dma source(%dma_start3A_84 : memref<10000xi32, #tpu.memory_space<hbm>>) target(%arg9 : memref<10000xi32, #tpu.memory_space<vmem>>) target_semaphore(%run_scoped3A : memref<!tpu.dma_semaphore, #tpu.memory_space<semaphore_mem>>)
      %dma_wait3A_85 = tpu.memref_slice %arg5[%mul3A_2] : memref<320000xi32, #tpu.memory_space<hbm>> -> memref<10000xi32, #tpu.memory_space<hbm>>
      %dma_wait3A_86 = tpu.memref_slice %arg5[%mul3A_2] : memref<320000xi32, #tpu.memory_space<hbm>> -> memref<10000xi32, #tpu.memory_space<hbm>>
      tpu.wait_dma2 semaphore(%run_scoped3A : memref<!tpu.dma_semaphore, #tpu.memory_space<semaphore_mem>>) src(%dma_wait3A_86 : memref<10000xi32, #tpu.memory_space<hbm>>) dst(%arg9 : memref<10000xi32, #tpu.memory_space<vmem>>)
      tpu.yield
    }) : () -> ()
    %dma_start3A = arith.constant 0 : i32
    %dma_start3A_3 = tpu.memref_slice %arg8[%dma_start3A] : memref<10000xi32, #tpu.memory_space<vmem>> -> memref<80xi32, #tpu.memory_space<vmem>>
    %dma_start3A_4 = arith.constant 0 : i32
    %dma_start3A_5 = arith.constant 0 : i32
    %dma_start3A_6 = tpu.memref_slice %arg2[%dma_start3A_4, %dma_start3A_5] : memref<10000x128xi32, #tpu.memory_space<hbm>> -> memref<10000x128xi32, #tpu.memory_space<hbm>>
    tpu.enqueue_indirect_dma source(%dma_start3A_6 : memref<10000x128xi32, #tpu.memory_space<hbm>>) target(%arg10 : memref<80x128xi32, #tpu.memory_space<vmem>>) offsets(%dma_start3A_3 : memref<80xi32, #tpu.memory_space<vmem>>) semaphore(%arg18 : memref<!tpu.dma_semaphore, #tpu.memory_space<semaphore_mem>>)
    %dma_start3A_7 = arith.constant 0 : i32
    %dma_start3A_8 = tpu.memref_slice %arg9[%dma_start3A_7] : memref<10000xi32, #tpu.memory_space<vmem>> -> memref<80xi32, #tpu.memory_space<vmem>>
    %dma_start3A_9 = arith.constant 0 : i32
    %dma_start3A_10 = arith.constant 0 : i32
    %dma_start3A_11 = tpu.memref_slice %arg3[%dma_start3A_9, %dma_start3A_10] : memref<10000x128xi32, #tpu.memory_space<hbm>> -> memref<10000x128xi32, #tpu.memory_space<hbm>>
    tpu.enqueue_indirect_dma source(%dma_start3A_11 : memref<10000x128xi32, #tpu.memory_space<hbm>>) target(%arg14 : memref<80x128xi32, #tpu.memory_space<vmem>>) offsets(%dma_start3A_8 : memref<80xi32, #tpu.memory_space<vmem>>) semaphore(%arg22 : memref<!tpu.dma_semaphore, #tpu.memory_space<semaphore_mem>>)
    %dma_start3A_12 = arith.constant 80 : i32
    %dma_start3A_13 = tpu.memref_slice %arg8[%dma_start3A_12] : memref<10000xi32, #tpu.memory_space<vmem>> -> memref<80xi32, #tpu.memory_space<vmem>>
    %dma_start3A_14 = arith.constant 0 : i32
    %dma_start3A_15 = arith.constant 0 : i32
    %dma_start3A_16 = tpu.memref_slice %arg2[%dma_start3A_14, %dma_start3A_15] : memref<10000x128xi32, #tpu.memory_space<hbm>> -> memref<10000x128xi32, #tpu.memory_space<hbm>>
    tpu.enqueue_indirect_dma source(%dma_start3A_16 : memref<10000x128xi32, #tpu.memory_space<hbm>>) target(%arg11 : memref<80x128xi32, #tpu.memory_space<vmem>>) offsets(%dma_start3A_13 : memref<80xi32, #tpu.memory_space<vmem>>) semaphore(%arg19 : memref<!tpu.dma_semaphore, #tpu.memory_space<semaphore_mem>>)
    %dma_start3A_17 = arith.constant 80 : i32
    %dma_start3A_18 = tpu.memref_slice %arg9[%dma_start3A_17] : memref<10000xi32, #tpu.memory_space<vmem>> -> memref<80xi32, #tpu.memory_space<vmem>>
    %dma_start3A_19 = arith.constant 0 : i32
    %dma_start3A_20 = arith.constant 0 : i32
    %dma_start3A_21 = tpu.memref_slice %arg3[%dma_start3A_19, %dma_start3A_20] : memref<10000x128xi32, #tpu.memory_space<hbm>> -> memref<10000x128xi32, #tpu.memory_space<hbm>>
    tpu.enqueue_indirect_dma source(%dma_start3A_21 : memref<10000x128xi32, #tpu.memory_space<hbm>>) target(%arg15 : memref<80x128xi32, #tpu.memory_space<vmem>>) offsets(%dma_start3A_18 : memref<80xi32, #tpu.memory_space<vmem>>) semaphore(%arg23 : memref<!tpu.dma_semaphore, #tpu.memory_space<semaphore_mem>>)
    %scan3A = arith.constant 0 : i32
    %scan3A_22 = arith.constant 31 : i32
    %scan3A_23 = arith.addi %scan3A, %scan3A_22 : i32
    %scan3A_24 = arith.constant 1 : i32
    scf.for %scan3A_83 = %scan3A to %scan3A_23 step %scan3A_24  : i32 {
      %mul3A_84 = arith.constant 1 : i32
      %mul3A_85 = arith.muli %scan3A_83, %mul3A_84 : i32
      %add3A_86 = arith.constant 0 : i32
      %add3A_87 = arith.addi %add3A_86, %mul3A_85 : i32
      %mul3A_88 = arith.constant 4 : i32
      %mul3A_89 = arith.muli %add3A_87, %mul3A_88 : i32
      %add3A_90 = arith.constant 0 : i32
      %add3A_91 = arith.addi %mul3A_89, %add3A_90 : i32
      %gt3A = arith.constant 0 : i32
      %gt3A_92 = arith.cmpi sgt, %add3A_87, %gt3A : i32
      %convert_element_type3A = arith.extui %gt3A_92 : i1 to i32
      %cond3A = arith.constant 0 : i32
      %cond3A_93 = arith.cmpi ne, %convert_element_type3A, %cond3A : i32
      scf.if %cond3A_93 {
        %dma_wait3A_273 = arith.constant 0 : i32
        %dma_wait3A_274 = arith.constant 0 : i32
        %dma_wait3A_275 = tpu.memref_slice %arg6[%dma_wait3A_273, %dma_wait3A_274] : memref<320000x128xi32, #tpu.memory_space<hbm>> -> memref<80x128xi32, #tpu.memory_space<hbm>>
        %dma_wait3A_276 = arith.constant 0 : i32
        %dma_wait3A_277 = arith.constant 0 : i32
        %dma_wait3A_278 = tpu.memref_slice %arg6[%dma_wait3A_276, %dma_wait3A_277] : memref<320000x128xi32, #tpu.memory_space<hbm>> -> memref<80x128xi32, #tpu.memory_space<hbm>>
        tpu.wait_dma2 semaphore(%arg28 : memref<!tpu.dma_semaphore, #tpu.memory_space<semaphore_mem>>) src(%arg12 : memref<80x128xi32, #tpu.memory_space<vmem>>) dst(%dma_wait3A_278 : memref<80x128xi32, #tpu.memory_space<hbm>>)
        %dma_wait3A_279 = arith.constant 0 : i32
        %dma_wait3A_280 = arith.constant 0 : i32
        %dma_wait3A_281 = tpu.memref_slice %arg7[%dma_wait3A_279, %dma_wait3A_280] : memref<320000x128xi32, #tpu.memory_space<hbm>> -> memref<80x128xi32, #tpu.memory_space<hbm>>
        %dma_wait3A_282 = arith.constant 0 : i32
        %dma_wait3A_283 = arith.constant 0 : i32
        %dma_wait3A_284 = tpu.memref_slice %arg7[%dma_wait3A_282, %dma_wait3A_283] : memref<320000x128xi32, #tpu.memory_space<hbm>> -> memref<80x128xi32, #tpu.memory_space<hbm>>
        tpu.wait_dma2 semaphore(%arg32 : memref<!tpu.dma_semaphore, #tpu.memory_space<semaphore_mem>>) src(%arg16 : memref<80x128xi32, #tpu.memory_space<vmem>>) dst(%dma_wait3A_284 : memref<80x128xi32, #tpu.memory_space<hbm>>)
      } else {
      }
      %add3A_94 = arith.constant 2 : i32
      %add3A_95 = arith.addi %add3A_91, %add3A_94 : i32
      %mul3A_96 = arith.constant 80 : i32
      %mul3A_97 = arith.muli %add3A_95, %mul3A_96 : i32
      %dma_start3A_98 = tpu.memref_slice %arg8[%mul3A_97] : memref<10000xi32, #tpu.memory_space<vmem>> -> memref<80xi32, #tpu.memory_space<vmem>>
      %dma_start3A_99 = arith.constant 0 : i32
      %dma_start3A_100 = arith.constant 0 : i32
      %dma_start3A_101 = tpu.memref_slice %arg2[%dma_start3A_99, %dma_start3A_100] : memref<10000x128xi32, #tpu.memory_space<hbm>> -> memref<10000x128xi32, #tpu.memory_space<hbm>>
      tpu.enqueue_indirect_dma source(%dma_start3A_101 : memref<10000x128xi32, #tpu.memory_space<hbm>>) target(%arg12 : memref<80x128xi32, #tpu.memory_space<vmem>>) offsets(%dma_start3A_98 : memref<80xi32, #tpu.memory_space<vmem>>) semaphore(%arg20 : memref<!tpu.dma_semaphore, #tpu.memory_space<semaphore_mem>>)
      %mul3A_102 = arith.constant 80 : i32
      %mul3A_103 = arith.muli %add3A_95, %mul3A_102 : i32
      %dma_start3A_104 = tpu.memref_slice %arg9[%mul3A_103] : memref<10000xi32, #tpu.memory_space<vmem>> -> memref<80xi32, #tpu.memory_space<vmem>>
      %dma_start3A_105 = arith.constant 0 : i32
      %dma_start3A_106 = arith.constant 0 : i32
      %dma_start3A_107 = tpu.memref_slice %arg3[%dma_start3A_105, %dma_start3A_106] : memref<10000x128xi32, #tpu.memory_space<hbm>> -> memref<10000x128xi32, #tpu.memory_space<hbm>>
      tpu.enqueue_indirect_dma source(%dma_start3A_107 : memref<10000x128xi32, #tpu.memory_space<hbm>>) target(%arg16 : memref<80x128xi32, #tpu.memory_space<vmem>>) offsets(%dma_start3A_104 : memref<80xi32, #tpu.memory_space<vmem>>) semaphore(%arg24 : memref<!tpu.dma_semaphore, #tpu.memory_space<semaphore_mem>>)
      %dma_wait3A_108 = arith.constant 0 : i32
      %dma_wait3A_109 = arith.constant 0 : i32
      %dma_wait3A_110 = tpu.memref_slice %arg2[%dma_wait3A_108, %dma_wait3A_109] : memref<10000x128xi32, #tpu.memory_space<hbm>> -> memref<80x128xi32, #tpu.memory_space<hbm>>
      %dma_wait3A_111 = arith.constant 0 : i32
      %dma_wait3A_112 = arith.constant 0 : i32
      %dma_wait3A_113 = tpu.memref_slice %arg2[%dma_wait3A_111, %dma_wait3A_112] : memref<10000x128xi32, #tpu.memory_space<hbm>> -> memref<80x128xi32, #tpu.memory_space<hbm>>
      tpu.wait_dma2 semaphore(%arg18 : memref<!tpu.dma_semaphore, #tpu.memory_space<semaphore_mem>>) src(%dma_wait3A_113 : memref<80x128xi32, #tpu.memory_space<hbm>>) dst(%arg10 : memref<80x128xi32, #tpu.memory_space<vmem>>)
      %dma_wait3A_114 = arith.constant 0 : i32
      %dma_wait3A_115 = arith.constant 0 : i32
      %dma_wait3A_116 = tpu.memref_slice %arg3[%dma_wait3A_114, %dma_wait3A_115] : memref<10000x128xi32, #tpu.memory_space<hbm>> -> memref<80x128xi32, #tpu.memory_space<hbm>>
      %dma_wait3A_117 = arith.constant 0 : i32
      %dma_wait3A_118 = arith.constant 0 : i32
      %dma_wait3A_119 = tpu.memref_slice %arg3[%dma_wait3A_117, %dma_wait3A_118] : memref<10000x128xi32, #tpu.memory_space<hbm>> -> memref<80x128xi32, #tpu.memory_space<hbm>>
      tpu.wait_dma2 semaphore(%arg22 : memref<!tpu.dma_semaphore, #tpu.memory_space<semaphore_mem>>) src(%dma_wait3A_119 : memref<80x128xi32, #tpu.memory_space<hbm>>) dst(%arg14 : memref<80x128xi32, #tpu.memory_space<vmem>>)
      %mul3A_120 = arith.constant 80 : i32
      %mul3A_121 = arith.muli %add3A_91, %mul3A_120 : i32
      %add3A_122 = arith.addi %mul3A_2, %mul3A_121 : i32
      %dma_start3A_123 = arith.constant 0 : i32
      %dma_start3A_124 = tpu.memref_slice %arg6[%add3A_122, %dma_start3A_123] : memref<320000x128xi32, #tpu.memory_space<hbm>> -> memref<80x128xi32, #tpu.memory_space<hbm>>
      %dma_start3A_125 = arith.constant 0 : i32
      %dma_start3A_126 = tpu.memref_slice %arg6[%add3A_122, %dma_start3A_125] : memref<320000x128xi32, #tpu.memory_space<hbm>> -> memref<80x128xi32, #tpu.memory_space<hbm>>
      tpu.enqueue_dma source(%arg10 : memref<80x128xi32, #tpu.memory_space<vmem>>) target(%dma_start3A_126 : memref<80x128xi32, #tpu.memory_space<hbm>>) target_semaphore(%arg26 : memref<!tpu.dma_semaphore, #tpu.memory_space<semaphore_mem>>)
      %dma_start3A_127 = arith.constant 0 : i32
      %dma_start3A_128 = tpu.memref_slice %arg7[%add3A_122, %dma_start3A_127] : memref<320000x128xi32, #tpu.memory_space<hbm>> -> memref<80x128xi32, #tpu.memory_space<hbm>>
      %dma_start3A_129 = arith.constant 0 : i32
      %dma_start3A_130 = tpu.memref_slice %arg7[%add3A_122, %dma_start3A_129] : memref<320000x128xi32, #tpu.memory_space<hbm>> -> memref<80x128xi32, #tpu.memory_space<hbm>>
      tpu.enqueue_dma source(%arg14 : memref<80x128xi32, #tpu.memory_space<vmem>>) target(%dma_start3A_130 : memref<80x128xi32, #tpu.memory_space<hbm>>) target_semaphore(%arg30 : memref<!tpu.dma_semaphore, #tpu.memory_space<semaphore_mem>>)
      %mul3A_131 = arith.constant 4 : i32
      %mul3A_132 = arith.muli %add3A_87, %mul3A_131 : i32
      %add3A_133 = arith.constant 1 : i32
      %add3A_134 = arith.addi %mul3A_132, %add3A_133 : i32
      %gt3A_135 = arith.constant 0 : i32
      %gt3A_136 = arith.cmpi sgt, %add3A_87, %gt3A_135 : i32
      %convert_element_type3A_137 = arith.extui %gt3A_136 : i1 to i32
      %cond3A_138 = arith.constant 0 : i32
      %cond3A_139 = arith.cmpi ne, %convert_element_type3A_137, %cond3A_138 : i32
      scf.if %cond3A_139 {
        %dma_wait3A_273 = arith.constant 0 : i32
        %dma_wait3A_274 = arith.constant 0 : i32
        %dma_wait3A_275 = tpu.memref_slice %arg6[%dma_wait3A_273, %dma_wait3A_274] : memref<320000x128xi32, #tpu.memory_space<hbm>> -> memref<80x128xi32, #tpu.memory_space<hbm>>
        %dma_wait3A_276 = arith.constant 0 : i32
        %dma_wait3A_277 = arith.constant 0 : i32
        %dma_wait3A_278 = tpu.memref_slice %arg6[%dma_wait3A_276, %dma_wait3A_277] : memref<320000x128xi32, #tpu.memory_space<hbm>> -> memref<80x128xi32, #tpu.memory_space<hbm>>
        tpu.wait_dma2 semaphore(%arg29 : memref<!tpu.dma_semaphore, #tpu.memory_space<semaphore_mem>>) src(%arg13 : memref<80x128xi32, #tpu.memory_space<vmem>>) dst(%dma_wait3A_278 : memref<80x128xi32, #tpu.memory_space<hbm>>)
        %dma_wait3A_279 = arith.constant 0 : i32
        %dma_wait3A_280 = arith.constant 0 : i32
        %dma_wait3A_281 = tpu.memref_slice %arg7[%dma_wait3A_279, %dma_wait3A_280] : memref<320000x128xi32, #tpu.memory_space<hbm>> -> memref<80x128xi32, #tpu.memory_space<hbm>>
        %dma_wait3A_282 = arith.constant 0 : i32
        %dma_wait3A_283 = arith.constant 0 : i32
        %dma_wait3A_284 = tpu.memref_slice %arg7[%dma_wait3A_282, %dma_wait3A_283] : memref<320000x128xi32, #tpu.memory_space<hbm>> -> memref<80x128xi32, #tpu.memory_space<hbm>>
        tpu.wait_dma2 semaphore(%arg33 : memref<!tpu.dma_semaphore, #tpu.memory_space<semaphore_mem>>) src(%arg17 : memref<80x128xi32, #tpu.memory_space<vmem>>) dst(%dma_wait3A_284 : memref<80x128xi32, #tpu.memory_space<hbm>>)
      } else {
      }
      %add3A_140 = arith.constant 2 : i32
      %add3A_141 = arith.addi %add3A_134, %add3A_140 : i32
      %mul3A_142 = arith.constant 80 : i32
      %mul3A_143 = arith.muli %add3A_141, %mul3A_142 : i32
      %dma_start3A_144 = tpu.memref_slice %arg8[%mul3A_143] : memref<10000xi32, #tpu.memory_space<vmem>> -> memref<80xi32, #tpu.memory_space<vmem>>
      %dma_start3A_145 = arith.constant 0 : i32
      %dma_start3A_146 = arith.constant 0 : i32
      %dma_start3A_147 = tpu.memref_slice %arg2[%dma_start3A_145, %dma_start3A_146] : memref<10000x128xi32, #tpu.memory_space<hbm>> -> memref<10000x128xi32, #tpu.memory_space<hbm>>
      tpu.enqueue_indirect_dma source(%dma_start3A_147 : memref<10000x128xi32, #tpu.memory_space<hbm>>) target(%arg13 : memref<80x128xi32, #tpu.memory_space<vmem>>) offsets(%dma_start3A_144 : memref<80xi32, #tpu.memory_space<vmem>>) semaphore(%arg21 : memref<!tpu.dma_semaphore, #tpu.memory_space<semaphore_mem>>)
      %mul3A_148 = arith.constant 80 : i32
      %mul3A_149 = arith.muli %add3A_141, %mul3A_148 : i32
      %dma_start3A_150 = tpu.memref_slice %arg9[%mul3A_149] : memref<10000xi32, #tpu.memory_space<vmem>> -> memref<80xi32, #tpu.memory_space<vmem>>
      %dma_start3A_151 = arith.constant 0 : i32
      %dma_start3A_152 = arith.constant 0 : i32
      %dma_start3A_153 = tpu.memref_slice %arg3[%dma_start3A_151, %dma_start3A_152] : memref<10000x128xi32, #tpu.memory_space<hbm>> -> memref<10000x128xi32, #tpu.memory_space<hbm>>
      tpu.enqueue_indirect_dma source(%dma_start3A_153 : memref<10000x128xi32, #tpu.memory_space<hbm>>) target(%arg17 : memref<80x128xi32, #tpu.memory_space<vmem>>) offsets(%dma_start3A_150 : memref<80xi32, #tpu.memory_space<vmem>>) semaphore(%arg25 : memref<!tpu.dma_semaphore, #tpu.memory_space<semaphore_mem>>)
      %dma_wait3A_154 = arith.constant 0 : i32
      %dma_wait3A_155 = arith.constant 0 : i32
      %dma_wait3A_156 = tpu.memref_slice %arg2[%dma_wait3A_154, %dma_wait3A_155] : memref<10000x128xi32, #tpu.memory_space<hbm>> -> memref<80x128xi32, #tpu.memory_space<hbm>>
      %dma_wait3A_157 = arith.constant 0 : i32
      %dma_wait3A_158 = arith.constant 0 : i32
      %dma_wait3A_159 = tpu.memref_slice %arg2[%dma_wait3A_157, %dma_wait3A_158] : memref<10000x128xi32, #tpu.memory_space<hbm>> -> memref<80x128xi32, #tpu.memory_space<hbm>>
      tpu.wait_dma2 semaphore(%arg19 : memref<!tpu.dma_semaphore, #tpu.memory_space<semaphore_mem>>) src(%dma_wait3A_159 : memref<80x128xi32, #tpu.memory_space<hbm>>) dst(%arg11 : memref<80x128xi32, #tpu.memory_space<vmem>>)
      %dma_wait3A_160 = arith.constant 0 : i32
      %dma_wait3A_161 = arith.constant 0 : i32
      %dma_wait3A_162 = tpu.memref_slice %arg3[%dma_wait3A_160, %dma_wait3A_161] : memref<10000x128xi32, #tpu.memory_space<hbm>> -> memref<80x128xi32, #tpu.memory_space<hbm>>
      %dma_wait3A_163 = arith.constant 0 : i32
      %dma_wait3A_164 = arith.constant 0 : i32
      %dma_wait3A_165 = tpu.memref_slice %arg3[%dma_wait3A_163, %dma_wait3A_164] : memref<10000x128xi32, #tpu.memory_space<hbm>> -> memref<80x128xi32, #tpu.memory_space<hbm>>
      tpu.wait_dma2 semaphore(%arg23 : memref<!tpu.dma_semaphore, #tpu.memory_space<semaphore_mem>>) src(%dma_wait3A_165 : memref<80x128xi32, #tpu.memory_space<hbm>>) dst(%arg15 : memref<80x128xi32, #tpu.memory_space<vmem>>)
      %mul3A_166 = arith.constant 80 : i32
      %mul3A_167 = arith.muli %add3A_134, %mul3A_166 : i32
      %add3A_168 = arith.addi %mul3A_2, %mul3A_167 : i32
      %dma_start3A_169 = arith.constant 0 : i32
      %dma_start3A_170 = tpu.memref_slice %arg6[%add3A_168, %dma_start3A_169] : memref<320000x128xi32, #tpu.memory_space<hbm>> -> memref<80x128xi32, #tpu.memory_space<hbm>>
      %dma_start3A_171 = arith.constant 0 : i32
      %dma_start3A_172 = tpu.memref_slice %arg6[%add3A_168, %dma_start3A_171] : memref<320000x128xi32, #tpu.memory_space<hbm>> -> memref<80x128xi32, #tpu.memory_space<hbm>>
      tpu.enqueue_dma source(%arg11 : memref<80x128xi32, #tpu.memory_space<vmem>>) target(%dma_start3A_172 : memref<80x128xi32, #tpu.memory_space<hbm>>) target_semaphore(%arg27 : memref<!tpu.dma_semaphore, #tpu.memory_space<semaphore_mem>>)
      %dma_start3A_173 = arith.constant 0 : i32
      %dma_start3A_174 = tpu.memref_slice %arg7[%add3A_168, %dma_start3A_173] : memref<320000x128xi32, #tpu.memory_space<hbm>> -> memref<80x128xi32, #tpu.memory_space<hbm>>
      %dma_start3A_175 = arith.constant 0 : i32
      %dma_start3A_176 = tpu.memref_slice %arg7[%add3A_168, %dma_start3A_175] : memref<320000x128xi32, #tpu.memory_space<hbm>> -> memref<80x128xi32, #tpu.memory_space<hbm>>
      tpu.enqueue_dma source(%arg15 : memref<80x128xi32, #tpu.memory_space<vmem>>) target(%dma_start3A_176 : memref<80x128xi32, #tpu.memory_space<hbm>>) target_semaphore(%arg31 : memref<!tpu.dma_semaphore, #tpu.memory_space<semaphore_mem>>)
      %mul3A_177 = arith.constant 4 : i32
      %mul3A_178 = arith.muli %add3A_87, %mul3A_177 : i32
      %add3A_179 = arith.constant 2 : i32
      %add3A_180 = arith.addi %mul3A_178, %add3A_179 : i32
      %dma_wait3A_181 = arith.constant 0 : i32
      %dma_wait3A_182 = arith.constant 0 : i32
      %dma_wait3A_183 = tpu.memref_slice %arg6[%dma_wait3A_181, %dma_wait3A_182] : memref<320000x128xi32, #tpu.memory_space<hbm>> -> memref<80x128xi32, #tpu.memory_space<hbm>>
      %dma_wait3A_184 = arith.constant 0 : i32
      %dma_wait3A_185 = arith.constant 0 : i32
      %dma_wait3A_186 = tpu.memref_slice %arg6[%dma_wait3A_184, %dma_wait3A_185] : memref<320000x128xi32, #tpu.memory_space<hbm>> -> memref<80x128xi32, #tpu.memory_space<hbm>>
      tpu.wait_dma2 semaphore(%arg26 : memref<!tpu.dma_semaphore, #tpu.memory_space<semaphore_mem>>) src(%arg10 : memref<80x128xi32, #tpu.memory_space<vmem>>) dst(%dma_wait3A_186 : memref<80x128xi32, #tpu.memory_space<hbm>>)
      %dma_wait3A_187 = arith.constant 0 : i32
      %dma_wait3A_188 = arith.constant 0 : i32
      %dma_wait3A_189 = tpu.memref_slice %arg7[%dma_wait3A_187, %dma_wait3A_188] : memref<320000x128xi32, #tpu.memory_space<hbm>> -> memref<80x128xi32, #tpu.memory_space<hbm>>
      %dma_wait3A_190 = arith.constant 0 : i32
      %dma_wait3A_191 = arith.constant 0 : i32
      %dma_wait3A_192 = tpu.memref_slice %arg7[%dma_wait3A_190, %dma_wait3A_191] : memref<320000x128xi32, #tpu.memory_space<hbm>> -> memref<80x128xi32, #tpu.memory_space<hbm>>
      tpu.wait_dma2 semaphore(%arg30 : memref<!tpu.dma_semaphore, #tpu.memory_space<semaphore_mem>>) src(%arg14 : memref<80x128xi32, #tpu.memory_space<vmem>>) dst(%dma_wait3A_192 : memref<80x128xi32, #tpu.memory_space<hbm>>)
      %add3A_193 = arith.constant 2 : i32
      %add3A_194 = arith.addi %add3A_180, %add3A_193 : i32
      %mul3A_195 = arith.constant 80 : i32
      %mul3A_196 = arith.muli %add3A_194, %mul3A_195 : i32
      %dma_start3A_197 = tpu.memref_slice %arg8[%mul3A_196] : memref<10000xi32, #tpu.memory_space<vmem>> -> memref<80xi32, #tpu.memory_space<vmem>>
      %dma_start3A_198 = arith.constant 0 : i32
      %dma_start3A_199 = arith.constant 0 : i32
      %dma_start3A_200 = tpu.memref_slice %arg2[%dma_start3A_198, %dma_start3A_199] : memref<10000x128xi32, #tpu.memory_space<hbm>> -> memref<10000x128xi32, #tpu.memory_space<hbm>>
      tpu.enqueue_indirect_dma source(%dma_start3A_200 : memref<10000x128xi32, #tpu.memory_space<hbm>>) target(%arg10 : memref<80x128xi32, #tpu.memory_space<vmem>>) offsets(%dma_start3A_197 : memref<80xi32, #tpu.memory_space<vmem>>) semaphore(%arg18 : memref<!tpu.dma_semaphore, #tpu.memory_space<semaphore_mem>>)
      %mul3A_201 = arith.constant 80 : i32
      %mul3A_202 = arith.muli %add3A_194, %mul3A_201 : i32
      %dma_start3A_203 = tpu.memref_slice %arg9[%mul3A_202] : memref<10000xi32, #tpu.memory_space<vmem>> -> memref<80xi32, #tpu.memory_space<vmem>>
      %dma_start3A_204 = arith.constant 0 : i32
      %dma_start3A_205 = arith.constant 0 : i32
      %dma_start3A_206 = tpu.memref_slice %arg3[%dma_start3A_204, %dma_start3A_205] : memref<10000x128xi32, #tpu.memory_space<hbm>> -> memref<10000x128xi32, #tpu.memory_space<hbm>>
      tpu.enqueue_indirect_dma source(%dma_start3A_206 : memref<10000x128xi32, #tpu.memory_space<hbm>>) target(%arg14 : memref<80x128xi32, #tpu.memory_space<vmem>>) offsets(%dma_start3A_203 : memref<80xi32, #tpu.memory_space<vmem>>) semaphore(%arg22 : memref<!tpu.dma_semaphore, #tpu.memory_space<semaphore_mem>>)
      %dma_wait3A_207 = arith.constant 0 : i32
      %dma_wait3A_208 = arith.constant 0 : i32
      %dma_wait3A_209 = tpu.memref_slice %arg2[%dma_wait3A_207, %dma_wait3A_208] : memref<10000x128xi32, #tpu.memory_space<hbm>> -> memref<80x128xi32, #tpu.memory_space<hbm>>
      %dma_wait3A_210 = arith.constant 0 : i32
      %dma_wait3A_211 = arith.constant 0 : i32
      %dma_wait3A_212 = tpu.memref_slice %arg2[%dma_wait3A_210, %dma_wait3A_211] : memref<10000x128xi32, #tpu.memory_space<hbm>> -> memref<80x128xi32, #tpu.memory_space<hbm>>
      tpu.wait_dma2 semaphore(%arg20 : memref<!tpu.dma_semaphore, #tpu.memory_space<semaphore_mem>>) src(%dma_wait3A_212 : memref<80x128xi32, #tpu.memory_space<hbm>>) dst(%arg12 : memref<80x128xi32, #tpu.memory_space<vmem>>)
      %dma_wait3A_213 = arith.constant 0 : i32
      %dma_wait3A_214 = arith.constant 0 : i32
      %dma_wait3A_215 = tpu.memref_slice %arg3[%dma_wait3A_213, %dma_wait3A_214] : memref<10000x128xi32, #tpu.memory_space<hbm>> -> memref<80x128xi32, #tpu.memory_space<hbm>>
      %dma_wait3A_216 = arith.constant 0 : i32
      %dma_wait3A_217 = arith.constant 0 : i32
      %dma_wait3A_218 = tpu.memref_slice %arg3[%dma_wait3A_216, %dma_wait3A_217] : memref<10000x128xi32, #tpu.memory_space<hbm>> -> memref<80x128xi32, #tpu.memory_space<hbm>>
      tpu.wait_dma2 semaphore(%arg24 : memref<!tpu.dma_semaphore, #tpu.memory_space<semaphore_mem>>) src(%dma_wait3A_218 : memref<80x128xi32, #tpu.memory_space<hbm>>) dst(%arg16 : memref<80x128xi32, #tpu.memory_space<vmem>>)
      %mul3A_219 = arith.constant 80 : i32
      %mul3A_220 = arith.muli %add3A_180, %mul3A_219 : i32
      %add3A_221 = arith.addi %mul3A_2, %mul3A_220 : i32
      %dma_start3A_222 = arith.constant 0 : i32
      %dma_start3A_223 = tpu.memref_slice %arg6[%add3A_221, %dma_start3A_222] : memref<320000x128xi32, #tpu.memory_space<hbm>> -> memref<80x128xi32, #tpu.memory_space<hbm>>
      %dma_start3A_224 = arith.constant 0 : i32
      %dma_start3A_225 = tpu.memref_slice %arg6[%add3A_221, %dma_start3A_224] : memref<320000x128xi32, #tpu.memory_space<hbm>> -> memref<80x128xi32, #tpu.memory_space<hbm>>
      tpu.enqueue_dma source(%arg12 : memref<80x128xi32, #tpu.memory_space<vmem>>) target(%dma_start3A_225 : memref<80x128xi32, #tpu.memory_space<hbm>>) target_semaphore(%arg28 : memref<!tpu.dma_semaphore, #tpu.memory_space<semaphore_mem>>)
      %dma_start3A_226 = arith.constant 0 : i32
      %dma_start3A_227 = tpu.memref_slice %arg7[%add3A_221, %dma_start3A_226] : memref<320000x128xi32, #tpu.memory_space<hbm>> -> memref<80x128xi32, #tpu.memory_space<hbm>>
      %dma_start3A_228 = arith.constant 0 : i32
      %dma_start3A_229 = tpu.memref_slice %arg7[%add3A_221, %dma_start3A_228] : memref<320000x128xi32, #tpu.memory_space<hbm>> -> memref<80x128xi32, #tpu.memory_space<hbm>>
      tpu.enqueue_dma source(%arg16 : memref<80x128xi32, #tpu.memory_space<vmem>>) target(%dma_start3A_229 : memref<80x128xi32, #tpu.memory_space<hbm>>) target_semaphore(%arg32 : memref<!tpu.dma_semaphore, #tpu.memory_space<semaphore_mem>>)
      %mul3A_230 = arith.constant 4 : i32
      %mul3A_231 = arith.muli %add3A_87, %mul3A_230 : i32
      %add3A_232 = arith.constant 3 : i32
      %add3A_233 = arith.addi %mul3A_231, %add3A_232 : i32
      %dma_wait3A_234 = arith.constant 0 : i32
      %dma_wait3A_235 = arith.constant 0 : i32
      %dma_wait3A_236 = tpu.memref_slice %arg6[%dma_wait3A_234, %dma_wait3A_235] : memref<320000x128xi32, #tpu.memory_space<hbm>> -> memref<80x128xi32, #tpu.memory_space<hbm>>
      %dma_wait3A_237 = arith.constant 0 : i32
      %dma_wait3A_238 = arith.constant 0 : i32
      %dma_wait3A_239 = tpu.memref_slice %arg6[%dma_wait3A_237, %dma_wait3A_238] : memref<320000x128xi32, #tpu.memory_space<hbm>> -> memref<80x128xi32, #tpu.memory_space<hbm>>
      tpu.wait_dma2 semaphore(%arg27 : memref<!tpu.dma_semaphore, #tpu.memory_space<semaphore_mem>>) src(%arg11 : memref<80x128xi32, #tpu.memory_space<vmem>>) dst(%dma_wait3A_239 : memref<80x128xi32, #tpu.memory_space<hbm>>)
      %dma_wait3A_240 = arith.constant 0 : i32
      %dma_wait3A_241 = arith.constant 0 : i32
      %dma_wait3A_242 = tpu.memref_slice %arg7[%dma_wait3A_240, %dma_wait3A_241] : memref<320000x128xi32, #tpu.memory_space<hbm>> -> memref<80x128xi32, #tpu.memory_space<hbm>>
      %dma_wait3A_243 = arith.constant 0 : i32
      %dma_wait3A_244 = arith.constant 0 : i32
      %dma_wait3A_245 = tpu.memref_slice %arg7[%dma_wait3A_243, %dma_wait3A_244] : memref<320000x128xi32, #tpu.memory_space<hbm>> -> memref<80x128xi32, #tpu.memory_space<hbm>>
      tpu.wait_dma2 semaphore(%arg31 : memref<!tpu.dma_semaphore, #tpu.memory_space<semaphore_mem>>) src(%arg15 : memref<80x128xi32, #tpu.memory_space<vmem>>) dst(%dma_wait3A_245 : memref<80x128xi32, #tpu.memory_space<hbm>>)
      %lt3A = arith.constant 30 : i32
      %lt3A_246 = arith.cmpi slt, %add3A_87, %lt3A : i32
      %convert_element_type3A_247 = arith.extui %lt3A_246 : i1 to i32
      %cond3A_248 = arith.constant 0 : i32
      %cond3A_249 = arith.cmpi ne, %convert_element_type3A_247, %cond3A_248 : i32
      scf.if %cond3A_249 {
        %add3A_273 = arith.constant 2 : i32
        %add3A_274 = arith.addi %add3A_233, %add3A_273 : i32
        %mul3A_275 = arith.constant 80 : i32
        %mul3A_276 = arith.muli %add3A_274, %mul3A_275 : i32
        %dma_start3A_277 = tpu.memref_slice %arg8[%mul3A_276] : memref<10000xi32, #tpu.memory_space<vmem>> -> memref<80xi32, #tpu.memory_space<vmem>>
        %dma_start3A_278 = arith.constant 0 : i32
        %dma_start3A_279 = arith.constant 0 : i32
        %dma_start3A_280 = tpu.memref_slice %arg2[%dma_start3A_278, %dma_start3A_279] : memref<10000x128xi32, #tpu.memory_space<hbm>> -> memref<10000x128xi32, #tpu.memory_space<hbm>>
        tpu.enqueue_indirect_dma source(%dma_start3A_280 : memref<10000x128xi32, #tpu.memory_space<hbm>>) target(%arg11 : memref<80x128xi32, #tpu.memory_space<vmem>>) offsets(%dma_start3A_277 : memref<80xi32, #tpu.memory_space<vmem>>) semaphore(%arg19 : memref<!tpu.dma_semaphore, #tpu.memory_space<semaphore_mem>>)
        %mul3A_281 = arith.constant 80 : i32
        %mul3A_282 = arith.muli %add3A_274, %mul3A_281 : i32
        %dma_start3A_283 = tpu.memref_slice %arg9[%mul3A_282] : memref<10000xi32, #tpu.memory_space<vmem>> -> memref<80xi32, #tpu.memory_space<vmem>>
        %dma_start3A_284 = arith.constant 0 : i32
        %dma_start3A_285 = arith.constant 0 : i32
        %dma_start3A_286 = tpu.memref_slice %arg3[%dma_start3A_284, %dma_start3A_285] : memref<10000x128xi32, #tpu.memory_space<hbm>> -> memref<10000x128xi32, #tpu.memory_space<hbm>>
        tpu.enqueue_indirect_dma source(%dma_start3A_286 : memref<10000x128xi32, #tpu.memory_space<hbm>>) target(%arg15 : memref<80x128xi32, #tpu.memory_space<vmem>>) offsets(%dma_start3A_283 : memref<80xi32, #tpu.memory_space<vmem>>) semaphore(%arg23 : memref<!tpu.dma_semaphore, #tpu.memory_space<semaphore_mem>>)
      } else {
      }
      %dma_wait3A_250 = arith.constant 0 : i32
      %dma_wait3A_251 = arith.constant 0 : i32
      %dma_wait3A_252 = tpu.memref_slice %arg2[%dma_wait3A_250, %dma_wait3A_251] : memref<10000x128xi32, #tpu.memory_space<hbm>> -> memref<80x128xi32, #tpu.memory_space<hbm>>
      %dma_wait3A_253 = arith.constant 0 : i32
      %dma_wait3A_254 = arith.constant 0 : i32
      %dma_wait3A_255 = tpu.memref_slice %arg2[%dma_wait3A_253, %dma_wait3A_254] : memref<10000x128xi32, #tpu.memory_space<hbm>> -> memref<80x128xi32, #tpu.memory_space<hbm>>
      tpu.wait_dma2 semaphore(%arg21 : memref<!tpu.dma_semaphore, #tpu.memory_space<semaphore_mem>>) src(%dma_wait3A_255 : memref<80x128xi32, #tpu.memory_space<hbm>>) dst(%arg13 : memref<80x128xi32, #tpu.memory_space<vmem>>)
      %dma_wait3A_256 = arith.constant 0 : i32
      %dma_wait3A_257 = arith.constant 0 : i32
      %dma_wait3A_258 = tpu.memref_slice %arg3[%dma_wait3A_256, %dma_wait3A_257] : memref<10000x128xi32, #tpu.memory_space<hbm>> -> memref<80x128xi32, #tpu.memory_space<hbm>>
      %dma_wait3A_259 = arith.constant 0 : i32
      %dma_wait3A_260 = arith.constant 0 : i32
      %dma_wait3A_261 = tpu.memref_slice %arg3[%dma_wait3A_259, %dma_wait3A_260] : memref<10000x128xi32, #tpu.memory_space<hbm>> -> memref<80x128xi32, #tpu.memory_space<hbm>>
      tpu.wait_dma2 semaphore(%arg25 : memref<!tpu.dma_semaphore, #tpu.memory_space<semaphore_mem>>) src(%dma_wait3A_261 : memref<80x128xi32, #tpu.memory_space<hbm>>) dst(%arg17 : memref<80x128xi32, #tpu.memory_space<vmem>>)
      %mul3A_262 = arith.constant 80 : i32
      %mul3A_263 = arith.muli %add3A_233, %mul3A_262 : i32
      %add3A_264 = arith.addi %mul3A_2, %mul3A_263 : i32
      %dma_start3A_265 = arith.constant 0 : i32
      %dma_start3A_266 = tpu.memref_slice %arg6[%add3A_264, %dma_start3A_265] : memref<320000x128xi32, #tpu.memory_space<hbm>> -> memref<80x128xi32, #tpu.memory_space<hbm>>
      %dma_start3A_267 = arith.constant 0 : i32
      %dma_start3A_268 = tpu.memref_slice %arg6[%add3A_264, %dma_start3A_267] : memref<320000x128xi32, #tpu.memory_space<hbm>> -> memref<80x128xi32, #tpu.memory_space<hbm>>
      tpu.enqueue_dma source(%arg13 : memref<80x128xi32, #tpu.memory_space<vmem>>) target(%dma_start3A_268 : memref<80x128xi32, #tpu.memory_space<hbm>>) target_semaphore(%arg29 : memref<!tpu.dma_semaphore, #tpu.memory_space<semaphore_mem>>)
      %dma_start3A_269 = arith.constant 0 : i32
      %dma_start3A_270 = tpu.memref_slice %arg7[%add3A_264, %dma_start3A_269] : memref<320000x128xi32, #tpu.memory_space<hbm>> -> memref<80x128xi32, #tpu.memory_space<hbm>>
      %dma_start3A_271 = arith.constant 0 : i32
      %dma_start3A_272 = tpu.memref_slice %arg7[%add3A_264, %dma_start3A_271] : memref<320000x128xi32, #tpu.memory_space<hbm>> -> memref<80x128xi32, #tpu.memory_space<hbm>>
      tpu.enqueue_dma source(%arg17 : memref<80x128xi32, #tpu.memory_space<vmem>>) target(%dma_start3A_272 : memref<80x128xi32, #tpu.memory_space<hbm>>) target_semaphore(%arg33 : memref<!tpu.dma_semaphore, #tpu.memory_space<semaphore_mem>>)
    }
    %scan3A_25 = arith.constant 31 : i32
    %dma_wait3A = arith.constant 0 : i32
    %dma_wait3A_26 = arith.constant 0 : i32
    %dma_wait3A_27 = tpu.memref_slice %arg2[%dma_wait3A, %dma_wait3A_26] : memref<10000x128xi32, #tpu.memory_space<hbm>> -> memref<80x128xi32, #tpu.memory_space<hbm>>
    %dma_wait3A_28 = arith.constant 0 : i32
    %dma_wait3A_29 = arith.constant 0 : i32
    %dma_wait3A_30 = tpu.memref_slice %arg2[%dma_wait3A_28, %dma_wait3A_29] : memref<10000x128xi32, #tpu.memory_space<hbm>> -> memref<80x128xi32, #tpu.memory_space<hbm>>
    tpu.wait_dma2 semaphore(%arg18 : memref<!tpu.dma_semaphore, #tpu.memory_space<semaphore_mem>>) src(%dma_wait3A_30 : memref<80x128xi32, #tpu.memory_space<hbm>>) dst(%arg10 : memref<80x128xi32, #tpu.memory_space<vmem>>)
    %dma_wait3A_31 = arith.constant 0 : i32
    %dma_wait3A_32 = arith.constant 0 : i32
    %dma_wait3A_33 = tpu.memref_slice %arg3[%dma_wait3A_31, %dma_wait3A_32] : memref<10000x128xi32, #tpu.memory_space<hbm>> -> memref<80x128xi32, #tpu.memory_space<hbm>>
    %dma_wait3A_34 = arith.constant 0 : i32
    %dma_wait3A_35 = arith.constant 0 : i32
    %dma_wait3A_36 = tpu.memref_slice %arg3[%dma_wait3A_34, %dma_wait3A_35] : memref<10000x128xi32, #tpu.memory_space<hbm>> -> memref<80x128xi32, #tpu.memory_space<hbm>>
    tpu.wait_dma2 semaphore(%arg22 : memref<!tpu.dma_semaphore, #tpu.memory_space<semaphore_mem>>) src(%dma_wait3A_36 : memref<80x128xi32, #tpu.memory_space<hbm>>) dst(%arg14 : memref<80x128xi32, #tpu.memory_space<vmem>>)
    %add3A_37 = arith.constant 9920 : i32
    %add3A_38 = arith.addi %mul3A_2, %add3A_37 : i32
    %dma_start3A_39 = arith.constant 0 : i32
    %dma_start3A_40 = tpu.memref_slice %arg6[%add3A_38, %dma_start3A_39] : memref<320000x128xi32, #tpu.memory_space<hbm>> -> memref<80x128xi32, #tpu.memory_space<hbm>>
    %dma_start3A_41 = arith.constant 0 : i32
    %dma_start3A_42 = tpu.memref_slice %arg6[%add3A_38, %dma_start3A_41] : memref<320000x128xi32, #tpu.memory_space<hbm>> -> memref<80x128xi32, #tpu.memory_space<hbm>>
    tpu.enqueue_dma source(%arg10 : memref<80x128xi32, #tpu.memory_space<vmem>>) target(%dma_start3A_42 : memref<80x128xi32, #tpu.memory_space<hbm>>) target_semaphore(%arg26 : memref<!tpu.dma_semaphore, #tpu.memory_space<semaphore_mem>>)
    %dma_start3A_43 = arith.constant 0 : i32
    %dma_start3A_44 = tpu.memref_slice %arg7[%add3A_38, %dma_start3A_43] : memref<320000x128xi32, #tpu.memory_space<hbm>> -> memref<80x128xi32, #tpu.memory_space<hbm>>
    %dma_start3A_45 = arith.constant 0 : i32
    %dma_start3A_46 = tpu.memref_slice %arg7[%add3A_38, %dma_start3A_45] : memref<320000x128xi32, #tpu.memory_space<hbm>> -> memref<80x128xi32, #tpu.memory_space<hbm>>
    tpu.enqueue_dma source(%arg14 : memref<80x128xi32, #tpu.memory_space<vmem>>) target(%dma_start3A_46 : memref<80x128xi32, #tpu.memory_space<hbm>>) target_semaphore(%arg30 : memref<!tpu.dma_semaphore, #tpu.memory_space<semaphore_mem>>)
    %dma_wait3A_47 = arith.constant 0 : i32
    %dma_wait3A_48 = arith.constant 0 : i32
    %dma_wait3A_49 = tpu.memref_slice %arg6[%dma_wait3A_47, %dma_wait3A_48] : memref<320000x128xi32, #tpu.memory_space<hbm>> -> memref<80x128xi32, #tpu.memory_space<hbm>>
    %dma_wait3A_50 = arith.constant 0 : i32
    %dma_wait3A_51 = arith.constant 0 : i32
    %dma_wait3A_52 = tpu.memref_slice %arg6[%dma_wait3A_50, %dma_wait3A_51] : memref<320000x128xi32, #tpu.memory_space<hbm>> -> memref<80x128xi32, #tpu.memory_space<hbm>>
    tpu.wait_dma2 semaphore(%arg28 : memref<!tpu.dma_semaphore, #tpu.memory_space<semaphore_mem>>) src(%arg12 : memref<80x128xi32, #tpu.memory_space<vmem>>) dst(%dma_wait3A_52 : memref<80x128xi32, #tpu.memory_space<hbm>>)
    %dma_wait3A_53 = arith.constant 0 : i32
    %dma_wait3A_54 = arith.constant 0 : i32
    %dma_wait3A_55 = tpu.memref_slice %arg7[%dma_wait3A_53, %dma_wait3A_54] : memref<320000x128xi32, #tpu.memory_space<hbm>> -> memref<80x128xi32, #tpu.memory_space<hbm>>
    %dma_wait3A_56 = arith.constant 0 : i32
    %dma_wait3A_57 = arith.constant 0 : i32
    %dma_wait3A_58 = tpu.memref_slice %arg7[%dma_wait3A_56, %dma_wait3A_57] : memref<320000x128xi32, #tpu.memory_space<hbm>> -> memref<80x128xi32, #tpu.memory_space<hbm>>
    tpu.wait_dma2 semaphore(%arg32 : memref<!tpu.dma_semaphore, #tpu.memory_space<semaphore_mem>>) src(%arg16 : memref<80x128xi32, #tpu.memory_space<vmem>>) dst(%dma_wait3A_58 : memref<80x128xi32, #tpu.memory_space<hbm>>)
    %dma_wait3A_59 = arith.constant 0 : i32
    %dma_wait3A_60 = arith.constant 0 : i32
    %dma_wait3A_61 = tpu.memref_slice %arg6[%dma_wait3A_59, %dma_wait3A_60] : memref<320000x128xi32, #tpu.memory_space<hbm>> -> memref<80x128xi32, #tpu.memory_space<hbm>>
    %dma_wait3A_62 = arith.constant 0 : i32
    %dma_wait3A_63 = arith.constant 0 : i32
    %dma_wait3A_64 = tpu.memref_slice %arg6[%dma_wait3A_62, %dma_wait3A_63] : memref<320000x128xi32, #tpu.memory_space<hbm>> -> memref<80x128xi32, #tpu.memory_space<hbm>>
    tpu.wait_dma2 semaphore(%arg29 : memref<!tpu.dma_semaphore, #tpu.memory_space<semaphore_mem>>) src(%arg13 : memref<80x128xi32, #tpu.memory_space<vmem>>) dst(%dma_wait3A_64 : memref<80x128xi32, #tpu.memory_space<hbm>>)
    %dma_wait3A_65 = arith.constant 0 : i32
    %dma_wait3A_66 = arith.constant 0 : i32
    %dma_wait3A_67 = tpu.memref_slice %arg7[%dma_wait3A_65, %dma_wait3A_66] : memref<320000x128xi32, #tpu.memory_space<hbm>> -> memref<80x128xi32, #tpu.memory_space<hbm>>
    %dma_wait3A_68 = arith.constant 0 : i32
    %dma_wait3A_69 = arith.constant 0 : i32
    %dma_wait3A_70 = tpu.memref_slice %arg7[%dma_wait3A_68, %dma_wait3A_69] : memref<320000x128xi32, #tpu.memory_space<hbm>> -> memref<80x128xi32, #tpu.memory_space<hbm>>
    tpu.wait_dma2 semaphore(%arg33 : memref<!tpu.dma_semaphore, #tpu.memory_space<semaphore_mem>>) src(%arg17 : memref<80x128xi32, #tpu.memory_space<vmem>>) dst(%dma_wait3A_70 : memref<80x128xi32, #tpu.memory_space<hbm>>)
    %dma_wait3A_71 = arith.constant 0 : i32
    %dma_wait3A_72 = arith.constant 0 : i32
    %dma_wait3A_73 = tpu.memref_slice %arg6[%dma_wait3A_71, %dma_wait3A_72] : memref<320000x128xi32, #tpu.memory_space<hbm>> -> memref<80x128xi32, #tpu.memory_space<hbm>>
    %dma_wait3A_74 = arith.constant 0 : i32
    %dma_wait3A_75 = arith.constant 0 : i32
    %dma_wait3A_76 = tpu.memref_slice %arg6[%dma_wait3A_74, %dma_wait3A_75] : memref<320000x128xi32, #tpu.memory_space<hbm>> -> memref<80x128xi32, #tpu.memory_space<hbm>>
    tpu.wait_dma2 semaphore(%arg26 : memref<!tpu.dma_semaphore, #tpu.memory_space<semaphore_mem>>) src(%arg10 : memref<80x128xi32, #tpu.memory_space<vmem>>) dst(%dma_wait3A_76 : memref<80x128xi32, #tpu.memory_space<hbm>>)
    %dma_wait3A_77 = arith.constant 0 : i32
    %dma_wait3A_78 = arith.constant 0 : i32
    %dma_wait3A_79 = tpu.memref_slice %arg7[%dma_wait3A_77, %dma_wait3A_78] : memref<320000x128xi32, #tpu.memory_space<hbm>> -> memref<80x128xi32, #tpu.memory_space<hbm>>
    %dma_wait3A_80 = arith.constant 0 : i32
    %dma_wait3A_81 = arith.constant 0 : i32
    %dma_wait3A_82 = tpu.memref_slice %arg7[%dma_wait3A_80, %dma_wait3A_81] : memref<320000x128xi32, #tpu.memory_space<hbm>> -> memref<80x128xi32, #tpu.memory_space<hbm>>
    tpu.wait_dma2 semaphore(%arg30 : memref<!tpu.dma_semaphore, #tpu.memory_space<semaphore_mem>>) src(%arg14 : memref<80x128xi32, #tpu.memory_space<vmem>>) dst(%dma_wait3A_82 : memref<80x128xi32, #tpu.memory_space<hbm>>)
    return
  }
}

#map = affine_map<(d0, d1) -> (0, 0)>
#map1 = affine_map<(d0, d1) -> (0)>
module attributes {stable_mosaic.version = 14 : i64} {
  func.func @_sc_gather2(%arg0: i32, %arg1: i32, %arg2: memref<10000x128xi32, #tpu.memory_space<hbm>>, %arg3: memref<10000x128xi32, #tpu.memory_space<hbm>>, %arg4: memref<320000xi32, #tpu.memory_space<hbm>>, %arg5: memref<320000xi32, #tpu.memory_space<hbm>>, %arg6: memref<320000x128xi32, #tpu.memory_space<hbm>>, %arg7: memref<320000x128xi32, #tpu.memory_space<hbm>>, %arg8: memref<10000xi32, #tpu.memory_space<vmem>>, %arg9: memref<10000xi32, #tpu.memory_space<vmem>>, %arg10: memref<80x128xi32, #tpu.memory_space<vmem>>, %arg11: memref<80x128xi32, #tpu.memory_space<vmem>>, %arg12: memref<80x128xi32, #tpu.memory_space<vmem>>, %arg13: memref<80x128xi32, #tpu.memory_space<vmem>>, %arg14: memref<80x128xi32, #tpu.memory_space<vmem>>, %arg15: memref<80x128xi32, #tpu.memory_space<vmem>>, %arg16: memref<80x128xi32, #tpu.memory_space<vmem>>, %arg17: memref<80x128xi32, #tpu.memory_space<vmem>>, %arg18: memref<!tpu.dma_semaphore, #tpu.memory_space<semaphore_mem>>, %arg19: memref<!tpu.dma_semaphore, #tpu.memory_space<semaphore_mem>>, %arg20: memref<!tpu.dma_semaphore, #tpu.memory_space<semaphore_mem>>, %arg21: memref<!tpu.dma_semaphore, #tpu.memory_space<semaphore_mem>>, %arg22: memref<!tpu.dma_semaphore, #tpu.memory_space<semaphore_mem>>, %arg23: memref<!tpu.dma_semaphore, #tpu.memory_space<semaphore_mem>>, %arg24: memref<!tpu.dma_semaphore, #tpu.memory_space<semaphore_mem>>, %arg25: memref<!tpu.dma_semaphore, #tpu.memory_space<semaphore_mem>>, %arg26: memref<!tpu.dma_semaphore, #tpu.memory_space<semaphore_mem>>, %arg27: memref<!tpu.dma_semaphore, #tpu.memory_space<semaphore_mem>>, %arg28: memref<!tpu.dma_semaphore, #tpu.memory_space<semaphore_mem>>, %arg29: memref<!tpu.dma_semaphore, #tpu.memory_space<semaphore_mem>>, %arg30: memref<!tpu.dma_semaphore, #tpu.memory_space<semaphore_mem>>, %arg31: memref<!tpu.dma_semaphore, #tpu.memory_space<semaphore_mem>>, %arg32: memref<!tpu.dma_semaphore, #tpu.memory_space<semaphore_mem>>, %arg33: memref<!tpu.dma_semaphore, #tpu.memory_space<semaphore_mem>>) attributes {dimension_semantics = [#tpu.dimension_semantics<core_parallel>, #tpu.dimension_semantics<subcore_parallel>], iteration_bounds = array<i64: 2, 16>, scalar_prefetch = 0 : i64, scratch_operands = 26 : i64, tpu.core_type = #tpu.core_type<sc_vector_subcore>, window_params = [{transform_indices = #map}, {transform_indices = #map}, {transform_indices = #map1}, {transform_indices = #map1}, {transform_indices = #map}, {transform_indices = #map}]} {
    %mul3A = arith.constant 2 : i32
    %mul3A_0 = arith.muli %arg1, %mul3A : i32
    %add3A = arith.addi %mul3A_0, %arg0 : i32
    %mul3A_1 = arith.constant 10000 : i32
    %mul3A_2 = arith.muli %add3A, %mul3A_1 : i32
    "tpu.region"() ({
      %run_scoped3A = tpu.sem_alloc : memref<!tpu.dma_semaphore, #tpu.memory_space<semaphore_mem>>
      %dma_start3A_83 = tpu.memref_slice %arg4[%mul3A_2] : memref<320000xi32, #tpu.memory_space<hbm>> -> memref<10000xi32, #tpu.memory_space<hbm>>
      %dma_start3A_84 = tpu.memref_slice %arg4[%mul3A_2] : memref<320000xi32, #tpu.memory_space<hbm>> -> memref<10000xi32, #tpu.memory_space<hbm>>
      tpu.enqueue_dma source(%dma_start3A_84 : memref<10000xi32, #tpu.memory_space<hbm>>) target(%arg8 : memref<10000xi32, #tpu.memory_space<vmem>>) target_semaphore(%run_scoped3A : memref<!tpu.dma_semaphore, #tpu.memory_space<semaphore_mem>>)
      %dma_wait3A_85 = tpu.memref_slice %arg4[%mul3A_2] : memref<320000xi32, #tpu.memory_space<hbm>> -> memref<10000xi32, #tpu.memory_space<hbm>>
      %dma_wait3A_86 = tpu.memref_slice %arg4[%mul3A_2] : memref<320000xi32, #tpu.memory_space<hbm>> -> memref<10000xi32, #tpu.memory_space<hbm>>
      tpu.wait_dma2 semaphore(%run_scoped3A : memref<!tpu.dma_semaphore, #tpu.memory_space<semaphore_mem>>) src(%dma_wait3A_86 : memref<10000xi32, #tpu.memory_space<hbm>>) dst(%arg8 : memref<10000xi32, #tpu.memory_space<vmem>>)
      tpu.yield
    }) : () -> ()
    "tpu.region"() ({
      %run_scoped3A = tpu.sem_alloc : memref<!tpu.dma_semaphore, #tpu.memory_space<semaphore_mem>>
      %dma_start3A_83 = tpu.memref_slice %arg5[%mul3A_2] : memref<320000xi32, #tpu.memory_space<hbm>> -> memref<10000xi32, #tpu.memory_space<hbm>>
      %dma_start3A_84 = tpu.memref_slice %arg5[%mul3A_2] : memref<320000xi32, #tpu.memory_space<hbm>> -> memref<10000xi32, #tpu.memory_space<hbm>>
      tpu.enqueue_dma source(%dma_start3A_84 : memref<10000xi32, #tpu.memory_space<hbm>>) target(%arg9 : memref<10000xi32, #tpu.memory_space<vmem>>) target_semaphore(%run_scoped3A : memref<!tpu.dma_semaphore, #tpu.memory_space<semaphore_mem>>)
      %dma_wait3A_85 = tpu.memref_slice %arg5[%mul3A_2] : memref<320000xi32, #tpu.memory_space<hbm>> -> memref<10000xi32, #tpu.memory_space<hbm>>
      %dma_wait3A_86 = tpu.memref_slice %arg5[%mul3A_2] : memref<320000xi32, #tpu.memory_space<hbm>> -> memref<10000xi32, #tpu.memory_space<hbm>>
      tpu.wait_dma2 semaphore(%run_scoped3A : memref<!tpu.dma_semaphore, #tpu.memory_space<semaphore_mem>>) src(%dma_wait3A_86 : memref<10000xi32, #tpu.memory_space<hbm>>) dst(%arg9 : memref<10000xi32, #tpu.memory_space<vmem>>)
      tpu.yield
    }) : () -> ()
    %dma_start3A = arith.constant 0 : i32
    %dma_start3A_3 = tpu.memref_slice %arg8[%dma_start3A] : memref<10000xi32, #tpu.memory_space<vmem>> -> memref<80xi32, #tpu.memory_space<vmem>>
    %dma_start3A_4 = arith.constant 0 : i32
    %dma_start3A_5 = arith.constant 0 : i32
    %dma_start3A_6 = tpu.memref_slice %arg2[%dma_start3A_4, %dma_start3A_5] : memref<10000x128xi32, #tpu.memory_space<hbm>> -> memref<10000x128xi32, #tpu.memory_space<hbm>>
    tpu.enqueue_indirect_dma source(%dma_start3A_6 : memref<10000x128xi32, #tpu.memory_space<hbm>>) target(%arg10 : memref<80x128xi32, #tpu.memory_space<vmem>>) offsets(%dma_start3A_3 : memref<80xi32, #tpu.memory_space<vmem>>) semaphore(%arg18 : memref<!tpu.dma_semaphore, #tpu.memory_space<semaphore_mem>>)
    %dma_start3A_7 = arith.constant 0 : i32
    %dma_start3A_8 = tpu.memref_slice %arg9[%dma_start3A_7] : memref<10000xi32, #tpu.memory_space<vmem>> -> memref<80xi32, #tpu.memory_space<vmem>>
    %dma_start3A_9 = arith.constant 0 : i32
    %dma_start3A_10 = arith.constant 0 : i32
    %dma_start3A_11 = tpu.memref_slice %arg3[%dma_start3A_9, %dma_start3A_10] : memref<10000x128xi32, #tpu.memory_space<hbm>> -> memref<10000x128xi32, #tpu.memory_space<hbm>>
    tpu.enqueue_indirect_dma source(%dma_start3A_11 : memref<10000x128xi32, #tpu.memory_space<hbm>>) target(%arg14 : memref<80x128xi32, #tpu.memory_space<vmem>>) offsets(%dma_start3A_8 : memref<80xi32, #tpu.memory_space<vmem>>) semaphore(%arg22 : memref<!tpu.dma_semaphore, #tpu.memory_space<semaphore_mem>>)
    %dma_start3A_12 = arith.constant 80 : i32
    %dma_start3A_13 = tpu.memref_slice %arg8[%dma_start3A_12] : memref<10000xi32, #tpu.memory_space<vmem>> -> memref<80xi32, #tpu.memory_space<vmem>>
    %dma_start3A_14 = arith.constant 0 : i32
    %dma_start3A_15 = arith.constant 0 : i32
    %dma_start3A_16 = tpu.memref_slice %arg2[%dma_start3A_14, %dma_start3A_15] : memref<10000x128xi32, #tpu.memory_space<hbm>> -> memref<10000x128xi32, #tpu.memory_space<hbm>>
    tpu.enqueue_indirect_dma source(%dma_start3A_16 : memref<10000x128xi32, #tpu.memory_space<hbm>>) target(%arg11 : memref<80x128xi32, #tpu.memory_space<vmem>>) offsets(%dma_start3A_13 : memref<80xi32, #tpu.memory_space<vmem>>) semaphore(%arg19 : memref<!tpu.dma_semaphore, #tpu.memory_space<semaphore_mem>>)
    %dma_start3A_17 = arith.constant 80 : i32
    %dma_start3A_18 = tpu.memref_slice %arg9[%dma_start3A_17] : memref<10000xi32, #tpu.memory_space<vmem>> -> memref<80xi32, #tpu.memory_space<vmem>>
    %dma_start3A_19 = arith.constant 0 : i32
    %dma_start3A_20 = arith.constant 0 : i32
    %dma_start3A_21 = tpu.memref_slice %arg3[%dma_start3A_19, %dma_start3A_20] : memref<10000x128xi32, #tpu.memory_space<hbm>> -> memref<10000x128xi32, #tpu.memory_space<hbm>>
    tpu.enqueue_indirect_dma source(%dma_start3A_21 : memref<10000x128xi32, #tpu.memory_space<hbm>>) target(%arg15 : memref<80x128xi32, #tpu.memory_space<vmem>>) offsets(%dma_start3A_18 : memref<80xi32, #tpu.memory_space<vmem>>) semaphore(%arg23 : memref<!tpu.dma_semaphore, #tpu.memory_space<semaphore_mem>>)
    %scan3A = arith.constant 0 : i32
    %scan3A_22 = arith.constant 31 : i32
    %scan3A_23 = arith.addi %scan3A, %scan3A_22 : i32
    %scan3A_24 = arith.constant 1 : i32
    scf.for %scan3A_83 = %scan3A to %scan3A_23 step %scan3A_24  : i32 {
      %mul3A_84 = arith.constant 1 : i32
      %mul3A_85 = arith.muli %scan3A_83, %mul3A_84 : i32
      %add3A_86 = arith.constant 0 : i32
      %add3A_87 = arith.addi %add3A_86, %mul3A_85 : i32
      %mul3A_88 = arith.constant 4 : i32
      %mul3A_89 = arith.muli %add3A_87, %mul3A_88 : i32
      %add3A_90 = arith.constant 0 : i32
      %add3A_91 = arith.addi %mul3A_89, %add3A_90 : i32
      %gt3A = arith.constant 0 : i32
      %gt3A_92 = arith.cmpi sgt, %add3A_87, %gt3A : i32
      %convert_element_type3A = arith.extui %gt3A_92 : i1 to i32
      %cond3A = arith.constant 0 : i32
      %cond3A_93 = arith.cmpi ne, %convert_element_type3A, %cond3A : i32
      scf.if %cond3A_93 {
        %dma_wait3A_273 = arith.constant 0 : i32
        %dma_wait3A_274 = arith.constant 0 : i32
        %dma_wait3A_275 = tpu.memref_slice %arg6[%dma_wait3A_273, %dma_wait3A_274] : memref<320000x128xi32, #tpu.memory_space<hbm>> -> memref<80x128xi32, #tpu.memory_space<hbm>>
        %dma_wait3A_276 = arith.constant 0 : i32
        %dma_wait3A_277 = arith.constant 0 : i32
        %dma_wait3A_278 = tpu.memref_slice %arg6[%dma_wait3A_276, %dma_wait3A_277] : memref<320000x128xi32, #tpu.memory_space<hbm>> -> memref<80x128xi32, #tpu.memory_space<hbm>>
        tpu.wait_dma2 semaphore(%arg28 : memref<!tpu.dma_semaphore, #tpu.memory_space<semaphore_mem>>) src(%arg12 : memref<80x128xi32, #tpu.memory_space<vmem>>) dst(%dma_wait3A_278 : memref<80x128xi32, #tpu.memory_space<hbm>>)
        %dma_wait3A_279 = arith.constant 0 : i32
        %dma_wait3A_280 = arith.constant 0 : i32
        %dma_wait3A_281 = tpu.memref_slice %arg7[%dma_wait3A_279, %dma_wait3A_280] : memref<320000x128xi32, #tpu.memory_space<hbm>> -> memref<80x128xi32, #tpu.memory_space<hbm>>
        %dma_wait3A_282 = arith.constant 0 : i32
        %dma_wait3A_283 = arith.constant 0 : i32
        %dma_wait3A_284 = tpu.memref_slice %arg7[%dma_wait3A_282, %dma_wait3A_283] : memref<320000x128xi32, #tpu.memory_space<hbm>> -> memref<80x128xi32, #tpu.memory_space<hbm>>
        tpu.wait_dma2 semaphore(%arg32 : memref<!tpu.dma_semaphore, #tpu.memory_space<semaphore_mem>>) src(%arg16 : memref<80x128xi32, #tpu.memory_space<vmem>>) dst(%dma_wait3A_284 : memref<80x128xi32, #tpu.memory_space<hbm>>)
      } else {
      }
      %add3A_94 = arith.constant 2 : i32
      %add3A_95 = arith.addi %add3A_91, %add3A_94 : i32
      %mul3A_96 = arith.constant 80 : i32
      %mul3A_97 = arith.muli %add3A_95, %mul3A_96 : i32
      %dma_start3A_98 = tpu.memref_slice %arg8[%mul3A_97] : memref<10000xi32, #tpu.memory_space<vmem>> -> memref<80xi32, #tpu.memory_space<vmem>>
      %dma_start3A_99 = arith.constant 0 : i32
      %dma_start3A_100 = arith.constant 0 : i32
      %dma_start3A_101 = tpu.memref_slice %arg2[%dma_start3A_99, %dma_start3A_100] : memref<10000x128xi32, #tpu.memory_space<hbm>> -> memref<10000x128xi32, #tpu.memory_space<hbm>>
      tpu.enqueue_indirect_dma source(%dma_start3A_101 : memref<10000x128xi32, #tpu.memory_space<hbm>>) target(%arg12 : memref<80x128xi32, #tpu.memory_space<vmem>>) offsets(%dma_start3A_98 : memref<80xi32, #tpu.memory_space<vmem>>) semaphore(%arg20 : memref<!tpu.dma_semaphore, #tpu.memory_space<semaphore_mem>>)
      %mul3A_102 = arith.constant 80 : i32
      %mul3A_103 = arith.muli %add3A_95, %mul3A_102 : i32
      %dma_start3A_104 = tpu.memref_slice %arg9[%mul3A_103] : memref<10000xi32, #tpu.memory_space<vmem>> -> memref<80xi32, #tpu.memory_space<vmem>>
      %dma_start3A_105 = arith.constant 0 : i32
      %dma_start3A_106 = arith.constant 0 : i32
      %dma_start3A_107 = tpu.memref_slice %arg3[%dma_start3A_105, %dma_start3A_106] : memref<10000x128xi32, #tpu.memory_space<hbm>> -> memref<10000x128xi32, #tpu.memory_space<hbm>>
      tpu.enqueue_indirect_dma source(%dma_start3A_107 : memref<10000x128xi32, #tpu.memory_space<hbm>>) target(%arg16 : memref<80x128xi32, #tpu.memory_space<vmem>>) offsets(%dma_start3A_104 : memref<80xi32, #tpu.memory_space<vmem>>) semaphore(%arg24 : memref<!tpu.dma_semaphore, #tpu.memory_space<semaphore_mem>>)
      %dma_wait3A_108 = arith.constant 0 : i32
      %dma_wait3A_109 = arith.constant 0 : i32
      %dma_wait3A_110 = tpu.memref_slice %arg2[%dma_wait3A_108, %dma_wait3A_109] : memref<10000x128xi32, #tpu.memory_space<hbm>> -> memref<80x128xi32, #tpu.memory_space<hbm>>
      %dma_wait3A_111 = arith.constant 0 : i32
      %dma_wait3A_112 = arith.constant 0 : i32
      %dma_wait3A_113 = tpu.memref_slice %arg2[%dma_wait3A_111, %dma_wait3A_112] : memref<10000x128xi32, #tpu.memory_space<hbm>> -> memref<80x128xi32, #tpu.memory_space<hbm>>
      tpu.wait_dma2 semaphore(%arg18 : memref<!tpu.dma_semaphore, #tpu.memory_space<semaphore_mem>>) src(%dma_wait3A_113 : memref<80x128xi32, #tpu.memory_space<hbm>>) dst(%arg10 : memref<80x128xi32, #tpu.memory_space<vmem>>)
      %dma_wait3A_114 = arith.constant 0 : i32
      %dma_wait3A_115 = arith.constant 0 : i32
      %dma_wait3A_116 = tpu.memref_slice %arg3[%dma_wait3A_114, %dma_wait3A_115] : memref<10000x128xi32, #tpu.memory_space<hbm>> -> memref<80x128xi32, #tpu.memory_space<hbm>>
      %dma_wait3A_117 = arith.constant 0 : i32
      %dma_wait3A_118 = arith.constant 0 : i32
      %dma_wait3A_119 = tpu.memref_slice %arg3[%dma_wait3A_117, %dma_wait3A_118] : memref<10000x128xi32, #tpu.memory_space<hbm>> -> memref<80x128xi32, #tpu.memory_space<hbm>>
      tpu.wait_dma2 semaphore(%arg22 : memref<!tpu.dma_semaphore, #tpu.memory_space<semaphore_mem>>) src(%dma_wait3A_119 : memref<80x128xi32, #tpu.memory_space<hbm>>) dst(%arg14 : memref<80x128xi32, #tpu.memory_space<vmem>>)
      %mul3A_120 = arith.constant 80 : i32
      %mul3A_121 = arith.muli %add3A_91, %mul3A_120 : i32
      %add3A_122 = arith.addi %mul3A_2, %mul3A_121 : i32
      %dma_start3A_123 = arith.constant 0 : i32
      %dma_start3A_124 = tpu.memref_slice %arg6[%add3A_122, %dma_start3A_123] : memref<320000x128xi32, #tpu.memory_space<hbm>> -> memref<80x128xi32, #tpu.memory_space<hbm>>
      %dma_start3A_125 = arith.constant 0 : i32
      %dma_start3A_126 = tpu.memref_slice %arg6[%add3A_122, %dma_start3A_125] : memref<320000x128xi32, #tpu.memory_space<hbm>> -> memref<80x128xi32, #tpu.memory_space<hbm>>
      tpu.enqueue_dma source(%arg10 : memref<80x128xi32, #tpu.memory_space<vmem>>) target(%dma_start3A_126 : memref<80x128xi32, #tpu.memory_space<hbm>>) target_semaphore(%arg26 : memref<!tpu.dma_semaphore, #tpu.memory_space<semaphore_mem>>)
      %dma_start3A_127 = arith.constant 0 : i32
      %dma_start3A_128 = tpu.memref_slice %arg7[%add3A_122, %dma_start3A_127] : memref<320000x128xi32, #tpu.memory_space<hbm>> -> memref<80x128xi32, #tpu.memory_space<hbm>>
      %dma_start3A_129 = arith.constant 0 : i32
      %dma_start3A_130 = tpu.memref_slice %arg7[%add3A_122, %dma_start3A_129] : memref<320000x128xi32, #tpu.memory_space<hbm>> -> memref<80x128xi32, #tpu.memory_space<hbm>>
      tpu.enqueue_dma source(%arg14 : memref<80x128xi32, #tpu.memory_space<vmem>>) target(%dma_start3A_130 : memref<80x128xi32, #tpu.memory_space<hbm>>) target_semaphore(%arg30 : memref<!tpu.dma_semaphore, #tpu.memory_space<semaphore_mem>>)
      %mul3A_131 = arith.constant 4 : i32
      %mul3A_132 = arith.muli %add3A_87, %mul3A_131 : i32
      %add3A_133 = arith.constant 1 : i32
      %add3A_134 = arith.addi %mul3A_132, %add3A_133 : i32
      %gt3A_135 = arith.constant 0 : i32
      %gt3A_136 = arith.cmpi sgt, %add3A_87, %gt3A_135 : i32
      %convert_element_type3A_137 = arith.extui %gt3A_136 : i1 to i32
      %cond3A_138 = arith.constant 0 : i32
      %cond3A_139 = arith.cmpi ne, %convert_element_type3A_137, %cond3A_138 : i32
      scf.if %cond3A_139 {
        %dma_wait3A_273 = arith.constant 0 : i32
        %dma_wait3A_274 = arith.constant 0 : i32
        %dma_wait3A_275 = tpu.memref_slice %arg6[%dma_wait3A_273, %dma_wait3A_274] : memref<320000x128xi32, #tpu.memory_space<hbm>> -> memref<80x128xi32, #tpu.memory_space<hbm>>
        %dma_wait3A_276 = arith.constant 0 : i32
        %dma_wait3A_277 = arith.constant 0 : i32
        %dma_wait3A_278 = tpu.memref_slice %arg6[%dma_wait3A_276, %dma_wait3A_277] : memref<320000x128xi32, #tpu.memory_space<hbm>> -> memref<80x128xi32, #tpu.memory_space<hbm>>
        tpu.wait_dma2 semaphore(%arg29 : memref<!tpu.dma_semaphore, #tpu.memory_space<semaphore_mem>>) src(%arg13 : memref<80x128xi32, #tpu.memory_space<vmem>>) dst(%dma_wait3A_278 : memref<80x128xi32, #tpu.memory_space<hbm>>)
        %dma_wait3A_279 = arith.constant 0 : i32
        %dma_wait3A_280 = arith.constant 0 : i32
        %dma_wait3A_281 = tpu.memref_slice %arg7[%dma_wait3A_279, %dma_wait3A_280] : memref<320000x128xi32, #tpu.memory_space<hbm>> -> memref<80x128xi32, #tpu.memory_space<hbm>>
        %dma_wait3A_282 = arith.constant 0 : i32
        %dma_wait3A_283 = arith.constant 0 : i32
        %dma_wait3A_284 = tpu.memref_slice %arg7[%dma_wait3A_282, %dma_wait3A_283] : memref<320000x128xi32, #tpu.memory_space<hbm>> -> memref<80x128xi32, #tpu.memory_space<hbm>>
        tpu.wait_dma2 semaphore(%arg33 : memref<!tpu.dma_semaphore, #tpu.memory_space<semaphore_mem>>) src(%arg17 : memref<80x128xi32, #tpu.memory_space<vmem>>) dst(%dma_wait3A_284 : memref<80x128xi32, #tpu.memory_space<hbm>>)
      } else {
      }
      %add3A_140 = arith.constant 2 : i32
      %add3A_141 = arith.addi %add3A_134, %add3A_140 : i32
      %mul3A_142 = arith.constant 80 : i32
      %mul3A_143 = arith.muli %add3A_141, %mul3A_142 : i32
      %dma_start3A_144 = tpu.memref_slice %arg8[%mul3A_143] : memref<10000xi32, #tpu.memory_space<vmem>> -> memref<80xi32, #tpu.memory_space<vmem>>
      %dma_start3A_145 = arith.constant 0 : i32
      %dma_start3A_146 = arith.constant 0 : i32
      %dma_start3A_147 = tpu.memref_slice %arg2[%dma_start3A_145, %dma_start3A_146] : memref<10000x128xi32, #tpu.memory_space<hbm>> -> memref<10000x128xi32, #tpu.memory_space<hbm>>
      tpu.enqueue_indirect_dma source(%dma_start3A_147 : memref<10000x128xi32, #tpu.memory_space<hbm>>) target(%arg13 : memref<80x128xi32, #tpu.memory_space<vmem>>) offsets(%dma_start3A_144 : memref<80xi32, #tpu.memory_space<vmem>>) semaphore(%arg21 : memref<!tpu.dma_semaphore, #tpu.memory_space<semaphore_mem>>)
      %mul3A_148 = arith.constant 80 : i32
      %mul3A_149 = arith.muli %add3A_141, %mul3A_148 : i32
      %dma_start3A_150 = tpu.memref_slice %arg9[%mul3A_149] : memref<10000xi32, #tpu.memory_space<vmem>> -> memref<80xi32, #tpu.memory_space<vmem>>
      %dma_start3A_151 = arith.constant 0 : i32
      %dma_start3A_152 = arith.constant 0 : i32
      %dma_start3A_153 = tpu.memref_slice %arg3[%dma_start3A_151, %dma_start3A_152] : memref<10000x128xi32, #tpu.memory_space<hbm>> -> memref<10000x128xi32, #tpu.memory_space<hbm>>
      tpu.enqueue_indirect_dma source(%dma_start3A_153 : memref<10000x128xi32, #tpu.memory_space<hbm>>) target(%arg17 : memref<80x128xi32, #tpu.memory_space<vmem>>) offsets(%dma_start3A_150 : memref<80xi32, #tpu.memory_space<vmem>>) semaphore(%arg25 : memref<!tpu.dma_semaphore, #tpu.memory_space<semaphore_mem>>)
      %dma_wait3A_154 = arith.constant 0 : i32
      %dma_wait3A_155 = arith.constant 0 : i32
      %dma_wait3A_156 = tpu.memref_slice %arg2[%dma_wait3A_154, %dma_wait3A_155] : memref<10000x128xi32, #tpu.memory_space<hbm>> -> memref<80x128xi32, #tpu.memory_space<hbm>>
      %dma_wait3A_157 = arith.constant 0 : i32
      %dma_wait3A_158 = arith.constant 0 : i32
      %dma_wait3A_159 = tpu.memref_slice %arg2[%dma_wait3A_157, %dma_wait3A_158] : memref<10000x128xi32, #tpu.memory_space<hbm>> -> memref<80x128xi32, #tpu.memory_space<hbm>>
      tpu.wait_dma2 semaphore(%arg19 : memref<!tpu.dma_semaphore, #tpu.memory_space<semaphore_mem>>) src(%dma_wait3A_159 : memref<80x128xi32, #tpu.memory_space<hbm>>) dst(%arg11 : memref<80x128xi32, #tpu.memory_space<vmem>>)
      %dma_wait3A_160 = arith.constant 0 : i32
      %dma_wait3A_161 = arith.constant 0 : i32
      %dma_wait3A_162 = tpu.memref_slice %arg3[%dma_wait3A_160, %dma_wait3A_161] : memref<10000x128xi32, #tpu.memory_space<hbm>> -> memref<80x128xi32, #tpu.memory_space<hbm>>
      %dma_wait3A_163 = arith.constant 0 : i32
      %dma_wait3A_164 = arith.constant 0 : i32
      %dma_wait3A_165 = tpu.memref_slice %arg3[%dma_wait3A_163, %dma_wait3A_164] : memref<10000x128xi32, #tpu.memory_space<hbm>> -> memref<80x128xi32, #tpu.memory_space<hbm>>
      tpu.wait_dma2 semaphore(%arg23 : memref<!tpu.dma_semaphore, #tpu.memory_space<semaphore_mem>>) src(%dma_wait3A_165 : memref<80x128xi32, #tpu.memory_space<hbm>>) dst(%arg15 : memref<80x128xi32, #tpu.memory_space<vmem>>)
      %mul3A_166 = arith.constant 80 : i32
      %mul3A_167 = arith.muli %add3A_134, %mul3A_166 : i32
      %add3A_168 = arith.addi %mul3A_2, %mul3A_167 : i32
      %dma_start3A_169 = arith.constant 0 : i32
      %dma_start3A_170 = tpu.memref_slice %arg6[%add3A_168, %dma_start3A_169] : memref<320000x128xi32, #tpu.memory_space<hbm>> -> memref<80x128xi32, #tpu.memory_space<hbm>>
      %dma_start3A_171 = arith.constant 0 : i32
      %dma_start3A_172 = tpu.memref_slice %arg6[%add3A_168, %dma_start3A_171] : memref<320000x128xi32, #tpu.memory_space<hbm>> -> memref<80x128xi32, #tpu.memory_space<hbm>>
      tpu.enqueue_dma source(%arg11 : memref<80x128xi32, #tpu.memory_space<vmem>>) target(%dma_start3A_172 : memref<80x128xi32, #tpu.memory_space<hbm>>) target_semaphore(%arg27 : memref<!tpu.dma_semaphore, #tpu.memory_space<semaphore_mem>>)
      %dma_start3A_173 = arith.constant 0 : i32
      %dma_start3A_174 = tpu.memref_slice %arg7[%add3A_168, %dma_start3A_173] : memref<320000x128xi32, #tpu.memory_space<hbm>> -> memref<80x128xi32, #tpu.memory_space<hbm>>
      %dma_start3A_175 = arith.constant 0 : i32
      %dma_start3A_176 = tpu.memref_slice %arg7[%add3A_168, %dma_start3A_175] : memref<320000x128xi32, #tpu.memory_space<hbm>> -> memref<80x128xi32, #tpu.memory_space<hbm>>
      tpu.enqueue_dma source(%arg15 : memref<80x128xi32, #tpu.memory_space<vmem>>) target(%dma_start3A_176 : memref<80x128xi32, #tpu.memory_space<hbm>>) target_semaphore(%arg31 : memref<!tpu.dma_semaphore, #tpu.memory_space<semaphore_mem>>)
      %mul3A_177 = arith.constant 4 : i32
      %mul3A_178 = arith.muli %add3A_87, %mul3A_177 : i32
      %add3A_179 = arith.constant 2 : i32
      %add3A_180 = arith.addi %mul3A_178, %add3A_179 : i32
      %dma_wait3A_181 = arith.constant 0 : i32
      %dma_wait3A_182 = arith.constant 0 : i32
      %dma_wait3A_183 = tpu.memref_slice %arg6[%dma_wait3A_181, %dma_wait3A_182] : memref<320000x128xi32, #tpu.memory_space<hbm>> -> memref<80x128xi32, #tpu.memory_space<hbm>>
      %dma_wait3A_184 = arith.constant 0 : i32
      %dma_wait3A_185 = arith.constant 0 : i32
      %dma_wait3A_186 = tpu.memref_slice %arg6[%dma_wait3A_184, %dma_wait3A_185] : memref<320000x128xi32, #tpu.memory_space<hbm>> -> memref<80x128xi32, #tpu.memory_space<hbm>>
      tpu.wait_dma2 semaphore(%arg26 : memref<!tpu.dma_semaphore, #tpu.memory_space<semaphore_mem>>) src(%arg10 : memref<80x128xi32, #tpu.memory_space<vmem>>) dst(%dma_wait3A_186 : memref<80x128xi32, #tpu.memory_space<hbm>>)
      %dma_wait3A_187 = arith.constant 0 : i32
      %dma_wait3A_188 = arith.constant 0 : i32
      %dma_wait3A_189 = tpu.memref_slice %arg7[%dma_wait3A_187, %dma_wait3A_188] : memref<320000x128xi32, #tpu.memory_space<hbm>> -> memref<80x128xi32, #tpu.memory_space<hbm>>
      %dma_wait3A_190 = arith.constant 0 : i32
      %dma_wait3A_191 = arith.constant 0 : i32
      %dma_wait3A_192 = tpu.memref_slice %arg7[%dma_wait3A_190, %dma_wait3A_191] : memref<320000x128xi32, #tpu.memory_space<hbm>> -> memref<80x128xi32, #tpu.memory_space<hbm>>
      tpu.wait_dma2 semaphore(%arg30 : memref<!tpu.dma_semaphore, #tpu.memory_space<semaphore_mem>>) src(%arg14 : memref<80x128xi32, #tpu.memory_space<vmem>>) dst(%dma_wait3A_192 : memref<80x128xi32, #tpu.memory_space<hbm>>)
      %add3A_193 = arith.constant 2 : i32
      %add3A_194 = arith.addi %add3A_180, %add3A_193 : i32
      %mul3A_195 = arith.constant 80 : i32
      %mul3A_196 = arith.muli %add3A_194, %mul3A_195 : i32
      %dma_start3A_197 = tpu.memref_slice %arg8[%mul3A_196] : memref<10000xi32, #tpu.memory_space<vmem>> -> memref<80xi32, #tpu.memory_space<vmem>>
      %dma_start3A_198 = arith.constant 0 : i32
      %dma_start3A_199 = arith.constant 0 : i32
      %dma_start3A_200 = tpu.memref_slice %arg2[%dma_start3A_198, %dma_start3A_199] : memref<10000x128xi32, #tpu.memory_space<hbm>> -> memref<10000x128xi32, #tpu.memory_space<hbm>>
      tpu.enqueue_indirect_dma source(%dma_start3A_200 : memref<10000x128xi32, #tpu.memory_space<hbm>>) target(%arg10 : memref<80x128xi32, #tpu.memory_space<vmem>>) offsets(%dma_start3A_197 : memref<80xi32, #tpu.memory_space<vmem>>) semaphore(%arg18 : memref<!tpu.dma_semaphore, #tpu.memory_space<semaphore_mem>>)
      %mul3A_201 = arith.constant 80 : i32
      %mul3A_202 = arith.muli %add3A_194, %mul3A_201 : i32
      %dma_start3A_203 = tpu.memref_slice %arg9[%mul3A_202] : memref<10000xi32, #tpu.memory_space<vmem>> -> memref<80xi32, #tpu.memory_space<vmem>>
      %dma_start3A_204 = arith.constant 0 : i32
      %dma_start3A_205 = arith.constant 0 : i32
      %dma_start3A_206 = tpu.memref_slice %arg3[%dma_start3A_204, %dma_start3A_205] : memref<10000x128xi32, #tpu.memory_space<hbm>> -> memref<10000x128xi32, #tpu.memory_space<hbm>>
      tpu.enqueue_indirect_dma source(%dma_start3A_206 : memref<10000x128xi32, #tpu.memory_space<hbm>>) target(%arg14 : memref<80x128xi32, #tpu.memory_space<vmem>>) offsets(%dma_start3A_203 : memref<80xi32, #tpu.memory_space<vmem>>) semaphore(%arg22 : memref<!tpu.dma_semaphore, #tpu.memory_space<semaphore_mem>>)
      %dma_wait3A_207 = arith.constant 0 : i32
      %dma_wait3A_208 = arith.constant 0 : i32
      %dma_wait3A_209 = tpu.memref_slice %arg2[%dma_wait3A_207, %dma_wait3A_208] : memref<10000x128xi32, #tpu.memory_space<hbm>> -> memref<80x128xi32, #tpu.memory_space<hbm>>
      %dma_wait3A_210 = arith.constant 0 : i32
      %dma_wait3A_211 = arith.constant 0 : i32
      %dma_wait3A_212 = tpu.memref_slice %arg2[%dma_wait3A_210, %dma_wait3A_211] : memref<10000x128xi32, #tpu.memory_space<hbm>> -> memref<80x128xi32, #tpu.memory_space<hbm>>
      tpu.wait_dma2 semaphore(%arg20 : memref<!tpu.dma_semaphore, #tpu.memory_space<semaphore_mem>>) src(%dma_wait3A_212 : memref<80x128xi32, #tpu.memory_space<hbm>>) dst(%arg12 : memref<80x128xi32, #tpu.memory_space<vmem>>)
      %dma_wait3A_213 = arith.constant 0 : i32
      %dma_wait3A_214 = arith.constant 0 : i32
      %dma_wait3A_215 = tpu.memref_slice %arg3[%dma_wait3A_213, %dma_wait3A_214] : memref<10000x128xi32, #tpu.memory_space<hbm>> -> memref<80x128xi32, #tpu.memory_space<hbm>>
      %dma_wait3A_216 = arith.constant 0 : i32
      %dma_wait3A_217 = arith.constant 0 : i32
      %dma_wait3A_218 = tpu.memref_slice %arg3[%dma_wait3A_216, %dma_wait3A_217] : memref<10000x128xi32, #tpu.memory_space<hbm>> -> memref<80x128xi32, #tpu.memory_space<hbm>>
      tpu.wait_dma2 semaphore(%arg24 : memref<!tpu.dma_semaphore, #tpu.memory_space<semaphore_mem>>) src(%dma_wait3A_218 : memref<80x128xi32, #tpu.memory_space<hbm>>) dst(%arg16 : memref<80x128xi32, #tpu.memory_space<vmem>>)
      %mul3A_219 = arith.constant 80 : i32
      %mul3A_220 = arith.muli %add3A_180, %mul3A_219 : i32
      %add3A_221 = arith.addi %mul3A_2, %mul3A_220 : i32
      %dma_start3A_222 = arith.constant 0 : i32
      %dma_start3A_223 = tpu.memref_slice %arg6[%add3A_221, %dma_start3A_222] : memref<320000x128xi32, #tpu.memory_space<hbm>> -> memref<80x128xi32, #tpu.memory_space<hbm>>
      %dma_start3A_224 = arith.constant 0 : i32
      %dma_start3A_225 = tpu.memref_slice %arg6[%add3A_221, %dma_start3A_224] : memref<320000x128xi32, #tpu.memory_space<hbm>> -> memref<80x128xi32, #tpu.memory_space<hbm>>
      tpu.enqueue_dma source(%arg12 : memref<80x128xi32, #tpu.memory_space<vmem>>) target(%dma_start3A_225 : memref<80x128xi32, #tpu.memory_space<hbm>>) target_semaphore(%arg28 : memref<!tpu.dma_semaphore, #tpu.memory_space<semaphore_mem>>)
      %dma_start3A_226 = arith.constant 0 : i32
      %dma_start3A_227 = tpu.memref_slice %arg7[%add3A_221, %dma_start3A_226] : memref<320000x128xi32, #tpu.memory_space<hbm>> -> memref<80x128xi32, #tpu.memory_space<hbm>>
      %dma_start3A_228 = arith.constant 0 : i32
      %dma_start3A_229 = tpu.memref_slice %arg7[%add3A_221, %dma_start3A_228] : memref<320000x128xi32, #tpu.memory_space<hbm>> -> memref<80x128xi32, #tpu.memory_space<hbm>>
      tpu.enqueue_dma source(%arg16 : memref<80x128xi32, #tpu.memory_space<vmem>>) target(%dma_start3A_229 : memref<80x128xi32, #tpu.memory_space<hbm>>) target_semaphore(%arg32 : memref<!tpu.dma_semaphore, #tpu.memory_space<semaphore_mem>>)
      %mul3A_230 = arith.constant 4 : i32
      %mul3A_231 = arith.muli %add3A_87, %mul3A_230 : i32
      %add3A_232 = arith.constant 3 : i32
      %add3A_233 = arith.addi %mul3A_231, %add3A_232 : i32
      %dma_wait3A_234 = arith.constant 0 : i32
      %dma_wait3A_235 = arith.constant 0 : i32
      %dma_wait3A_236 = tpu.memref_slice %arg6[%dma_wait3A_234, %dma_wait3A_235] : memref<320000x128xi32, #tpu.memory_space<hbm>> -> memref<80x128xi32, #tpu.memory_space<hbm>>
      %dma_wait3A_237 = arith.constant 0 : i32
      %dma_wait3A_238 = arith.constant 0 : i32
      %dma_wait3A_239 = tpu.memref_slice %arg6[%dma_wait3A_237, %dma_wait3A_238] : memref<320000x128xi32, #tpu.memory_space<hbm>> -> memref<80x128xi32, #tpu.memory_space<hbm>>
      tpu.wait_dma2 semaphore(%arg27 : memref<!tpu.dma_semaphore, #tpu.memory_space<semaphore_mem>>) src(%arg11 : memref<80x128xi32, #tpu.memory_space<vmem>>) dst(%dma_wait3A_239 : memref<80x128xi32, #tpu.memory_space<hbm>>)
      %dma_wait3A_240 = arith.constant 0 : i32
      %dma_wait3A_241 = arith.constant 0 : i32
      %dma_wait3A_242 = tpu.memref_slice %arg7[%dma_wait3A_240, %dma_wait3A_241] : memref<320000x128xi32, #tpu.memory_space<hbm>> -> memref<80x128xi32, #tpu.memory_space<hbm>>
      %dma_wait3A_243 = arith.constant 0 : i32
      %dma_wait3A_244 = arith.constant 0 : i32
      %dma_wait3A_245 = tpu.memref_slice %arg7[%dma_wait3A_243, %dma_wait3A_244] : memref<320000x128xi32, #tpu.memory_space<hbm>> -> memref<80x128xi32, #tpu.memory_space<hbm>>
      tpu.wait_dma2 semaphore(%arg31 : memref<!tpu.dma_semaphore, #tpu.memory_space<semaphore_mem>>) src(%arg15 : memref<80x128xi32, #tpu.memory_space<vmem>>) dst(%dma_wait3A_245 : memref<80x128xi32, #tpu.memory_space<hbm>>)
      %lt3A = arith.constant 30 : i32
      %lt3A_246 = arith.cmpi slt, %add3A_87, %lt3A : i32
      %convert_element_type3A_247 = arith.extui %lt3A_246 : i1 to i32
      %cond3A_248 = arith.constant 0 : i32
      %cond3A_249 = arith.cmpi ne, %convert_element_type3A_247, %cond3A_248 : i32
      scf.if %cond3A_249 {
        %add3A_273 = arith.constant 2 : i32
        %add3A_274 = arith.addi %add3A_233, %add3A_273 : i32
        %mul3A_275 = arith.constant 80 : i32
        %mul3A_276 = arith.muli %add3A_274, %mul3A_275 : i32
        %dma_start3A_277 = tpu.memref_slice %arg8[%mul3A_276] : memref<10000xi32, #tpu.memory_space<vmem>> -> memref<80xi32, #tpu.memory_space<vmem>>
        %dma_start3A_278 = arith.constant 0 : i32
        %dma_start3A_279 = arith.constant 0 : i32
        %dma_start3A_280 = tpu.memref_slice %arg2[%dma_start3A_278, %dma_start3A_279] : memref<10000x128xi32, #tpu.memory_space<hbm>> -> memref<10000x128xi32, #tpu.memory_space<hbm>>
        tpu.enqueue_indirect_dma source(%dma_start3A_280 : memref<10000x128xi32, #tpu.memory_space<hbm>>) target(%arg11 : memref<80x128xi32, #tpu.memory_space<vmem>>) offsets(%dma_start3A_277 : memref<80xi32, #tpu.memory_space<vmem>>) semaphore(%arg19 : memref<!tpu.dma_semaphore, #tpu.memory_space<semaphore_mem>>)
        %mul3A_281 = arith.constant 80 : i32
        %mul3A_282 = arith.muli %add3A_274, %mul3A_281 : i32
        %dma_start3A_283 = tpu.memref_slice %arg9[%mul3A_282] : memref<10000xi32, #tpu.memory_space<vmem>> -> memref<80xi32, #tpu.memory_space<vmem>>
        %dma_start3A_284 = arith.constant 0 : i32
        %dma_start3A_285 = arith.constant 0 : i32
        %dma_start3A_286 = tpu.memref_slice %arg3[%dma_start3A_284, %dma_start3A_285] : memref<10000x128xi32, #tpu.memory_space<hbm>> -> memref<10000x128xi32, #tpu.memory_space<hbm>>
        tpu.enqueue_indirect_dma source(%dma_start3A_286 : memref<10000x128xi32, #tpu.memory_space<hbm>>) target(%arg15 : memref<80x128xi32, #tpu.memory_space<vmem>>) offsets(%dma_start3A_283 : memref<80xi32, #tpu.memory_space<vmem>>) semaphore(%arg23 : memref<!tpu.dma_semaphore, #tpu.memory_space<semaphore_mem>>)
      } else {
      }
      %dma_wait3A_250 = arith.constant 0 : i32
      %dma_wait3A_251 = arith.constant 0 : i32
      %dma_wait3A_252 = tpu.memref_slice %arg2[%dma_wait3A_250, %dma_wait3A_251] : memref<10000x128xi32, #tpu.memory_space<hbm>> -> memref<80x128xi32, #tpu.memory_space<hbm>>
      %dma_wait3A_253 = arith.constant 0 : i32
      %dma_wait3A_254 = arith.constant 0 : i32
      %dma_wait3A_255 = tpu.memref_slice %arg2[%dma_wait3A_253, %dma_wait3A_254] : memref<10000x128xi32, #tpu.memory_space<hbm>> -> memref<80x128xi32, #tpu.memory_space<hbm>>
      tpu.wait_dma2 semaphore(%arg21 : memref<!tpu.dma_semaphore, #tpu.memory_space<semaphore_mem>>) src(%dma_wait3A_255 : memref<80x128xi32, #tpu.memory_space<hbm>>) dst(%arg13 : memref<80x128xi32, #tpu.memory_space<vmem>>)
      %dma_wait3A_256 = arith.constant 0 : i32
      %dma_wait3A_257 = arith.constant 0 : i32
      %dma_wait3A_258 = tpu.memref_slice %arg3[%dma_wait3A_256, %dma_wait3A_257] : memref<10000x128xi32, #tpu.memory_space<hbm>> -> memref<80x128xi32, #tpu.memory_space<hbm>>
      %dma_wait3A_259 = arith.constant 0 : i32
      %dma_wait3A_260 = arith.constant 0 : i32
      %dma_wait3A_261 = tpu.memref_slice %arg3[%dma_wait3A_259, %dma_wait3A_260] : memref<10000x128xi32, #tpu.memory_space<hbm>> -> memref<80x128xi32, #tpu.memory_space<hbm>>
      tpu.wait_dma2 semaphore(%arg25 : memref<!tpu.dma_semaphore, #tpu.memory_space<semaphore_mem>>) src(%dma_wait3A_261 : memref<80x128xi32, #tpu.memory_space<hbm>>) dst(%arg17 : memref<80x128xi32, #tpu.memory_space<vmem>>)
      %mul3A_262 = arith.constant 80 : i32
      %mul3A_263 = arith.muli %add3A_233, %mul3A_262 : i32
      %add3A_264 = arith.addi %mul3A_2, %mul3A_263 : i32
      %dma_start3A_265 = arith.constant 0 : i32
      %dma_start3A_266 = tpu.memref_slice %arg6[%add3A_264, %dma_start3A_265] : memref<320000x128xi32, #tpu.memory_space<hbm>> -> memref<80x128xi32, #tpu.memory_space<hbm>>
      %dma_start3A_267 = arith.constant 0 : i32
      %dma_start3A_268 = tpu.memref_slice %arg6[%add3A_264, %dma_start3A_267] : memref<320000x128xi32, #tpu.memory_space<hbm>> -> memref<80x128xi32, #tpu.memory_space<hbm>>
      tpu.enqueue_dma source(%arg13 : memref<80x128xi32, #tpu.memory_space<vmem>>) target(%dma_start3A_268 : memref<80x128xi32, #tpu.memory_space<hbm>>) target_semaphore(%arg29 : memref<!tpu.dma_semaphore, #tpu.memory_space<semaphore_mem>>)
      %dma_start3A_269 = arith.constant 0 : i32
      %dma_start3A_270 = tpu.memref_slice %arg7[%add3A_264, %dma_start3A_269] : memref<320000x128xi32, #tpu.memory_space<hbm>> -> memref<80x128xi32, #tpu.memory_space<hbm>>
      %dma_start3A_271 = arith.constant 0 : i32
      %dma_start3A_272 = tpu.memref_slice %arg7[%add3A_264, %dma_start3A_271] : memref<320000x128xi32, #tpu.memory_space<hbm>> -> memref<80x128xi32, #tpu.memory_space<hbm>>
      tpu.enqueue_dma source(%arg17 : memref<80x128xi32, #tpu.memory_space<vmem>>) target(%dma_start3A_272 : memref<80x128xi32, #tpu.memory_space<hbm>>) target_semaphore(%arg33 : memref<!tpu.dma_semaphore, #tpu.memory_space<semaphore_mem>>)
    }
    %scan3A_25 = arith.constant 31 : i32
    %dma_wait3A = arith.constant 0 : i32
    %dma_wait3A_26 = arith.constant 0 : i32
    %dma_wait3A_27 = tpu.memref_slice %arg2[%dma_wait3A, %dma_wait3A_26] : memref<10000x128xi32, #tpu.memory_space<hbm>> -> memref<80x128xi32, #tpu.memory_space<hbm>>
    %dma_wait3A_28 = arith.constant 0 : i32
    %dma_wait3A_29 = arith.constant 0 : i32
    %dma_wait3A_30 = tpu.memref_slice %arg2[%dma_wait3A_28, %dma_wait3A_29] : memref<10000x128xi32, #tpu.memory_space<hbm>> -> memref<80x128xi32, #tpu.memory_space<hbm>>
    tpu.wait_dma2 semaphore(%arg18 : memref<!tpu.dma_semaphore, #tpu.memory_space<semaphore_mem>>) src(%dma_wait3A_30 : memref<80x128xi32, #tpu.memory_space<hbm>>) dst(%arg10 : memref<80x128xi32, #tpu.memory_space<vmem>>)
    %dma_wait3A_31 = arith.constant 0 : i32
    %dma_wait3A_32 = arith.constant 0 : i32
    %dma_wait3A_33 = tpu.memref_slice %arg3[%dma_wait3A_31, %dma_wait3A_32] : memref<10000x128xi32, #tpu.memory_space<hbm>> -> memref<80x128xi32, #tpu.memory_space<hbm>>
    %dma_wait3A_34 = arith.constant 0 : i32
    %dma_wait3A_35 = arith.constant 0 : i32
    %dma_wait3A_36 = tpu.memref_slice %arg3[%dma_wait3A_34, %dma_wait3A_35] : memref<10000x128xi32, #tpu.memory_space<hbm>> -> memref<80x128xi32, #tpu.memory_space<hbm>>
    tpu.wait_dma2 semaphore(%arg22 : memref<!tpu.dma_semaphore, #tpu.memory_space<semaphore_mem>>) src(%dma_wait3A_36 : memref<80x128xi32, #tpu.memory_space<hbm>>) dst(%arg14 : memref<80x128xi32, #tpu.memory_space<vmem>>)
    %add3A_37 = arith.constant 9920 : i32
    %add3A_38 = arith.addi %mul3A_2, %add3A_37 : i32
    %dma_start3A_39 = arith.constant 0 : i32
    %dma_start3A_40 = tpu.memref_slice %arg6[%add3A_38, %dma_start3A_39] : memref<320000x128xi32, #tpu.memory_space<hbm>> -> memref<80x128xi32, #tpu.memory_space<hbm>>
    %dma_start3A_41 = arith.constant 0 : i32
    %dma_start3A_42 = tpu.memref_slice %arg6[%add3A_38, %dma_start3A_41] : memref<320000x128xi32, #tpu.memory_space<hbm>> -> memref<80x128xi32, #tpu.memory_space<hbm>>
    tpu.enqueue_dma source(%arg10 : memref<80x128xi32, #tpu.memory_space<vmem>>) target(%dma_start3A_42 : memref<80x128xi32, #tpu.memory_space<hbm>>) target_semaphore(%arg26 : memref<!tpu.dma_semaphore, #tpu.memory_space<semaphore_mem>>)
    %dma_start3A_43 = arith.constant 0 : i32
    %dma_start3A_44 = tpu.memref_slice %arg7[%add3A_38, %dma_start3A_43] : memref<320000x128xi32, #tpu.memory_space<hbm>> -> memref<80x128xi32, #tpu.memory_space<hbm>>
    %dma_start3A_45 = arith.constant 0 : i32
    %dma_start3A_46 = tpu.memref_slice %arg7[%add3A_38, %dma_start3A_45] : memref<320000x128xi32, #tpu.memory_space<hbm>> -> memref<80x128xi32, #tpu.memory_space<hbm>>
    tpu.enqueue_dma source(%arg14 : memref<80x128xi32, #tpu.memory_space<vmem>>) target(%dma_start3A_46 : memref<80x128xi32, #tpu.memory_space<hbm>>) target_semaphore(%arg30 : memref<!tpu.dma_semaphore, #tpu.memory_space<semaphore_mem>>)
    %dma_wait3A_47 = arith.constant 0 : i32
    %dma_wait3A_48 = arith.constant 0 : i32
    %dma_wait3A_49 = tpu.memref_slice %arg6[%dma_wait3A_47, %dma_wait3A_48] : memref<320000x128xi32, #tpu.memory_space<hbm>> -> memref<80x128xi32, #tpu.memory_space<hbm>>
    %dma_wait3A_50 = arith.constant 0 : i32
    %dma_wait3A_51 = arith.constant 0 : i32
    %dma_wait3A_52 = tpu.memref_slice %arg6[%dma_wait3A_50, %dma_wait3A_51] : memref<320000x128xi32, #tpu.memory_space<hbm>> -> memref<80x128xi32, #tpu.memory_space<hbm>>
    tpu.wait_dma2 semaphore(%arg28 : memref<!tpu.dma_semaphore, #tpu.memory_space<semaphore_mem>>) src(%arg12 : memref<80x128xi32, #tpu.memory_space<vmem>>) dst(%dma_wait3A_52 : memref<80x128xi32, #tpu.memory_space<hbm>>)
    %dma_wait3A_53 = arith.constant 0 : i32
    %dma_wait3A_54 = arith.constant 0 : i32
    %dma_wait3A_55 = tpu.memref_slice %arg7[%dma_wait3A_53, %dma_wait3A_54] : memref<320000x128xi32, #tpu.memory_space<hbm>> -> memref<80x128xi32, #tpu.memory_space<hbm>>
    %dma_wait3A_56 = arith.constant 0 : i32
    %dma_wait3A_57 = arith.constant 0 : i32
    %dma_wait3A_58 = tpu.memref_slice %arg7[%dma_wait3A_56, %dma_wait3A_57] : memref<320000x128xi32, #tpu.memory_space<hbm>> -> memref<80x128xi32, #tpu.memory_space<hbm>>
    tpu.wait_dma2 semaphore(%arg32 : memref<!tpu.dma_semaphore, #tpu.memory_space<semaphore_mem>>) src(%arg16 : memref<80x128xi32, #tpu.memory_space<vmem>>) dst(%dma_wait3A_58 : memref<80x128xi32, #tpu.memory_space<hbm>>)
    %dma_wait3A_59 = arith.constant 0 : i32
    %dma_wait3A_60 = arith.constant 0 : i32
    %dma_wait3A_61 = tpu.memref_slice %arg6[%dma_wait3A_59, %dma_wait3A_60] : memref<320000x128xi32, #tpu.memory_space<hbm>> -> memref<80x128xi32, #tpu.memory_space<hbm>>
    %dma_wait3A_62 = arith.constant 0 : i32
    %dma_wait3A_63 = arith.constant 0 : i32
    %dma_wait3A_64 = tpu.memref_slice %arg6[%dma_wait3A_62, %dma_wait3A_63] : memref<320000x128xi32, #tpu.memory_space<hbm>> -> memref<80x128xi32, #tpu.memory_space<hbm>>
    tpu.wait_dma2 semaphore(%arg29 : memref<!tpu.dma_semaphore, #tpu.memory_space<semaphore_mem>>) src(%arg13 : memref<80x128xi32, #tpu.memory_space<vmem>>) dst(%dma_wait3A_64 : memref<80x128xi32, #tpu.memory_space<hbm>>)
    %dma_wait3A_65 = arith.constant 0 : i32
    %dma_wait3A_66 = arith.constant 0 : i32
    %dma_wait3A_67 = tpu.memref_slice %arg7[%dma_wait3A_65, %dma_wait3A_66] : memref<320000x128xi32, #tpu.memory_space<hbm>> -> memref<80x128xi32, #tpu.memory_space<hbm>>
    %dma_wait3A_68 = arith.constant 0 : i32
    %dma_wait3A_69 = arith.constant 0 : i32
    %dma_wait3A_70 = tpu.memref_slice %arg7[%dma_wait3A_68, %dma_wait3A_69] : memref<320000x128xi32, #tpu.memory_space<hbm>> -> memref<80x128xi32, #tpu.memory_space<hbm>>
    tpu.wait_dma2 semaphore(%arg33 : memref<!tpu.dma_semaphore, #tpu.memory_space<semaphore_mem>>) src(%arg17 : memref<80x128xi32, #tpu.memory_space<vmem>>) dst(%dma_wait3A_70 : memref<80x128xi32, #tpu.memory_space<hbm>>)
    %dma_wait3A_71 = arith.constant 0 : i32
    %dma_wait3A_72 = arith.constant 0 : i32
    %dma_wait3A_73 = tpu.memref_slice %arg6[%dma_wait3A_71, %dma_wait3A_72] : memref<320000x128xi32, #tpu.memory_space<hbm>> -> memref<80x128xi32, #tpu.memory_space<hbm>>
    %dma_wait3A_74 = arith.constant 0 : i32
    %dma_wait3A_75 = arith.constant 0 : i32
    %dma_wait3A_76 = tpu.memref_slice %arg6[%dma_wait3A_74, %dma_wait3A_75] : memref<320000x128xi32, #tpu.memory_space<hbm>> -> memref<80x128xi32, #tpu.memory_space<hbm>>
    tpu.wait_dma2 semaphore(%arg26 : memref<!tpu.dma_semaphore, #tpu.memory_space<semaphore_mem>>) src(%arg10 : memref<80x128xi32, #tpu.memory_space<vmem>>) dst(%dma_wait3A_76 : memref<80x128xi32, #tpu.memory_space<hbm>>)
    %dma_wait3A_77 = arith.constant 0 : i32
    %dma_wait3A_78 = arith.constant 0 : i32
    %dma_wait3A_79 = tpu.memref_slice %arg7[%dma_wait3A_77, %dma_wait3A_78] : memref<320000x128xi32, #tpu.memory_space<hbm>> -> memref<80x128xi32, #tpu.memory_space<hbm>>
    %dma_wait3A_80 = arith.constant 0 : i32
    %dma_wait3A_81 = arith.constant 0 : i32
    %dma_wait3A_82 = tpu.memref_slice %arg7[%dma_wait3A_80, %dma_wait3A_81] : memref<320000x128xi32, #tpu.memory_space<hbm>> -> memref<80x128xi32, #tpu.memory_space<hbm>>
    tpu.wait_dma2 semaphore(%arg30 : memref<!tpu.dma_semaphore, #tpu.memory_space<semaphore_mem>>) src(%arg14 : memref<80x128xi32, #tpu.memory_space<vmem>>) dst(%dma_wait3A_82 : memref<80x128xi32, #tpu.memory_space<hbm>>)
    return
  }
}

#map = affine_map<(d0, d1) -> (0, 0)>
#map1 = affine_map<(d0, d1) -> (0)>
#map2 = affine_map<(d0, d1) -> (0, 0, 0)>
module attributes {stable_mosaic.version = 14 : i64} {
  func.func @_sc_scatter_add(%arg0: i32, %arg1: i32, %arg2: memref<320000x128xf32, #tpu.memory_space<hbm>>, %arg3: memref<320000xi32, #tpu.memory_space<hbm>>, %arg4: memref<2x10240x128xf32, #tpu.memory_space<hbm>>, %arg5: memref<80xi32, #tpu.memory_space<vmem>>, %arg6: memref<80xi32, #tpu.memory_space<vmem>>, %arg7: memref<80x128xf32, #tpu.memory_space<vmem>>, %arg8: memref<80x128xf32, #tpu.memory_space<vmem>>, %arg9: memref<128x128xf32, #tpu.memory_space<vmem>>, %arg10: memref<10240x128xf32, #tpu.memory_space<vmem_shared>>, %arg11: memref<!tpu.dma_semaphore, #tpu.memory_space<semaphore_mem>>, %arg12: memref<!tpu.dma_semaphore, #tpu.memory_space<semaphore_mem>>, %arg13: memref<!tpu.dma_semaphore, #tpu.memory_space<semaphore_mem>>, %arg14: memref<!tpu.dma_semaphore, #tpu.memory_space<semaphore_mem>>) attributes {dimension_semantics = [#tpu.dimension_semantics<core_parallel>, #tpu.dimension_semantics<subcore_parallel>], iteration_bounds = array<i64: 2, 16>, scalar_prefetch = 0 : i64, scratch_operands = 10 : i64, tpu.core_type = #tpu.core_type<sc_vector_subcore>, window_params = [{transform_indices = #map}, {transform_indices = #map1}, {transform_indices = #map2}]} {
    %mul3A = arith.constant 2 : i32
    %mul3A_0 = arith.muli %arg1, %mul3A : i32
    %add3A = arith.addi %mul3A_0, %arg0 : i32
    %scan3A = arith.constant 0 : i32
    %scan3A_1 = arith.constant 128 : i32
    %scan3A_2 = arith.addi %scan3A, %scan3A_1 : i32
    %scan3A_3 = arith.constant 1 : i32
    scf.for %scan3A_69 = %scan3A to %scan3A_2 step %scan3A_3  : i32 {
      %mul3A_70 = arith.constant 1 : i32
      %mul3A_71 = arith.muli %scan3A_69, %mul3A_70 : i32
      %add3A_72 = arith.constant 0 : i32
      %add3A_73 = arith.addi %add3A_72, %mul3A_71 : i32
      %broadcast_in_dim3A = arith.constant 0.000000e+00 : f32
      %broadcast_in_dim3A_74 = vector.broadcast %broadcast_in_dim3A : f32 to vector<16xf32>
      %swap3A = arith.index_cast %add3A_73 : i32 to index
      %swap3A_75 = arith.constant 0 : index
      %swap3A_76 = tpu.vector_load %arg9[%swap3A, %swap3A_75] {strides = array<i32>} : memref<128x128xf32, #tpu.memory_space<vmem>>, vector<1x16xf32>,
      %swap3A_77 = vector.shape_cast %swap3A_76 : vector<1x16xf32> to vector<16xf32>
      %swap3A_78 = vector.shape_cast %broadcast_in_dim3A_74 : vector<16xf32> to vector<1x16xf32>
      tpu.vector_store %arg9[%swap3A, %swap3A_75], %swap3A_78 {strides = array<i32>} : memref<128x128xf32, #tpu.memory_space<vmem>>, vector<1x16xf32>,
      %broadcast_in_dim3A_79 = arith.constant 0.000000e+00 : f32
      %broadcast_in_dim3A_80 = vector.broadcast %broadcast_in_dim3A_79 : f32 to vector<16xf32>
      %swap3A_81 = arith.index_cast %add3A_73 : i32 to index
      %swap3A_82 = arith.constant 16 : index
      %swap3A_83 = tpu.vector_load %arg9[%swap3A_81, %swap3A_82] {strides = array<i32>} : memref<128x128xf32, #tpu.memory_space<vmem>>, vector<1x16xf32>,
      %swap3A_84 = vector.shape_cast %swap3A_83 : vector<1x16xf32> to vector<16xf32>
      %swap3A_85 = vector.shape_cast %broadcast_in_dim3A_80 : vector<16xf32> to vector<1x16xf32>
      tpu.vector_store %arg9[%swap3A_81, %swap3A_82], %swap3A_85 {strides = array<i32>} : memref<128x128xf32, #tpu.memory_space<vmem>>, vector<1x16xf32>,
      %broadcast_in_dim3A_86 = arith.constant 0.000000e+00 : f32
      %broadcast_in_dim3A_87 = vector.broadcast %broadcast_in_dim3A_86 : f32 to vector<16xf32>
      %swap3A_88 = arith.index_cast %add3A_73 : i32 to index
      %swap3A_89 = arith.constant 32 : index
      %swap3A_90 = tpu.vector_load %arg9[%swap3A_88, %swap3A_89] {strides = array<i32>} : memref<128x128xf32, #tpu.memory_space<vmem>>, vector<1x16xf32>,
      %swap3A_91 = vector.shape_cast %swap3A_90 : vector<1x16xf32> to vector<16xf32>
      %swap3A_92 = vector.shape_cast %broadcast_in_dim3A_87 : vector<16xf32> to vector<1x16xf32>
      tpu.vector_store %arg9[%swap3A_88, %swap3A_89], %swap3A_92 {strides = array<i32>} : memref<128x128xf32, #tpu.memory_space<vmem>>, vector<1x16xf32>,
      %broadcast_in_dim3A_93 = arith.constant 0.000000e+00 : f32
      %broadcast_in_dim3A_94 = vector.broadcast %broadcast_in_dim3A_93 : f32 to vector<16xf32>
      %swap3A_95 = arith.index_cast %add3A_73 : i32 to index
      %swap3A_96 = arith.constant 48 : index
      %swap3A_97 = tpu.vector_load %arg9[%swap3A_95, %swap3A_96] {strides = array<i32>} : memref<128x128xf32, #tpu.memory_space<vmem>>, vector<1x16xf32>,
      %swap3A_98 = vector.shape_cast %swap3A_97 : vector<1x16xf32> to vector<16xf32>
      %swap3A_99 = vector.shape_cast %broadcast_in_dim3A_94 : vector<16xf32> to vector<1x16xf32>
      tpu.vector_store %arg9[%swap3A_95, %swap3A_96], %swap3A_99 {strides = array<i32>} : memref<128x128xf32, #tpu.memory_space<vmem>>, vector<1x16xf32>,
      %broadcast_in_dim3A_100 = arith.constant 0.000000e+00 : f32
      %broadcast_in_dim3A_101 = vector.broadcast %broadcast_in_dim3A_100 : f32 to vector<16xf32>
      %swap3A_102 = arith.index_cast %add3A_73 : i32 to index
      %swap3A_103 = arith.constant 64 : index
      %swap3A_104 = tpu.vector_load %arg9[%swap3A_102, %swap3A_103] {strides = array<i32>} : memref<128x128xf32, #tpu.memory_space<vmem>>, vector<1x16xf32>,
      %swap3A_105 = vector.shape_cast %swap3A_104 : vector<1x16xf32> to vector<16xf32>
      %swap3A_106 = vector.shape_cast %broadcast_in_dim3A_101 : vector<16xf32> to vector<1x16xf32>
      tpu.vector_store %arg9[%swap3A_102, %swap3A_103], %swap3A_106 {strides = array<i32>} : memref<128x128xf32, #tpu.memory_space<vmem>>, vector<1x16xf32>,
      %broadcast_in_dim3A_107 = arith.constant 0.000000e+00 : f32
      %broadcast_in_dim3A_108 = vector.broadcast %broadcast_in_dim3A_107 : f32 to vector<16xf32>
      %swap3A_109 = arith.index_cast %add3A_73 : i32 to index
      %swap3A_110 = arith.constant 80 : index
      %swap3A_111 = tpu.vector_load %arg9[%swap3A_109, %swap3A_110] {strides = array<i32>} : memref<128x128xf32, #tpu.memory_space<vmem>>, vector<1x16xf32>,
      %swap3A_112 = vector.shape_cast %swap3A_111 : vector<1x16xf32> to vector<16xf32>
      %swap3A_113 = vector.shape_cast %broadcast_in_dim3A_108 : vector<16xf32> to vector<1x16xf32>
      tpu.vector_store %arg9[%swap3A_109, %swap3A_110], %swap3A_113 {strides = array<i32>} : memref<128x128xf32, #tpu.memory_space<vmem>>, vector<1x16xf32>,
      %broadcast_in_dim3A_114 = arith.constant 0.000000e+00 : f32
      %broadcast_in_dim3A_115 = vector.broadcast %broadcast_in_dim3A_114 : f32 to vector<16xf32>
      %swap3A_116 = arith.index_cast %add3A_73 : i32 to index
      %swap3A_117 = arith.constant 96 : index
      %swap3A_118 = tpu.vector_load %arg9[%swap3A_116, %swap3A_117] {strides = array<i32>} : memref<128x128xf32, #tpu.memory_space<vmem>>, vector<1x16xf32>,
      %swap3A_119 = vector.shape_cast %swap3A_118 : vector<1x16xf32> to vector<16xf32>
      %swap3A_120 = vector.shape_cast %broadcast_in_dim3A_115 : vector<16xf32> to vector<1x16xf32>
      tpu.vector_store %arg9[%swap3A_116, %swap3A_117], %swap3A_120 {strides = array<i32>} : memref<128x128xf32, #tpu.memory_space<vmem>>, vector<1x16xf32>,
      %broadcast_in_dim3A_121 = arith.constant 0.000000e+00 : f32
      %broadcast_in_dim3A_122 = vector.broadcast %broadcast_in_dim3A_121 : f32 to vector<16xf32>
      %swap3A_123 = arith.index_cast %add3A_73 : i32 to index
      %swap3A_124 = arith.constant 112 : index
      %swap3A_125 = tpu.vector_load %arg9[%swap3A_123, %swap3A_124] {strides = array<i32>} : memref<128x128xf32, #tpu.memory_space<vmem>>, vector<1x16xf32>,
      %swap3A_126 = vector.shape_cast %swap3A_125 : vector<1x16xf32> to vector<16xf32>
      %swap3A_127 = vector.shape_cast %broadcast_in_dim3A_122 : vector<16xf32> to vector<1x16xf32>
      tpu.vector_store %arg9[%swap3A_123, %swap3A_124], %swap3A_127 {strides = array<i32>} : memref<128x128xf32, #tpu.memory_space<vmem>>, vector<1x16xf32>,
    }
    %scan3A_4 = arith.constant 128 : i32
    %mul3A_5 = arith.constant 640 : i32
    %mul3A_6 = arith.muli %arg1, %mul3A_5 : i32
    %add3A_7 = arith.constant 0 : i32
    %add3A_8 = arith.addi %mul3A_6, %add3A_7 : i32
    "tpu.region"() ({
      %run_scoped3A = tpu.sem_alloc : memref<!tpu.dma_semaphore, #tpu.memory_space<semaphore_mem>>
      %dma_start3A_69 = arith.constant 0 : i32
      %dma_start3A_70 = tpu.memref_slice %arg10[%add3A_8, %dma_start3A_69] : memref<10240x128xf32, #tpu.memory_space<vmem_shared>> -> memref<128x128xf32, #tpu.memory_space<vmem_shared>>
      %dma_start3A_71 = arith.constant 0 : i32
      %dma_start3A_72 = tpu.memref_slice %arg10[%add3A_8, %dma_start3A_71] : memref<10240x128xf32, #tpu.memory_space<vmem_shared>> -> memref<128x128xf32, #tpu.memory_space<vmem_shared>>
      tpu.enqueue_dma source(%arg9 : memref<128x128xf32, #tpu.memory_space<vmem>>) target(%dma_start3A_72 : memref<128x128xf32, #tpu.memory_space<vmem_shared>>) target_semaphore(%run_scoped3A : memref<!tpu.dma_semaphore, #tpu.memory_space<semaphore_mem>>)
      %dma_wait3A_73 = arith.constant 0 : i32
      %dma_wait3A_74 = tpu.memref_slice %arg10[%add3A_8, %dma_wait3A_73] : memref<10240x128xf32, #tpu.memory_space<vmem_shared>> -> memref<128x128xf32, #tpu.memory_space<vmem_shared>>
      %dma_wait3A_75 = arith.constant 0 : i32
      %dma_wait3A_76 = tpu.memref_slice %arg10[%add3A_8, %dma_wait3A_75] : memref<10240x128xf32, #tpu.memory_space<vmem_shared>> -> memref<128x128xf32, #tpu.memory_space<vmem_shared>>
      tpu.wait_dma2 semaphore(%run_scoped3A : memref<!tpu.dma_semaphore, #tpu.memory_space<semaphore_mem>>) src(%arg9 : memref<128x128xf32, #tpu.memory_space<vmem>>) dst(%dma_wait3A_76 : memref<128x128xf32, #tpu.memory_space<vmem_shared>>)
      tpu.yield
    }) : () -> ()
    %mul3A_9 = arith.constant 640 : i32
    %mul3A_10 = arith.muli %arg1, %mul3A_9 : i32
    %add3A_11 = arith.constant 128 : i32
    %add3A_12 = arith.addi %mul3A_10, %add3A_11 : i32
    "tpu.region"() ({
      %run_scoped3A = tpu.sem_alloc : memref<!tpu.dma_semaphore, #tpu.memory_space<semaphore_mem>>
      %dma_start3A_69 = arith.constant 0 : i32
      %dma_start3A_70 = tpu.memref_slice %arg10[%add3A_12, %dma_start3A_69] : memref<10240x128xf32, #tpu.memory_space<vmem_shared>> -> memref<128x128xf32, #tpu.memory_space<vmem_shared>>
      %dma_start3A_71 = arith.constant 0 : i32
      %dma_start3A_72 = tpu.memref_slice %arg10[%add3A_12, %dma_start3A_71] : memref<10240x128xf32, #tpu.memory_space<vmem_shared>> -> memref<128x128xf32, #tpu.memory_space<vmem_shared>>
      tpu.enqueue_dma source(%arg9 : memref<128x128xf32, #tpu.memory_space<vmem>>) target(%dma_start3A_72 : memref<128x128xf32, #tpu.memory_space<vmem_shared>>) target_semaphore(%run_scoped3A : memref<!tpu.dma_semaphore, #tpu.memory_space<semaphore_mem>>)
      %dma_wait3A_73 = arith.constant 0 : i32
      %dma_wait3A_74 = tpu.memref_slice %arg10[%add3A_12, %dma_wait3A_73] : memref<10240x128xf32, #tpu.memory_space<vmem_shared>> -> memref<128x128xf32, #tpu.memory_space<vmem_shared>>
      %dma_wait3A_75 = arith.constant 0 : i32
      %dma_wait3A_76 = tpu.memref_slice %arg10[%add3A_12, %dma_wait3A_75] : memref<10240x128xf32, #tpu.memory_space<vmem_shared>> -> memref<128x128xf32, #tpu.memory_space<vmem_shared>>
      tpu.wait_dma2 semaphore(%run_scoped3A : memref<!tpu.dma_semaphore, #tpu.memory_space<semaphore_mem>>) src(%arg9 : memref<128x128xf32, #tpu.memory_space<vmem>>) dst(%dma_wait3A_76 : memref<128x128xf32, #tpu.memory_space<vmem_shared>>)
      tpu.yield
    }) : () -> ()
    %mul3A_13 = arith.constant 640 : i32
    %mul3A_14 = arith.muli %arg1, %mul3A_13 : i32
    %add3A_15 = arith.constant 256 : i32
    %add3A_16 = arith.addi %mul3A_14, %add3A_15 : i32
    "tpu.region"() ({
      %run_scoped3A = tpu.sem_alloc : memref<!tpu.dma_semaphore, #tpu.memory_space<semaphore_mem>>
      %dma_start3A_69 = arith.constant 0 : i32
      %dma_start3A_70 = tpu.memref_slice %arg10[%add3A_16, %dma_start3A_69] : memref<10240x128xf32, #tpu.memory_space<vmem_shared>> -> memref<128x128xf32, #tpu.memory_space<vmem_shared>>
      %dma_start3A_71 = arith.constant 0 : i32
      %dma_start3A_72 = tpu.memref_slice %arg10[%add3A_16, %dma_start3A_71] : memref<10240x128xf32, #tpu.memory_space<vmem_shared>> -> memref<128x128xf32, #tpu.memory_space<vmem_shared>>
      tpu.enqueue_dma source(%arg9 : memref<128x128xf32, #tpu.memory_space<vmem>>) target(%dma_start3A_72 : memref<128x128xf32, #tpu.memory_space<vmem_shared>>) target_semaphore(%run_scoped3A : memref<!tpu.dma_semaphore, #tpu.memory_space<semaphore_mem>>)
      %dma_wait3A_73 = arith.constant 0 : i32
      %dma_wait3A_74 = tpu.memref_slice %arg10[%add3A_16, %dma_wait3A_73] : memref<10240x128xf32, #tpu.memory_space<vmem_shared>> -> memref<128x128xf32, #tpu.memory_space<vmem_shared>>
      %dma_wait3A_75 = arith.constant 0 : i32
      %dma_wait3A_76 = tpu.memref_slice %arg10[%add3A_16, %dma_wait3A_75] : memref<10240x128xf32, #tpu.memory_space<vmem_shared>> -> memref<128x128xf32, #tpu.memory_space<vmem_shared>>
      tpu.wait_dma2 semaphore(%run_scoped3A : memref<!tpu.dma_semaphore, #tpu.memory_space<semaphore_mem>>) src(%arg9 : memref<128x128xf32, #tpu.memory_space<vmem>>) dst(%dma_wait3A_76 : memref<128x128xf32, #tpu.memory_space<vmem_shared>>)
      tpu.yield
    }) : () -> ()
    %mul3A_17 = arith.constant 640 : i32
    %mul3A_18 = arith.muli %arg1, %mul3A_17 : i32
    %add3A_19 = arith.constant 384 : i32
    %add3A_20 = arith.addi %mul3A_18, %add3A_19 : i32
    "tpu.region"() ({
      %run_scoped3A = tpu.sem_alloc : memref<!tpu.dma_semaphore, #tpu.memory_space<semaphore_mem>>
      %dma_start3A_69 = arith.constant 0 : i32
      %dma_start3A_70 = tpu.memref_slice %arg10[%add3A_20, %dma_start3A_69] : memref<10240x128xf32, #tpu.memory_space<vmem_shared>> -> memref<128x128xf32, #tpu.memory_space<vmem_shared>>
      %dma_start3A_71 = arith.constant 0 : i32
      %dma_start3A_72 = tpu.memref_slice %arg10[%add3A_20, %dma_start3A_71] : memref<10240x128xf32, #tpu.memory_space<vmem_shared>> -> memref<128x128xf32, #tpu.memory_space<vmem_shared>>
      tpu.enqueue_dma source(%arg9 : memref<128x128xf32, #tpu.memory_space<vmem>>) target(%dma_start3A_72 : memref<128x128xf32, #tpu.memory_space<vmem_shared>>) target_semaphore(%run_scoped3A : memref<!tpu.dma_semaphore, #tpu.memory_space<semaphore_mem>>)
      %dma_wait3A_73 = arith.constant 0 : i32
      %dma_wait3A_74 = tpu.memref_slice %arg10[%add3A_20, %dma_wait3A_73] : memref<10240x128xf32, #tpu.memory_space<vmem_shared>> -> memref<128x128xf32, #tpu.memory_space<vmem_shared>>
      %dma_wait3A_75 = arith.constant 0 : i32
      %dma_wait3A_76 = tpu.memref_slice %arg10[%add3A_20, %dma_wait3A_75] : memref<10240x128xf32, #tpu.memory_space<vmem_shared>> -> memref<128x128xf32, #tpu.memory_space<vmem_shared>>
      tpu.wait_dma2 semaphore(%run_scoped3A : memref<!tpu.dma_semaphore, #tpu.memory_space<semaphore_mem>>) src(%arg9 : memref<128x128xf32, #tpu.memory_space<vmem>>) dst(%dma_wait3A_76 : memref<128x128xf32, #tpu.memory_space<vmem_shared>>)
      tpu.yield
    }) : () -> ()
    %mul3A_21 = arith.constant 640 : i32
    %mul3A_22 = arith.muli %arg1, %mul3A_21 : i32
    %add3A_23 = arith.constant 512 : i32
    %add3A_24 = arith.addi %mul3A_22, %add3A_23 : i32
    "tpu.region"() ({
      %run_scoped3A = tpu.sem_alloc : memref<!tpu.dma_semaphore, #tpu.memory_space<semaphore_mem>>
      %dma_start3A_69 = arith.constant 0 : i32
      %dma_start3A_70 = tpu.memref_slice %arg10[%add3A_24, %dma_start3A_69] : memref<10240x128xf32, #tpu.memory_space<vmem_shared>> -> memref<128x128xf32, #tpu.memory_space<vmem_shared>>
      %dma_start3A_71 = arith.constant 0 : i32
      %dma_start3A_72 = tpu.memref_slice %arg10[%add3A_24, %dma_start3A_71] : memref<10240x128xf32, #tpu.memory_space<vmem_shared>> -> memref<128x128xf32, #tpu.memory_space<vmem_shared>>
      tpu.enqueue_dma source(%arg9 : memref<128x128xf32, #tpu.memory_space<vmem>>) target(%dma_start3A_72 : memref<128x128xf32, #tpu.memory_space<vmem_shared>>) target_semaphore(%run_scoped3A : memref<!tpu.dma_semaphore, #tpu.memory_space<semaphore_mem>>)
      %dma_wait3A_73 = arith.constant 0 : i32
      %dma_wait3A_74 = tpu.memref_slice %arg10[%add3A_24, %dma_wait3A_73] : memref<10240x128xf32, #tpu.memory_space<vmem_shared>> -> memref<128x128xf32, #tpu.memory_space<vmem_shared>>
      %dma_wait3A_75 = arith.constant 0 : i32
      %dma_wait3A_76 = tpu.memref_slice %arg10[%add3A_24, %dma_wait3A_75] : memref<10240x128xf32, #tpu.memory_space<vmem_shared>> -> memref<128x128xf32, #tpu.memory_space<vmem_shared>>
      tpu.wait_dma2 semaphore(%run_scoped3A : memref<!tpu.dma_semaphore, #tpu.memory_space<semaphore_mem>>) src(%arg9 : memref<128x128xf32, #tpu.memory_space<vmem>>) dst(%dma_wait3A_76 : memref<128x128xf32, #tpu.memory_space<vmem_shared>>)
      tpu.yield
    }) : () -> ()
    %barrier3A = arith.constant 0 : index
    tpu.barrier barrier_id(%barrier3A)
    %mul3A_25 = arith.constant 10000 : i32
    %mul3A_26 = arith.muli %add3A, %mul3A_25 : i32
    %add3A_27 = arith.constant 0 : i32
    %add3A_28 = arith.addi %mul3A_26, %add3A_27 : i32
    %dma_start3A = tpu.memref_slice %arg3[%add3A_28] : memref<320000xi32, #tpu.memory_space<hbm>> -> memref<80xi32, #tpu.memory_space<hbm>>
    %dma_start3A_29 = tpu.memref_slice %arg3[%add3A_28] : memref<320000xi32, #tpu.memory_space<hbm>> -> memref<80xi32, #tpu.memory_space<hbm>>
    tpu.enqueue_dma source(%dma_start3A_29 : memref<80xi32, #tpu.memory_space<hbm>>) target(%arg5 : memref<80xi32, #tpu.memory_space<vmem>>) target_semaphore(%arg11 : memref<!tpu.dma_semaphore, #tpu.memory_space<semaphore_mem>>)
    %dma_start3A_30 = arith.constant 0 : i32
    %dma_start3A_31 = tpu.memref_slice %arg2[%add3A_28, %dma_start3A_30] : memref<320000x128xf32, #tpu.memory_space<hbm>> -> memref<80x128xf32, #tpu.memory_space<hbm>>
    %dma_start3A_32 = arith.constant 0 : i32
    %dma_start3A_33 = tpu.memref_slice %arg2[%add3A_28, %dma_start3A_32] : memref<320000x128xf32, #tpu.memory_space<hbm>> -> memref<80x128xf32, #tpu.memory_space<hbm>>
    tpu.enqueue_dma source(%dma_start3A_33 : memref<80x128xf32, #tpu.memory_space<hbm>>) target(%arg7 : memref<80x128xf32, #tpu.memory_space<vmem>>) target_semaphore(%arg13 : memref<!tpu.dma_semaphore, #tpu.memory_space<semaphore_mem>>)
    %scan3A_34 = arith.constant 0 : i32
    %scan3A_35 = arith.constant 62 : i32
    %scan3A_36 = arith.addi %scan3A_34, %scan3A_35 : i32
    %scan3A_37 = arith.constant 1 : i32
    scf.for %scan3A_69 = %scan3A_34 to %scan3A_36 step %scan3A_37  : i32 {
      %mul3A_70 = arith.constant 1 : i32
      %mul3A_71 = arith.muli %scan3A_69, %mul3A_70 : i32
      %add3A_72 = arith.constant 0 : i32
      %add3A_73 = arith.addi %add3A_72, %mul3A_71 : i32
      %mul3A_74 = arith.constant 2 : i32
      %mul3A_75 = arith.muli %add3A_73, %mul3A_74 : i32
      %add3A_76 = arith.constant 0 : i32
      %add3A_77 = arith.addi %mul3A_75, %add3A_76 : i32
      %add3A_78 = arith.constant 1 : i32
      %add3A_79 = arith.addi %add3A_77, %add3A_78 : i32
      %mul3A_80 = arith.constant 80 : i32
      %mul3A_81 = arith.muli %add3A_79, %mul3A_80 : i32
      %add3A_82 = arith.addi %mul3A_26, %mul3A_81 : i32
      %dma_start3A_83 = tpu.memref_slice %arg3[%add3A_82] : memref<320000xi32, #tpu.memory_space<hbm>> -> memref<80xi32, #tpu.memory_space<hbm>>
      %dma_start3A_84 = tpu.memref_slice %arg3[%add3A_82] : memref<320000xi32, #tpu.memory_space<hbm>> -> memref<80xi32, #tpu.memory_space<hbm>>
      tpu.enqueue_dma source(%dma_start3A_84 : memref<80xi32, #tpu.memory_space<hbm>>) target(%arg6 : memref<80xi32, #tpu.memory_space<vmem>>) target_semaphore(%arg12 : memref<!tpu.dma_semaphore, #tpu.memory_space<semaphore_mem>>)
      %dma_start3A_85 = arith.constant 0 : i32
      %dma_start3A_86 = tpu.memref_slice %arg2[%add3A_82, %dma_start3A_85] : memref<320000x128xf32, #tpu.memory_space<hbm>> -> memref<80x128xf32, #tpu.memory_space<hbm>>
      %dma_start3A_87 = arith.constant 0 : i32
      %dma_start3A_88 = tpu.memref_slice %arg2[%add3A_82, %dma_start3A_87] : memref<320000x128xf32, #tpu.memory_space<hbm>> -> memref<80x128xf32, #tpu.memory_space<hbm>>
      tpu.enqueue_dma source(%dma_start3A_88 : memref<80x128xf32, #tpu.memory_space<hbm>>) target(%arg8 : memref<80x128xf32, #tpu.memory_space<vmem>>) target_semaphore(%arg14 : memref<!tpu.dma_semaphore, #tpu.memory_space<semaphore_mem>>)
      %dma_wait3A_89 = arith.constant 0 : i32
      %dma_wait3A_90 = tpu.memref_slice %arg3[%dma_wait3A_89] : memref<320000xi32, #tpu.memory_space<hbm>> -> memref<80xi32, #tpu.memory_space<hbm>>
      %dma_wait3A_91 = arith.constant 0 : i32
      %dma_wait3A_92 = tpu.memref_slice %arg3[%dma_wait3A_91] : memref<320000xi32, #tpu.memory_space<hbm>> -> memref<80xi32, #tpu.memory_space<hbm>>
      tpu.wait_dma2 semaphore(%arg11 : memref<!tpu.dma_semaphore, #tpu.memory_space<semaphore_mem>>) src(%dma_wait3A_92 : memref<80xi32, #tpu.memory_space<hbm>>) dst(%arg5 : memref<80xi32, #tpu.memory_space<vmem>>)
      %dma_wait3A_93 = arith.constant 0 : i32
      %dma_wait3A_94 = arith.constant 0 : i32
      %dma_wait3A_95 = tpu.memref_slice %arg2[%dma_wait3A_93, %dma_wait3A_94] : memref<320000x128xf32, #tpu.memory_space<hbm>> -> memref<80x128xf32, #tpu.memory_space<hbm>>
      %dma_wait3A_96 = arith.constant 0 : i32
      %dma_wait3A_97 = arith.constant 0 : i32
      %dma_wait3A_98 = tpu.memref_slice %arg2[%dma_wait3A_96, %dma_wait3A_97] : memref<320000x128xf32, #tpu.memory_space<hbm>> -> memref<80x128xf32, #tpu.memory_space<hbm>>
      tpu.wait_dma2 semaphore(%arg13 : memref<!tpu.dma_semaphore, #tpu.memory_space<semaphore_mem>>) src(%dma_wait3A_98 : memref<80x128xf32, #tpu.memory_space<hbm>>) dst(%arg7 : memref<80x128xf32, #tpu.memory_space<vmem>>)
      "tpu.region"() ({
        %run_scoped3A = tpu.sem_alloc : memref<!tpu.dma_semaphore, #tpu.memory_space<semaphore_mem>>
        %dma_start3A_124 = arith.constant 0 : i32
        %dma_start3A_125 = arith.constant 0 : i32
        %dma_start3A_126 = tpu.memref_slice %arg10[%dma_start3A_124, %dma_start3A_125] : memref<10240x128xf32, #tpu.memory_space<vmem_shared>> -> memref<10240x128xf32, #tpu.memory_space<vmem_shared>>
        tpu.enqueue_indirect_dma source(%arg7 : memref<80x128xf32, #tpu.memory_space<vmem>>) target(%dma_start3A_126 : memref<10240x128xf32, #tpu.memory_space<vmem_shared>>) offsets(%arg5 : memref<80xi32, #tpu.memory_space<vmem>>) semaphore(%run_scoped3A : memref<!tpu.dma_semaphore, #tpu.memory_space<semaphore_mem>>) {add = true}
        %dma_wait3A_127 = arith.constant 0 : i32
        %dma_wait3A_128 = arith.constant 0 : i32
        %dma_wait3A_129 = tpu.memref_slice %arg10[%dma_wait3A_127, %dma_wait3A_128] : memref<10240x128xf32, #tpu.memory_space<vmem_shared>> -> memref<10240x128xf32, #tpu.memory_space<vmem_shared>>
        tpu.wait_indirect_dma semaphore(%run_scoped3A : memref<!tpu.dma_semaphore, #tpu.memory_space<semaphore_mem>>) src(%arg7 : memref<80x128xf32, #tpu.memory_space<vmem>>) dst(%dma_wait3A_129 : memref<10240x128xf32, #tpu.memory_space<vmem_shared>>)
        tpu.yield
      }) : () -> ()
      %mul3A_99 = arith.constant 2 : i32
      %mul3A_100 = arith.muli %add3A_73, %mul3A_99 : i32
      %add3A_101 = arith.constant 1 : i32
      %add3A_102 = arith.addi %mul3A_100, %add3A_101 : i32
      %add3A_103 = arith.constant 1 : i32
      %add3A_104 = arith.addi %add3A_102, %add3A_103 : i32
      %mul3A_105 = arith.constant 80 : i32
      %mul3A_106 = arith.muli %add3A_104, %mul3A_105 : i32
      %add3A_107 = arith.addi %mul3A_26, %mul3A_106 : i32
      %dma_start3A_108 = tpu.memref_slice %arg3[%add3A_107] : memref<320000xi32, #tpu.memory_space<hbm>> -> memref<80xi32, #tpu.memory_space<hbm>>
      %dma_start3A_109 = tpu.memref_slice %arg3[%add3A_107] : memref<320000xi32, #tpu.memory_space<hbm>> -> memref<80xi32, #tpu.memory_space<hbm>>
      tpu.enqueue_dma source(%dma_start3A_109 : memref<80xi32, #tpu.memory_space<hbm>>) target(%arg5 : memref<80xi32, #tpu.memory_space<vmem>>) target_semaphore(%arg11 : memref<!tpu.dma_semaphore, #tpu.memory_space<semaphore_mem>>)
      %dma_start3A_110 = arith.constant 0 : i32
      %dma_start3A_111 = tpu.memref_slice %arg2[%add3A_107, %dma_start3A_110] : memref<320000x128xf32, #tpu.memory_space<hbm>> -> memref<80x128xf32, #tpu.memory_space<hbm>>
      %dma_start3A_112 = arith.constant 0 : i32
      %dma_start3A_113 = tpu.memref_slice %arg2[%add3A_107, %dma_start3A_112] : memref<320000x128xf32, #tpu.memory_space<hbm>> -> memref<80x128xf32, #tpu.memory_space<hbm>>
      tpu.enqueue_dma source(%dma_start3A_113 : memref<80x128xf32, #tpu.memory_space<hbm>>) target(%arg7 : memref<80x128xf32, #tpu.memory_space<vmem>>) target_semaphore(%arg13 : memref<!tpu.dma_semaphore, #tpu.memory_space<semaphore_mem>>)
      %dma_wait3A_114 = arith.constant 0 : i32
      %dma_wait3A_115 = tpu.memref_slice %arg3[%dma_wait3A_114] : memref<320000xi32, #tpu.memory_space<hbm>> -> memref<80xi32, #tpu.memory_space<hbm>>
      %dma_wait3A_116 = arith.constant 0 : i32
      %dma_wait3A_117 = tpu.memref_slice %arg3[%dma_wait3A_116] : memref<320000xi32, #tpu.memory_space<hbm>> -> memref<80xi32, #tpu.memory_space<hbm>>
      tpu.wait_dma2 semaphore(%arg12 : memref<!tpu.dma_semaphore, #tpu.memory_space<semaphore_mem>>) src(%dma_wait3A_117 : memref<80xi32, #tpu.memory_space<hbm>>) dst(%arg6 : memref<80xi32, #tpu.memory_space<vmem>>)
      %dma_wait3A_118 = arith.constant 0 : i32
      %dma_wait3A_119 = arith.constant 0 : i32
      %dma_wait3A_120 = tpu.memref_slice %arg2[%dma_wait3A_118, %dma_wait3A_119] : memref<320000x128xf32, #tpu.memory_space<hbm>> -> memref<80x128xf32, #tpu.memory_space<hbm>>
      %dma_wait3A_121 = arith.constant 0 : i32
      %dma_wait3A_122 = arith.constant 0 : i32
      %dma_wait3A_123 = tpu.memref_slice %arg2[%dma_wait3A_121, %dma_wait3A_122] : memref<320000x128xf32, #tpu.memory_space<hbm>> -> memref<80x128xf32, #tpu.memory_space<hbm>>
      tpu.wait_dma2 semaphore(%arg14 : memref<!tpu.dma_semaphore, #tpu.memory_space<semaphore_mem>>) src(%dma_wait3A_123 : memref<80x128xf32, #tpu.memory_space<hbm>>) dst(%arg8 : memref<80x128xf32, #tpu.memory_space<vmem>>)
      "tpu.region"() ({
        %run_scoped3A = tpu.sem_alloc : memref<!tpu.dma_semaphore, #tpu.memory_space<semaphore_mem>>
        %dma_start3A_124 = arith.constant 0 : i32
        %dma_start3A_125 = arith.constant 0 : i32
        %dma_start3A_126 = tpu.memref_slice %arg10[%dma_start3A_124, %dma_start3A_125] : memref<10240x128xf32, #tpu.memory_space<vmem_shared>> -> memref<10240x128xf32, #tpu.memory_space<vmem_shared>>
        tpu.enqueue_indirect_dma source(%arg8 : memref<80x128xf32, #tpu.memory_space<vmem>>) target(%dma_start3A_126 : memref<10240x128xf32, #tpu.memory_space<vmem_shared>>) offsets(%arg6 : memref<80xi32, #tpu.memory_space<vmem>>) semaphore(%run_scoped3A : memref<!tpu.dma_semaphore, #tpu.memory_space<semaphore_mem>>) {add = true}
        %dma_wait3A_127 = arith.constant 0 : i32
        %dma_wait3A_128 = arith.constant 0 : i32
        %dma_wait3A_129 = tpu.memref_slice %arg10[%dma_wait3A_127, %dma_wait3A_128] : memref<10240x128xf32, #tpu.memory_space<vmem_shared>> -> memref<10240x128xf32, #tpu.memory_space<vmem_shared>>
        tpu.wait_indirect_dma semaphore(%run_scoped3A : memref<!tpu.dma_semaphore, #tpu.memory_space<semaphore_mem>>) src(%arg8 : memref<80x128xf32, #tpu.memory_space<vmem>>) dst(%dma_wait3A_129 : memref<10240x128xf32, #tpu.memory_space<vmem_shared>>)
        tpu.yield
      }) : () -> ()
    }
    %scan3A_38 = arith.constant 62 : i32
    %dma_wait3A = arith.constant 0 : i32
    %dma_wait3A_39 = tpu.memref_slice %arg3[%dma_wait3A] : memref<320000xi32, #tpu.memory_space<hbm>> -> memref<80xi32, #tpu.memory_space<hbm>>
    %dma_wait3A_40 = arith.constant 0 : i32
    %dma_wait3A_41 = tpu.memref_slice %arg3[%dma_wait3A_40] : memref<320000xi32, #tpu.memory_space<hbm>> -> memref<80xi32, #tpu.memory_space<hbm>>
    tpu.wait_dma2 semaphore(%arg11 : memref<!tpu.dma_semaphore, #tpu.memory_space<semaphore_mem>>) src(%dma_wait3A_41 : memref<80xi32, #tpu.memory_space<hbm>>) dst(%arg5 : memref<80xi32, #tpu.memory_space<vmem>>)
    %dma_wait3A_42 = arith.constant 0 : i32
    %dma_wait3A_43 = arith.constant 0 : i32
    %dma_wait3A_44 = tpu.memref_slice %arg2[%dma_wait3A_42, %dma_wait3A_43] : memref<320000x128xf32, #tpu.memory_space<hbm>> -> memref<80x128xf32, #tpu.memory_space<hbm>>
    %dma_wait3A_45 = arith.constant 0 : i32
    %dma_wait3A_46 = arith.constant 0 : i32
    %dma_wait3A_47 = tpu.memref_slice %arg2[%dma_wait3A_45, %dma_wait3A_46] : memref<320000x128xf32, #tpu.memory_space<hbm>> -> memref<80x128xf32, #tpu.memory_space<hbm>>
    tpu.wait_dma2 semaphore(%arg13 : memref<!tpu.dma_semaphore, #tpu.memory_space<semaphore_mem>>) src(%dma_wait3A_47 : memref<80x128xf32, #tpu.memory_space<hbm>>) dst(%arg7 : memref<80x128xf32, #tpu.memory_space<vmem>>)
    "tpu.region"() ({
      %run_scoped3A = tpu.sem_alloc : memref<!tpu.dma_semaphore, #tpu.memory_space<semaphore_mem>>
      %dma_start3A_69 = arith.constant 0 : i32
      %dma_start3A_70 = arith.constant 0 : i32
      %dma_start3A_71 = tpu.memref_slice %arg10[%dma_start3A_69, %dma_start3A_70] : memref<10240x128xf32, #tpu.memory_space<vmem_shared>> -> memref<10240x128xf32, #tpu.memory_space<vmem_shared>>
      tpu.enqueue_indirect_dma source(%arg7 : memref<80x128xf32, #tpu.memory_space<vmem>>) target(%dma_start3A_71 : memref<10240x128xf32, #tpu.memory_space<vmem_shared>>) offsets(%arg5 : memref<80xi32, #tpu.memory_space<vmem>>) semaphore(%run_scoped3A : memref<!tpu.dma_semaphore, #tpu.memory_space<semaphore_mem>>) {add = true}
      %dma_wait3A_72 = arith.constant 0 : i32
      %dma_wait3A_73 = arith.constant 0 : i32
      %dma_wait3A_74 = tpu.memref_slice %arg10[%dma_wait3A_72, %dma_wait3A_73] : memref<10240x128xf32, #tpu.memory_space<vmem_shared>> -> memref<10240x128xf32, #tpu.memory_space<vmem_shared>>
      tpu.wait_indirect_dma semaphore(%run_scoped3A : memref<!tpu.dma_semaphore, #tpu.memory_space<semaphore_mem>>) src(%arg7 : memref<80x128xf32, #tpu.memory_space<vmem>>) dst(%dma_wait3A_74 : memref<10240x128xf32, #tpu.memory_space<vmem_shared>>)
      tpu.yield
    }) : () -> ()
    %barrier3A_48 = arith.constant 0 : index
    tpu.barrier barrier_id(%barrier3A_48)
    %mul3A_49 = arith.constant 640 : i32
    %mul3A_50 = arith.muli %arg1, %mul3A_49 : i32
    %add3A_51 = arith.constant 0 : i32
    %add3A_52 = arith.addi %mul3A_50, %add3A_51 : i32
    "tpu.region"() ({
      %run_scoped3A = tpu.sem_alloc : memref<!tpu.dma_semaphore, #tpu.memory_space<semaphore_mem>>
      %dma_start3A_69 = arith.constant 0 : i32
      %dma_start3A_70 = tpu.memref_slice %arg4[%arg0, %add3A_52, %dma_start3A_69] : memref<2x10240x128xf32, #tpu.memory_space<hbm>> -> memref<1x128x128xf32, #tpu.memory_space<hbm>>
      %dma_start3A_71 = tpu.memref_squeeze %dma_start3A_70 : memref<1x128x128xf32, #tpu.memory_space<hbm>> -> memref<128x128xf32, #tpu.memory_space<hbm>>
      %dma_start3A_72 = arith.constant 0 : i32
      %dma_start3A_73 = tpu.memref_slice %arg10[%add3A_52, %dma_start3A_72] : memref<10240x128xf32, #tpu.memory_space<vmem_shared>> -> memref<128x128xf32, #tpu.memory_space<vmem_shared>>
      tpu.enqueue_dma source(%dma_start3A_73 : memref<128x128xf32, #tpu.memory_space<vmem_shared>>) target(%dma_start3A_71 : memref<128x128xf32, #tpu.memory_space<hbm>>) target_semaphore(%run_scoped3A : memref<!tpu.dma_semaphore, #tpu.memory_space<semaphore_mem>>)
      %dma_wait3A_74 = arith.constant 0 : i32
      %dma_wait3A_75 = tpu.memref_slice %arg4[%arg0, %add3A_52, %dma_wait3A_74] : memref<2x10240x128xf32, #tpu.memory_space<hbm>> -> memref<1x128x128xf32, #tpu.memory_space<hbm>>
      %dma_wait3A_76 = tpu.memref_squeeze %dma_wait3A_75 : memref<1x128x128xf32, #tpu.memory_space<hbm>> -> memref<128x128xf32, #tpu.memory_space<hbm>>
      %dma_wait3A_77 = arith.constant 0 : i32
      %dma_wait3A_78 = tpu.memref_slice %arg10[%add3A_52, %dma_wait3A_77] : memref<10240x128xf32, #tpu.memory_space<vmem_shared>> -> memref<128x128xf32, #tpu.memory_space<vmem_shared>>
      tpu.wait_dma2 semaphore(%run_scoped3A : memref<!tpu.dma_semaphore, #tpu.memory_space<semaphore_mem>>) src(%dma_wait3A_78 : memref<128x128xf32, #tpu.memory_space<vmem_shared>>) dst(%dma_wait3A_76 : memref<128x128xf32, #tpu.memory_space<hbm>>)
      tpu.yield
    }) : () -> ()
    %mul3A_53 = arith.constant 640 : i32
    %mul3A_54 = arith.muli %arg1, %mul3A_53 : i32
    %add3A_55 = arith.constant 128 : i32
    %add3A_56 = arith.addi %mul3A_54, %add3A_55 : i32
    "tpu.region"() ({
      %run_scoped3A = tpu.sem_alloc : memref<!tpu.dma_semaphore, #tpu.memory_space<semaphore_mem>>
      %dma_start3A_69 = arith.constant 0 : i32
      %dma_start3A_70 = tpu.memref_slice %arg4[%arg0, %add3A_56, %dma_start3A_69] : memref<2x10240x128xf32, #tpu.memory_space<hbm>> -> memref<1x128x128xf32, #tpu.memory_space<hbm>>
      %dma_start3A_71 = tpu.memref_squeeze %dma_start3A_70 : memref<1x128x128xf32, #tpu.memory_space<hbm>> -> memref<128x128xf32, #tpu.memory_space<hbm>>
      %dma_start3A_72 = arith.constant 0 : i32
      %dma_start3A_73 = tpu.memref_slice %arg10[%add3A_56, %dma_start3A_72] : memref<10240x128xf32, #tpu.memory_space<vmem_shared>> -> memref<128x128xf32, #tpu.memory_space<vmem_shared>>
      tpu.enqueue_dma source(%dma_start3A_73 : memref<128x128xf32, #tpu.memory_space<vmem_shared>>) target(%dma_start3A_71 : memref<128x128xf32, #tpu.memory_space<hbm>>) target_semaphore(%run_scoped3A : memref<!tpu.dma_semaphore, #tpu.memory_space<semaphore_mem>>)
      %dma_wait3A_74 = arith.constant 0 : i32
      %dma_wait3A_75 = tpu.memref_slice %arg4[%arg0, %add3A_56, %dma_wait3A_74] : memref<2x10240x128xf32, #tpu.memory_space<hbm>> -> memref<1x128x128xf32, #tpu.memory_space<hbm>>
      %dma_wait3A_76 = tpu.memref_squeeze %dma_wait3A_75 : memref<1x128x128xf32, #tpu.memory_space<hbm>> -> memref<128x128xf32, #tpu.memory_space<hbm>>
      %dma_wait3A_77 = arith.constant 0 : i32
      %dma_wait3A_78 = tpu.memref_slice %arg10[%add3A_56, %dma_wait3A_77] : memref<10240x128xf32, #tpu.memory_space<vmem_shared>> -> memref<128x128xf32, #tpu.memory_space<vmem_shared>>
      tpu.wait_dma2 semaphore(%run_scoped3A : memref<!tpu.dma_semaphore, #tpu.memory_space<semaphore_mem>>) src(%dma_wait3A_78 : memref<128x128xf32, #tpu.memory_space<vmem_shared>>) dst(%dma_wait3A_76 : memref<128x128xf32, #tpu.memory_space<hbm>>)
      tpu.yield
    }) : () -> ()
    %mul3A_57 = arith.constant 640 : i32
    %mul3A_58 = arith.muli %arg1, %mul3A_57 : i32
    %add3A_59 = arith.constant 256 : i32
    %add3A_60 = arith.addi %mul3A_58, %add3A_59 : i32
    "tpu.region"() ({
      %run_scoped3A = tpu.sem_alloc : memref<!tpu.dma_semaphore, #tpu.memory_space<semaphore_mem>>
      %dma_start3A_69 = arith.constant 0 : i32
      %dma_start3A_70 = tpu.memref_slice %arg4[%arg0, %add3A_60, %dma_start3A_69] : memref<2x10240x128xf32, #tpu.memory_space<hbm>> -> memref<1x128x128xf32, #tpu.memory_space<hbm>>
      %dma_start3A_71 = tpu.memref_squeeze %dma_start3A_70 : memref<1x128x128xf32, #tpu.memory_space<hbm>> -> memref<128x128xf32, #tpu.memory_space<hbm>>
      %dma_start3A_72 = arith.constant 0 : i32
      %dma_start3A_73 = tpu.memref_slice %arg10[%add3A_60, %dma_start3A_72] : memref<10240x128xf32, #tpu.memory_space<vmem_shared>> -> memref<128x128xf32, #tpu.memory_space<vmem_shared>>
      tpu.enqueue_dma source(%dma_start3A_73 : memref<128x128xf32, #tpu.memory_space<vmem_shared>>) target(%dma_start3A_71 : memref<128x128xf32, #tpu.memory_space<hbm>>) target_semaphore(%run_scoped3A : memref<!tpu.dma_semaphore, #tpu.memory_space<semaphore_mem>>)
      %dma_wait3A_74 = arith.constant 0 : i32
      %dma_wait3A_75 = tpu.memref_slice %arg4[%arg0, %add3A_60, %dma_wait3A_74] : memref<2x10240x128xf32, #tpu.memory_space<hbm>> -> memref<1x128x128xf32, #tpu.memory_space<hbm>>
      %dma_wait3A_76 = tpu.memref_squeeze %dma_wait3A_75 : memref<1x128x128xf32, #tpu.memory_space<hbm>> -> memref<128x128xf32, #tpu.memory_space<hbm>>
      %dma_wait3A_77 = arith.constant 0 : i32
      %dma_wait3A_78 = tpu.memref_slice %arg10[%add3A_60, %dma_wait3A_77] : memref<10240x128xf32, #tpu.memory_space<vmem_shared>> -> memref<128x128xf32, #tpu.memory_space<vmem_shared>>
      tpu.wait_dma2 semaphore(%run_scoped3A : memref<!tpu.dma_semaphore, #tpu.memory_space<semaphore_mem>>) src(%dma_wait3A_78 : memref<128x128xf32, #tpu.memory_space<vmem_shared>>) dst(%dma_wait3A_76 : memref<128x128xf32, #tpu.memory_space<hbm>>)
      tpu.yield
    }) : () -> ()
    %mul3A_61 = arith.constant 640 : i32
    %mul3A_62 = arith.muli %arg1, %mul3A_61 : i32
    %add3A_63 = arith.constant 384 : i32
    %add3A_64 = arith.addi %mul3A_62, %add3A_63 : i32
    "tpu.region"() ({
      %run_scoped3A = tpu.sem_alloc : memref<!tpu.dma_semaphore, #tpu.memory_space<semaphore_mem>>
      %dma_start3A_69 = arith.constant 0 : i32
      %dma_start3A_70 = tpu.memref_slice %arg4[%arg0, %add3A_64, %dma_start3A_69] : memref<2x10240x128xf32, #tpu.memory_space<hbm>> -> memref<1x128x128xf32, #tpu.memory_space<hbm>>
      %dma_start3A_71 = tpu.memref_squeeze %dma_start3A_70 : memref<1x128x128xf32, #tpu.memory_space<hbm>> -> memref<128x128xf32, #tpu.memory_space<hbm>>
      %dma_start3A_72 = arith.constant 0 : i32
      %dma_start3A_73 = tpu.memref_slice %arg10[%add3A_64, %dma_start3A_72] : memref<10240x128xf32, #tpu.memory_space<vmem_shared>> -> memref<128x128xf32, #tpu.memory_space<vmem_shared>>
      tpu.enqueue_dma source(%dma_start3A_73 : memref<128x128xf32, #tpu.memory_space<vmem_shared>>) target(%dma_start3A_71 : memref<128x128xf32, #tpu.memory_space<hbm>>) target_semaphore(%run_scoped3A : memref<!tpu.dma_semaphore, #tpu.memory_space<semaphore_mem>>)
      %dma_wait3A_74 = arith.constant 0 : i32
      %dma_wait3A_75 = tpu.memref_slice %arg4[%arg0, %add3A_64, %dma_wait3A_74] : memref<2x10240x128xf32, #tpu.memory_space<hbm>> -> memref<1x128x128xf32, #tpu.memory_space<hbm>>
      %dma_wait3A_76 = tpu.memref_squeeze %dma_wait3A_75 : memref<1x128x128xf32, #tpu.memory_space<hbm>> -> memref<128x128xf32, #tpu.memory_space<hbm>>
      %dma_wait3A_77 = arith.constant 0 : i32
      %dma_wait3A_78 = tpu.memref_slice %arg10[%add3A_64, %dma_wait3A_77] : memref<10240x128xf32, #tpu.memory_space<vmem_shared>> -> memref<128x128xf32, #tpu.memory_space<vmem_shared>>
      tpu.wait_dma2 semaphore(%run_scoped3A : memref<!tpu.dma_semaphore, #tpu.memory_space<semaphore_mem>>) src(%dma_wait3A_78 : memref<128x128xf32, #tpu.memory_space<vmem_shared>>) dst(%dma_wait3A_76 : memref<128x128xf32, #tpu.memory_space<hbm>>)
      tpu.yield
    }) : () -> ()
    %mul3A_65 = arith.constant 640 : i32
    %mul3A_66 = arith.muli %arg1, %mul3A_65 : i32
    %add3A_67 = arith.constant 512 : i32
    %add3A_68 = arith.addi %mul3A_66, %add3A_67 : i32
    "tpu.region"() ({
      %run_scoped3A = tpu.sem_alloc : memref<!tpu.dma_semaphore, #tpu.memory_space<semaphore_mem>>
      %dma_start3A_69 = arith.constant 0 : i32
      %dma_start3A_70 = tpu.memref_slice %arg4[%arg0, %add3A_68, %dma_start3A_69] : memref<2x10240x128xf32, #tpu.memory_space<hbm>> -> memref<1x128x128xf32, #tpu.memory_space<hbm>>
      %dma_start3A_71 = tpu.memref_squeeze %dma_start3A_70 : memref<1x128x128xf32, #tpu.memory_space<hbm>> -> memref<128x128xf32, #tpu.memory_space<hbm>>
      %dma_start3A_72 = arith.constant 0 : i32
      %dma_start3A_73 = tpu.memref_slice %arg10[%add3A_68, %dma_start3A_72] : memref<10240x128xf32, #tpu.memory_space<vmem_shared>> -> memref<128x128xf32, #tpu.memory_space<vmem_shared>>
      tpu.enqueue_dma source(%dma_start3A_73 : memref<128x128xf32, #tpu.memory_space<vmem_shared>>) target(%dma_start3A_71 : memref<128x128xf32, #tpu.memory_space<hbm>>) target_semaphore(%run_scoped3A : memref<!tpu.dma_semaphore, #tpu.memory_space<semaphore_mem>>)
      %dma_wait3A_74 = arith.constant 0 : i32
      %dma_wait3A_75 = tpu.memref_slice %arg4[%arg0, %add3A_68, %dma_wait3A_74] : memref<2x10240x128xf32, #tpu.memory_space<hbm>> -> memref<1x128x128xf32, #tpu.memory_space<hbm>>
      %dma_wait3A_76 = tpu.memref_squeeze %dma_wait3A_75 : memref<1x128x128xf32, #tpu.memory_space<hbm>> -> memref<128x128xf32, #tpu.memory_space<hbm>>
      %dma_wait3A_77 = arith.constant 0 : i32
      %dma_wait3A_78 = tpu.memref_slice %arg10[%add3A_68, %dma_wait3A_77] : memref<10240x128xf32, #tpu.memory_space<vmem_shared>> -> memref<128x128xf32, #tpu.memory_space<vmem_shared>>
      tpu.wait_dma2 semaphore(%run_scoped3A : memref<!tpu.dma_semaphore, #tpu.memory_space<semaphore_mem>>) src(%dma_wait3A_78 : memref<128x128xf32, #tpu.memory_space<vmem_shared>>) dst(%dma_wait3A_76 : memref<128x128xf32, #tpu.memory_space<hbm>>)
      tpu.yield
    }) : () -> ()
    return
  }
}

module attributes {stable_mosaic.version = 14 : i64} {
  func.func @_node1_body(%arg0: memref<10000x128xf32, #tpu.memory_space<vmem>>, %arg1: memref<1x128xf32, #tpu.memory_space<vmem>>, %arg2: memref<1x128xf32, #tpu.memory_space<vmem>>, %arg3: memref<128x128xf32, #tpu.memory_space<vmem>>, %arg4: memref<1x128xf32, #tpu.memory_space<vmem>>, %arg5: memref<128x128xf32, #tpu.memory_space<vmem>>, %arg6: memref<1x128xf32, #tpu.memory_space<vmem>>, %arg7: memref<512x256xf32, #tpu.memory_space<vmem>>, %arg8: memref<1x256xf32, #tpu.memory_space<vmem>>, %arg9: memref<10000x128xf32, #tpu.memory_space<vmem>>, %arg10: memref<10000x128xi32, #tpu.memory_space<vmem>>, %arg11: memref<10000x128xi32, #tpu.memory_space<vmem>>) attributes {dimension_semantics = [], scalar_prefetch = 0 : i64, scratch_operands = 0 : i64, tpu.core_type = #tpu.core_type<tc>} {
    %get3A = arith.constant 0 : index
    %get3A_0 = arith.constant 0 : index
    %get3A_1 = vector.load %arg0[%get3A, %get3A_0] : memref<10000x128xf32, #tpu.memory_space<vmem>>, vector<10000x128xf32>
    %reduce_sum3A = arith.constant dense<0.000000e+00> : vector<128xf32>
    %reduce_sum3A_2 = vector.multi_reduction <add>, %get3A_1, %reduce_sum3A [0] : vector<10000x128xf32> to vector<128xf32>
    %broadcast_in_dim3A = vector.shape_cast %reduce_sum3A_2 : vector<128xf32> to vector<1x128xf32>
    %div3A = arith.constant 1.000000e+04 : f32
    %div3A_3 = vector.broadcast %div3A : f32 to vector<1x128xf32>
    %div3A_4 = arith.divf %broadcast_in_dim3A, %div3A_3 : vector<1x128xf32>
    %sub3A = vector.broadcast %div3A_4 : vector<1x128xf32> to vector<10000x128xf32>
    %sub3A_5 = arith.subf %get3A_1, %sub3A : vector<10000x128xf32>
    %mul3A = arith.mulf %sub3A_5, %sub3A_5 : vector<10000x128xf32>
    %reduce_sum3A_6 = arith.constant dense<0.000000e+00> : vector<128xf32>
    %reduce_sum3A_7 = vector.multi_reduction <add>, %mul3A, %reduce_sum3A_6 [0] : vector<10000x128xf32> to vector<128xf32>
    %broadcast_in_dim3A_8 = vector.shape_cast %reduce_sum3A_7 : vector<128xf32> to vector<1x128xf32>
    %div3A_9 = arith.constant 1.000000e+04 : f32
    %div3A_10 = vector.broadcast %div3A_9 : f32 to vector<1x128xf32>
    %div3A_11 = arith.divf %broadcast_in_dim3A_8, %div3A_10 : vector<1x128xf32>
    %add3A = arith.constant 9.99999974E-6 : f32
    %add3A_12 = vector.broadcast %add3A : f32 to vector<1x128xf32>
    %add3A_13 = arith.addf %div3A_11, %add3A_12 : vector<1x128xf32>
    %rsqrt3A = math.rsqrt %add3A_13 : vector<1x128xf32>
    %mul3A_14 = vector.broadcast %rsqrt3A : vector<1x128xf32> to vector<10000x128xf32>
    %mul3A_15 = arith.mulf %sub3A_5, %mul3A_14 : vector<10000x128xf32>
    %get3A_16 = arith.constant 0 : index
    %get3A_17 = arith.constant 0 : index
    %get3A_18 = vector.load %arg1[%get3A_16, %get3A_17] : memref<1x128xf32, #tpu.memory_space<vmem>>, vector<1x128xf32>
    %mul3A_19 = vector.broadcast %get3A_18 : vector<1x128xf32> to vector<10000x128xf32>
    %mul3A_20 = arith.mulf %mul3A_15, %mul3A_19 : vector<10000x128xf32>
    %get3A_21 = arith.constant 0 : index
    %get3A_22 = arith.constant 0 : index
    %get3A_23 = vector.load %arg2[%get3A_21, %get3A_22] : memref<1x128xf32, #tpu.memory_space<vmem>>, vector<1x128xf32>
    %add3A_24 = vector.broadcast %get3A_23 : vector<1x128xf32> to vector<10000x128xf32>
    %add3A_25 = arith.addf %mul3A_20, %add3A_24 : vector<10000x128xf32>
    %swap3A = arith.constant 0 : index
    %swap3A_26 = arith.constant 0 : index
    %swap3A_27 = vector.load %arg9[%swap3A, %swap3A_26] : memref<10000x128xf32, #tpu.memory_space<vmem>>, vector<10000x128xf32>
    tpu.vector_store %arg9[%swap3A, %swap3A_26], %add3A_25 {strides = array<i32>} : memref<10000x128xf32, #tpu.memory_space<vmem>>, vector<10000x128xf32>,
    %get3A_28 = arith.constant 0 : index
    %get3A_29 = arith.constant 0 : index
    %get3A_30 = vector.load %arg3[%get3A_28, %get3A_29] : memref<128x128xf32, #tpu.memory_space<vmem>>, vector<128x128xf32>
    %dot_general3A = arith.constant dense<0.000000e+00> : vector<10000x128xf32>
    %dot_general3A_31 = tpu.matmul %add3A_25, %get3A_30, %dot_general3A {dimension_numbers = #tpu.dot_dimension_numbers<[1], [0], [0], [1], [0, 0, 1, 1], [], []>, transpose_lhs_hint = false} : vector<10000x128xf32>, vector<128x128xf32>, vector<10000x128xf32> -> vector<10000x128xf32>
    %get3A_32 = arith.constant 0 : index
    %get3A_33 = arith.constant 0 : index
    %get3A_34 = vector.load %arg4[%get3A_32, %get3A_33] : memref<1x128xf32, #tpu.memory_space<vmem>>, vector<1x128xf32>
    %add3A_35 = vector.broadcast %get3A_34 : vector<1x128xf32> to vector<10000x128xf32>
    %add3A_36 = arith.addf %dot_general3A_31, %add3A_35 : vector<10000x128xf32>
    %max3A = arith.constant 0.000000e+00 : f32
    %max3A_37 = vector.broadcast %max3A : f32 to vector<10000x128xf32>
    %max3A_38 = arith.maximumf %add3A_36, %max3A_37 : vector<10000x128xf32>
    %get3A_39 = arith.constant 0 : index
    %get3A_40 = arith.constant 0 : index
    %get3A_41 = vector.load %arg5[%get3A_39, %get3A_40] : memref<128x128xf32, #tpu.memory_space<vmem>>, vector<128x128xf32>
    %dot_general3A_42 = arith.constant dense<0.000000e+00> : vector<10000x128xf32>
    %dot_general3A_43 = tpu.matmul %max3A_38, %get3A_41, %dot_general3A_42 {dimension_numbers = #tpu.dot_dimension_numbers<[1], [0], [0], [1], [0, 0, 1, 1], [], []>, transpose_lhs_hint = false} : vector<10000x128xf32>, vector<128x128xf32>, vector<10000x128xf32> -> vector<10000x128xf32>
    %get3A_44 = arith.constant 0 : index
    %get3A_45 = arith.constant 0 : index
    %get3A_46 = vector.load %arg6[%get3A_44, %get3A_45] : memref<1x128xf32, #tpu.memory_space<vmem>>, vector<1x128xf32>
    %add3A_47 = vector.broadcast %get3A_46 : vector<1x128xf32> to vector<10000x128xf32>
    %add3A_48 = arith.addf %dot_general3A_43, %add3A_47 : vector<10000x128xf32>
    %tanh3A = math.tanh %add3A_48 : vector<10000x128xf32>
    %concatenate3A = tpu.concatenate %tanh3A, %add3A_25 in 1 : vector<10000x128xf32>, vector<10000x128xf32> -> vector<10000x256xf32>
    %get3A_49 = arith.constant 0 : index
    %get3A_50 = arith.constant 0 : index
    %get3A_51 = vector.load %arg7[%get3A_49, %get3A_50] : memref<512x256xf32, #tpu.memory_space<vmem>>, vector<512x256xf32>
    %slice3A = vector.extract_strided_slice %get3A_51 {offsets = [256, 0], sizes = [256, 256], strides = [1, 1]} : vector<512x256xf32> to vector<256x256xf32>
    %slice3A_52 = vector.extract_strided_slice %get3A_51 {offsets = [0, 0], sizes = [256, 256], strides = [1, 1]} : vector<512x256xf32> to vector<256x256xf32>
    %sub3A_53 = arith.subf %slice3A_52, %slice3A : vector<256x256xf32>
    %dot_general3A_54 = arith.constant dense<0.000000e+00> : vector<10000x256xf32>
    %dot_general3A_55 = tpu.matmul %concatenate3A, %sub3A_53, %dot_general3A_54 {dimension_numbers = #tpu.dot_dimension_numbers<[1], [0], [0], [1], [0, 0, 1, 1], [], []>, transpose_lhs_hint = false} : vector<10000x256xf32>, vector<256x256xf32>, vector<10000x256xf32> -> vector<10000x256xf32>
    %get3A_56 = arith.constant 0 : index
    %get3A_57 = arith.constant 0 : index
    %get3A_58 = vector.load %arg8[%get3A_56, %get3A_57] : memref<1x256xf32, #tpu.memory_space<vmem>>, vector<1x256xf32>
    %add3A_59 = vector.broadcast %get3A_58 : vector<1x256xf32> to vector<10000x256xf32>
    %add3A_60 = arith.addf %dot_general3A_55, %add3A_59 : vector<10000x256xf32>
    %convert_element_type3A = arith.truncf %add3A_60 : vector<10000x256xf32> to vector<10000x256xbf16>
    %reshape3A = vector.shape_cast %convert_element_type3A : vector<10000x256xbf16> to vector<20000x128xbf16>
    %bitcast3A = tpu.bitcast %reshape3A : vector<20000x128xbf16> -> vector<10000x128xi32>
    %swap3A_61 = arith.constant 0 : index
    %swap3A_62 = arith.constant 0 : index
    %swap3A_63 = vector.load %arg10[%swap3A_61, %swap3A_62] : memref<10000x128xi32, #tpu.memory_space<vmem>>, vector<10000x128xi32>
    tpu.vector_store %arg10[%swap3A_61, %swap3A_62], %bitcast3A {strides = array<i32>} : memref<10000x128xi32, #tpu.memory_space<vmem>>, vector<10000x128xi32>,
    %dot_general3A_64 = arith.constant dense<0.000000e+00> : vector<10000x256xf32>
    %dot_general3A_65 = tpu.matmul %concatenate3A, %slice3A, %dot_general3A_64 {dimension_numbers = #tpu.dot_dimension_numbers<[1], [0], [0], [1], [0, 0, 1, 1], [], []>, transpose_lhs_hint = false} : vector<10000x256xf32>, vector<256x256xf32>, vector<10000x256xf32> -> vector<10000x256xf32>
    %convert_element_type3A_66 = arith.truncf %dot_general3A_65 : vector<10000x256xf32> to vector<10000x256xbf16>
    %reshape3A_67 = vector.shape_cast %convert_element_type3A_66 : vector<10000x256xbf16> to vector<20000x128xbf16>
    %bitcast3A_68 = tpu.bitcast %reshape3A_67 : vector<20000x128xbf16> -> vector<10000x128xi32>
    %swap3A_69 = arith.constant 0 : index
    %swap3A_70 = arith.constant 0 : index
    %swap3A_71 = vector.load %arg11[%swap3A_69, %swap3A_70] : memref<10000x128xi32, #tpu.memory_space<vmem>>, vector<10000x128xi32>
    tpu.vector_store %arg11[%swap3A_69, %swap3A_70], %bitcast3A_68 {strides = array<i32>} : memref<10000x128xi32, #tpu.memory_space<vmem>>, vector<10000x128xi32>,
    return
  }
}

module attributes {stable_mosaic.version = 14 : i64} {
  func.func @_conv2_body(%arg0: i32, %arg1: memref<8000x128xi32, #tpu.memory_space<vmem>>, %arg2: memref<8000x128xi32, #tpu.memory_space<vmem>>, %arg3: memref<256x128xbf16, #tpu.memory_space<vmem>>, %arg4: memref<1x128xf32, #tpu.memory_space<vmem>>, %arg5: memref<8000x128xf32, #tpu.memory_space<vmem>>) attributes {dimension_semantics = [#tpu.dimension_semantics<arbitrary>], iteration_bounds = array<i64: 40>, scalar_prefetch = 0 : i64, scratch_operands = 0 : i64, tpu.core_type = #tpu.core_type<tc>, window_params = [{transform_indices = @transform_0, window_bounds = array<i64: 8000, 128>}, {transform_indices = @transform_1, window_bounds = array<i64: 8000, 128>}, {pipeline_mode = #tpu.pipeline_mode<synchronous>, transform_indices = @transform_2, window_bounds = array<i64: 256, 128>}, {pipeline_mode = #tpu.pipeline_mode<synchronous>, transform_indices = @transform_3, window_bounds = array<i64: 1, 128>}, {transform_indices = @transform_4, window_bounds = array<i64: 8000, 128>}]} {
    %get3A = arith.constant 0 : index
    %get3A_0 = arith.constant 0 : index
    %get3A_1 = vector.load %arg1[%get3A, %get3A_0] : memref<8000x128xi32, #tpu.memory_space<vmem>>, vector<8000x128xi32>
    %bitcast3A = tpu.bitcast %get3A_1 : vector<8000x128xi32> -> vector<16000x128xbf16>
    %get3A_2 = arith.constant 0 : index
    %get3A_3 = arith.constant 0 : index
    %get3A_4 = vector.load %arg2[%get3A_2, %get3A_3] : memref<8000x128xi32, #tpu.memory_space<vmem>>, vector<8000x128xi32>
    %bitcast3A_5 = tpu.bitcast %get3A_4 : vector<8000x128xi32> -> vector<16000x128xbf16>
    %add3A = arith.addf %bitcast3A, %bitcast3A_5 : vector<16000x128xbf16>
    %max3A = arith.constant 0.000000e+00 : bf16
    %max3A_6 = vector.broadcast %max3A : bf16 to vector<16000x128xbf16>
    %max3A_7 = arith.maximumf %add3A, %max3A_6 : vector<16000x128xbf16>
    %reshape3A = vector.shape_cast %max3A_7 : vector<16000x128xbf16> to vector<8000x256xbf16>
    %get3A_8 = arith.constant 0 : index
    %get3A_9 = arith.constant 0 : index
    %get3A_10 = vector.load %arg3[%get3A_8, %get3A_9] : memref<256x128xbf16, #tpu.memory_space<vmem>>, vector<256x128xbf16>
    %dot_general3A = arith.constant dense<0.000000e+00> : vector<8000x128xf32>
    %dot_general3A_11 = tpu.matmul %reshape3A, %get3A_10, %dot_general3A {dimension_numbers = #tpu.dot_dimension_numbers<[1], [0], [0], [1], [0, 0, 1, 1], [], []>, transpose_lhs_hint = false} : vector<8000x256xbf16>, vector<256x128xbf16>, vector<8000x128xf32> -> vector<8000x128xf32>
    %get3A_12 = arith.constant 0 : index
    %get3A_13 = arith.constant 0 : index
    %get3A_14 = vector.load %arg4[%get3A_12, %get3A_13] : memref<1x128xf32, #tpu.memory_space<vmem>>, vector<1x128xf32>
    %add3A_15 = vector.broadcast %get3A_14 : vector<1x128xf32> to vector<8000x128xf32>
    %add3A_16 = arith.addf %dot_general3A_11, %add3A_15 : vector<8000x128xf32>
    %tanh3A = math.tanh %add3A_16 : vector<8000x128xf32>
    %swap3A = arith.constant 0 : index
    %swap3A_17 = arith.constant 0 : index
    %swap3A_18 = vector.load %arg5[%swap3A, %swap3A_17] : memref<8000x128xf32, #tpu.memory_space<vmem>>, vector<8000x128xf32>
    tpu.vector_store %arg5[%swap3A, %swap3A_17], %tanh3A {strides = array<i32>} : memref<8000x128xf32, #tpu.memory_space<vmem>>, vector<8000x128xf32>,
    return
  }
  func.func @transform_0(%arg0: i32) -> (i32, i32) {
    %c0_i32 = arith.constant 0 : i32
    %c0_i32_0 = arith.constant 0 : i32
    return %arg0, %c0_i32 : i32, i32
  }
  func.func @transform_1(%arg0: i32) -> (i32, i32) {
    %c0_i32 = arith.constant 0 : i32
    %c0_i32_0 = arith.constant 0 : i32
    return %arg0, %c0_i32 : i32, i32
  }
  func.func @transform_2(%arg0: i32) -> (i32, i32) {
    %c0_i32 = arith.constant 0 : i32
    %c0_i32_0 = arith.constant 0 : i32
    %c0_i32_1 = arith.constant 0 : i32
    return %c0_i32, %c0_i32_0 : i32, i32
  }
  func.func @transform_3(%arg0: i32) -> (i32, i32) {
    %c0_i32 = arith.constant 0 : i32
    %c0_i32_0 = arith.constant 0 : i32
    %c0_i32_1 = arith.constant 0 : i32
    return %c0_i32, %c0_i32_0 : i32, i32
  }
  func.func @transform_4(%arg0: i32) -> (i32, i32) {
    %c0_i32 = arith.constant 0 : i32
    %c0_i32_0 = arith.constant 0 : i32
    return %arg0, %c0_i32 : i32, i32
  }
}

module attributes {stable_mosaic.version = 14 : i64} {
  func.func @_node2_body(%arg0: i32, %arg1: memref<1x2000x128xf32, #tpu.memory_space<vmem>>, %arg2: memref<1x2000x128xf32, #tpu.memory_space<vmem>>, %arg3: memref<2000x128xf32, #tpu.memory_space<vmem>>, %arg4: memref<512x256xf32, #tpu.memory_space<vmem>>, %arg5: memref<1x256xf32, #tpu.memory_space<vmem>>, %arg6: memref<2000x128xi32, #tpu.memory_space<vmem>>, %arg7: memref<2000x128xi32, #tpu.memory_space<vmem>>) attributes {dimension_semantics = [#tpu.dimension_semantics<arbitrary>], iteration_bounds = array<i64: 5>, scalar_prefetch = 0 : i64, scratch_operands = 0 : i64, tpu.core_type = #tpu.core_type<tc>, window_params = [{transform_indices = @transform_0, window_bounds = array<i64: 1, 2000, 128>}, {transform_indices = @transform_1, window_bounds = array<i64: 1, 2000, 128>}, {transform_indices = @transform_2, window_bounds = array<i64: 2000, 128>}, {pipeline_mode = #tpu.pipeline_mode<synchronous>, transform_indices = @transform_3, window_bounds = array<i64: 512, 256>}, {pipeline_mode = #tpu.pipeline_mode<synchronous>, transform_indices = @transform_4, window_bounds = array<i64: 1, 256>}, {transform_indices = @transform_5, window_bounds = array<i64: 2000, 128>}, {transform_indices = @transform_6, window_bounds = array<i64: 2000, 128>}]} {
    %get3A = arith.constant 0 : index
    %get3A_0 = arith.constant 0 : index
    %get3A_1 = arith.constant 0 : index
    %get3A_2 = vector.load %arg1[%get3A, %get3A_0, %get3A_1] : memref<1x2000x128xf32, #tpu.memory_space<vmem>>, vector<1x2000x128xf32>
    %get3A_3 = vector.shape_cast %get3A_2 : vector<1x2000x128xf32> to vector<2000x128xf32>
    %get3A_4 = arith.constant 0 : index
    %get3A_5 = arith.constant 0 : index
    %get3A_6 = arith.constant 0 : index
    %get3A_7 = vector.load %arg2[%get3A_4, %get3A_5, %get3A_6] : memref<1x2000x128xf32, #tpu.memory_space<vmem>>, vector<1x2000x128xf32>
    %get3A_8 = vector.shape_cast %get3A_7 : vector<1x2000x128xf32> to vector<2000x128xf32>
    %add3A = arith.addf %get3A_3, %get3A_8 : vector<2000x128xf32>
    %get3A_9 = arith.constant 0 : index
    %get3A_10 = arith.constant 0 : index
    %get3A_11 = vector.load %arg3[%get3A_9, %get3A_10] : memref<2000x128xf32, #tpu.memory_space<vmem>>, vector<2000x128xf32>
    %concatenate3A = tpu.concatenate %add3A, %get3A_11 in 1 : vector<2000x128xf32>, vector<2000x128xf32> -> vector<2000x256xf32>
    %get3A_12 = arith.constant 0 : index
    %get3A_13 = arith.constant 0 : index
    %get3A_14 = vector.load %arg4[%get3A_12, %get3A_13] : memref<512x256xf32, #tpu.memory_space<vmem>>, vector<512x256xf32>
    %slice3A = vector.extract_strided_slice %get3A_14 {offsets = [0, 0], sizes = [256, 256], strides = [1, 1]} : vector<512x256xf32> to vector<256x256xf32>
    %dot_general3A = arith.constant dense<0.000000e+00> : vector<2000x256xf32>
    %dot_general3A_15 = tpu.matmul %concatenate3A, %slice3A, %dot_general3A {dimension_numbers = #tpu.dot_dimension_numbers<[1], [0], [0], [1], [0, 0, 1, 1], [], []>, transpose_lhs_hint = false} : vector<2000x256xf32>, vector<256x256xf32>, vector<2000x256xf32> -> vector<2000x256xf32>
    %get3A_16 = arith.constant 0 : index
    %get3A_17 = arith.constant 0 : index
    %get3A_18 = vector.load %arg5[%get3A_16, %get3A_17] : memref<1x256xf32, #tpu.memory_space<vmem>>, vector<1x256xf32>
    %add3A_19 = vector.broadcast %get3A_18 : vector<1x256xf32> to vector<2000x256xf32>
    %add3A_20 = arith.addf %dot_general3A_15, %add3A_19 : vector<2000x256xf32>
    %convert_element_type3A = arith.truncf %add3A_20 : vector<2000x256xf32> to vector<2000x256xbf16>
    %reshape3A = vector.shape_cast %convert_element_type3A : vector<2000x256xbf16> to vector<4000x128xbf16>
    %bitcast3A = tpu.bitcast %reshape3A : vector<4000x128xbf16> -> vector<2000x128xi32>
    %swap3A = arith.constant 0 : index
    %swap3A_21 = arith.constant 0 : index
    %swap3A_22 = vector.load %arg6[%swap3A, %swap3A_21] : memref<2000x128xi32, #tpu.memory_space<vmem>>, vector<2000x128xi32>
    tpu.vector_store %arg6[%swap3A, %swap3A_21], %bitcast3A {strides = array<i32>} : memref<2000x128xi32, #tpu.memory_space<vmem>>, vector<2000x128xi32>,
    %slice3A_23 = vector.extract_strided_slice %get3A_14 {offsets = [256, 0], sizes = [256, 256], strides = [1, 1]} : vector<512x256xf32> to vector<256x256xf32>
    %dot_general3A_24 = arith.constant dense<0.000000e+00> : vector<2000x256xf32>
    %dot_general3A_25 = tpu.matmul %concatenate3A, %slice3A_23, %dot_general3A_24 {dimension_numbers = #tpu.dot_dimension_numbers<[1], [0], [0], [1], [0, 0, 1, 1], [], []>, transpose_lhs_hint = false} : vector<2000x256xf32>, vector<256x256xf32>, vector<2000x256xf32> -> vector<2000x256xf32>
    %convert_element_type3A_26 = arith.truncf %dot_general3A_25 : vector<2000x256xf32> to vector<2000x256xbf16>
    %reshape3A_27 = vector.shape_cast %convert_element_type3A_26 : vector<2000x256xbf16> to vector<4000x128xbf16>
    %bitcast3A_28 = tpu.bitcast %reshape3A_27 : vector<4000x128xbf16> -> vector<2000x128xi32>
    %swap3A_29 = arith.constant 0 : index
    %swap3A_30 = arith.constant 0 : index
    %swap3A_31 = vector.load %arg7[%swap3A_29, %swap3A_30] : memref<2000x128xi32, #tpu.memory_space<vmem>>, vector<2000x128xi32>
    tpu.vector_store %arg7[%swap3A_29, %swap3A_30], %bitcast3A_28 {strides = array<i32>} : memref<2000x128xi32, #tpu.memory_space<vmem>>, vector<2000x128xi32>,
    return
  }
  func.func @transform_0(%arg0: i32) -> (i32, i32, i32) {
    %c0_i32 = arith.constant 0 : i32
    %c0_i32_0 = arith.constant 0 : i32
    %c0_i32_1 = arith.constant 0 : i32
    return %c0_i32, %arg0, %c0_i32_0 : i32, i32, i32
  }
  func.func @transform_1(%arg0: i32) -> (i32, i32, i32) {
    %c1_i32 = arith.constant 1 : i32
    %c0_i32 = arith.constant 0 : i32
    %c0_i32_0 = arith.constant 0 : i32
    return %c1_i32, %arg0, %c0_i32 : i32, i32, i32
  }
  func.func @transform_2(%arg0: i32) -> (i32, i32) {
    %c0_i32 = arith.constant 0 : i32
    %c0_i32_0 = arith.constant 0 : i32
    return %arg0, %c0_i32 : i32, i32
  }
  func.func @transform_3(%arg0: i32) -> (i32, i32) {
    %c0_i32 = arith.constant 0 : i32
    %c0_i32_0 = arith.constant 0 : i32
    %c0_i32_1 = arith.constant 0 : i32
    return %c0_i32, %c0_i32_0 : i32, i32
  }
  func.func @transform_4(%arg0: i32) -> (i32, i32) {
    %c0_i32 = arith.constant 0 : i32
    %c0_i32_0 = arith.constant 0 : i32
    %c0_i32_1 = arith.constant 0 : i32
    return %c0_i32, %c0_i32_0 : i32, i32
  }
  func.func @transform_5(%arg0: i32) -> (i32, i32) {
    %c0_i32 = arith.constant 0 : i32
    %c0_i32_0 = arith.constant 0 : i32
    return %arg0, %c0_i32 : i32, i32
  }
  func.func @transform_6(%arg0: i32) -> (i32, i32) {
    %c0_i32 = arith.constant 0 : i32
    %c0_i32_0 = arith.constant 0 : i32
    return %arg0, %c0_i32 : i32, i32
  }
}

module attributes {stable_mosaic.version = 14 : i64} {
  func.func @_edgered_body(%arg0: i32, %arg1: memref<8000x128xi32, #tpu.memory_space<vmem>>, %arg2: memref<8000x128xi32, #tpu.memory_space<vmem>>, %arg3: memref<1x256xbf16, #tpu.memory_space<vmem>>, %arg4: memref<1x1xf32, #tpu.memory_space<vmem>>, %arg5: memref<1x1x8000xf32, #tpu.memory_space<vmem>>) attributes {dimension_semantics = [#tpu.dimension_semantics<arbitrary>], iteration_bounds = array<i64: 40>, scalar_prefetch = 0 : i64, scratch_operands = 0 : i64, tpu.core_type = #tpu.core_type<tc>, window_params = [{transform_indices = @transform_0, window_bounds = array<i64: 8000, 128>}, {transform_indices = @transform_1, window_bounds = array<i64: 8000, 128>}, {pipeline_mode = #tpu.pipeline_mode<synchronous>, transform_indices = @transform_2, window_bounds = array<i64: 1, 256>}, {pipeline_mode = #tpu.pipeline_mode<synchronous>, transform_indices = @transform_3, window_bounds = array<i64: 1, 1>}, {transform_indices = @transform_4, window_bounds = array<i64: 1, 1, 8000>}]} {
    %get3A = arith.constant 0 : index
    %get3A_0 = arith.constant 0 : index
    %get3A_1 = vector.load %arg1[%get3A, %get3A_0] : memref<8000x128xi32, #tpu.memory_space<vmem>>, vector<8000x128xi32>
    %bitcast3A = tpu.bitcast %get3A_1 : vector<8000x128xi32> -> vector<16000x128xbf16>
    %get3A_2 = arith.constant 0 : index
    %get3A_3 = arith.constant 0 : index
    %get3A_4 = vector.load %arg2[%get3A_2, %get3A_3] : memref<8000x128xi32, #tpu.memory_space<vmem>>, vector<8000x128xi32>
    %bitcast3A_5 = tpu.bitcast %get3A_4 : vector<8000x128xi32> -> vector<16000x128xbf16>
    %add3A = arith.addf %bitcast3A, %bitcast3A_5 : vector<16000x128xbf16>
    %max3A = arith.constant 0.000000e+00 : bf16
    %max3A_6 = vector.broadcast %max3A : bf16 to vector<16000x128xbf16>
    %max3A_7 = arith.maximumf %add3A, %max3A_6 : vector<16000x128xbf16>
    %reshape3A = vector.shape_cast %max3A_7 : vector<16000x128xbf16> to vector<8000x256xbf16>
    %get3A_8 = arith.constant 0 : index
    %get3A_9 = arith.constant 0 : index
    %get3A_10 = vector.load %arg3[%get3A_8, %get3A_9] : memref<1x256xbf16, #tpu.memory_space<vmem>>, vector<1x256xbf16>
    %dot_general3A = arith.constant dense<0.000000e+00> : vector<1x8000xf32>
    %dot_general3A_11 = tpu.matmul %get3A_10, %reshape3A, %dot_general3A {dimension_numbers = #tpu.dot_dimension_numbers<[1], [1], [0], [0], [0, 0, 1, 0], [], []>, transpose_lhs_hint = false} : vector<1x256xbf16>, vector<8000x256xbf16>, vector<1x8000xf32> -> vector<1x8000xf32>
    %get3A_12 = arith.constant 0 : index
    %get3A_13 = arith.constant 0 : index
    %get3A_14 = vector.load %arg4[%get3A_12, %get3A_13] : memref<1x1xf32, #tpu.memory_space<vmem>>, vector<1x1xf32>
    %get3A_15 = vector.extract %get3A_14[0, 0] : f32 from vector<1x1xf32>
    %add3A_16 = vector.broadcast %get3A_15 : f32 to vector<1x8000xf32>
    %add3A_17 = arith.addf %dot_general3A_11, %add3A_16 : vector<1x8000xf32>
    %neg3A = arith.constant 0.000000e+00 : f32
    %neg3A_18 = vector.broadcast %neg3A : f32 to vector<1x8000xf32>
    %neg3A_19 = arith.subf %neg3A_18, %add3A_17 : vector<1x8000xf32>
    %exp3A = math.exp %neg3A_19 : vector<1x8000xf32>
    %add3A_20 = arith.constant 1.000000e+00 : f32
    %add3A_21 = vector.broadcast %add3A_20 : f32 to vector<1x8000xf32>
    %add3A_22 = arith.addf %add3A_21, %exp3A : vector<1x8000xf32>
    %div3A = arith.constant 1.000000e+00 : f32
    %div3A_23 = vector.broadcast %div3A : f32 to vector<1x8000xf32>
    %div3A_24 = arith.divf %div3A_23, %add3A_22 : vector<1x8000xf32>
    %reshape3A_25 = vector.shape_cast %div3A_24 : vector<1x8000xf32> to vector<1x1x8000xf32>
    %swap3A = arith.constant 0 : index
    %swap3A_26 = arith.constant 0 : index
    %swap3A_27 = arith.constant 0 : index
    %swap3A_28 = vector.load %arg5[%swap3A, %swap3A_26, %swap3A_27] : memref<1x1x8000xf32, #tpu.memory_space<vmem>>, vector<1x1x8000xf32>
    tpu.vector_store %arg5[%swap3A, %swap3A_26, %swap3A_27], %reshape3A_25 {strides = array<i32>} : memref<1x1x8000xf32, #tpu.memory_space<vmem>>, vector<1x1x8000xf32>,
    return
  }
  func.func @transform_0(%arg0: i32) -> (i32, i32) {
    %c0_i32 = arith.constant 0 : i32
    %c0_i32_0 = arith.constant 0 : i32
    return %arg0, %c0_i32 : i32, i32
  }
  func.func @transform_1(%arg0: i32) -> (i32, i32) {
    %c0_i32 = arith.constant 0 : i32
    %c0_i32_0 = arith.constant 0 : i32
    return %arg0, %c0_i32 : i32, i32
  }
  func.func @transform_2(%arg0: i32) -> (i32, i32) {
    %c0_i32 = arith.constant 0 : i32
    %c0_i32_0 = arith.constant 0 : i32
    %c0_i32_1 = arith.constant 0 : i32
    return %c0_i32, %c0_i32_0 : i32, i32
  }
  func.func @transform_3(%arg0: i32) -> (i32, i32) {
    %c0_i32 = arith.constant 0 : i32
    %c0_i32_0 = arith.constant 0 : i32
    %c0_i32_1 = arith.constant 0 : i32
    return %c0_i32, %c0_i32_0 : i32, i32
  }
  func.func @transform_4(%arg0: i32) -> (i32, i32, i32) {
    %c0_i32 = arith.constant 0 : i32
    %c0_i32_0 = arith.constant 0 : i32
    %c0_i32_1 = arith.constant 0 : i32
    return %arg0, %c0_i32, %c0_i32_0 : i32, i32, i32
  }
}

</mosaic_0001>

<sc_bundles>
// kernel: kernel.12.cloned.1.call-start
scs
__scs_entry_jumppad:
0x0: {  	(pc) =	sbr.rel $0x88, $3  }
0x1: {  	(tag) =	ssettag $0x0;
	lr =	simm.s32 $0x1  }
0x2: {  	[smem:$0x3F91] =	sst lr;
	_ =	strace $0xD0000000  }
0x3: {  	_ = 	snop  }
0x4: {  	_ = 	snop  }
0x5: {  	_ = 	snop  }
0x6: {  	_ = 	snop  }
0x7: {  	_ = 	snop  }
__scs_overlays_trampoline_lowered:
0x8: {  	[smem:$0x3FA0] =	sst s0  }
0x9: {  	[smem:$0x3FA1] =	sst s1  }
0xa: {  	[smem:$0x3FA2] =	sst s2  }
0xb: {  	[smem:$0x3FA3] =	sst s3  }
0xc: {  	[smem:$0x3FA4] =	sst s4  }
0xd: {  	[smem:$0x3FA5] =	sst s5  }
0xe: {  	[smem:$0x3FA6] =	sst s6  }
0xf: {  	[smem:$0x3FA7] =	sst s7  }
0x10: {  	[smem:$0x3FA8] =	sst s8  }
0x11: {  	[smem:$0x3FA9] =	sst s9;
	s0 =	simm.s32 @!p0 $0x0  }
0x12: {  	s1 =	sld [smem:$0x3F8F];
	s0 =	simm.s32 @p0 $0x1  }
0x13: {  	[smem:$0x3FAA] =	sst s0;
	s0 =	simm.s32 @!p1 $0x0  }
0x14: {  	s2 =	sld [smem:$0x3F8E];
	s0 =	simm.s32 @p1 $0x1  }
0x15: {  	[smem:$0x3FAB] =	sst s0;
	s0 =	simm.s32 @!p2 $0x0  }
0x16: {  	s3 =	sld [smem:$0x3FDB];
	s0 =	simm.s32 @p2 $0x1  }
0x17: {  	s4 =	simm.s32 $0x1BF5;
	[smem:$0x3FAD] =	sst s0  }
0x18: {  	s0 =	sld [smem:$0x3F90];
	_ =	swait.ge [sflag:s4], $0x0  }
0x19: {  	s7 =	sld [smem:$0x3F91]  }
0x1a: {  	s8 =	sadd.s32 $0xFFFFE003, lr  }
0x1b: {  	s9 =	sadd.s32 $0xFFFFFEF7, lr;
	s5 =	simm.s32 $0xFFFFFFFF;
	p2 =	slt.u32 s8, $0xFFFFF086  }
0x1c: {  	p1 =	slt.u32 s9, $0xF7A;
	s5 =	simm.s32 @!p2 $0x0  }
0x1d: {  	s5 =	simm.s32 @p1 $0x1;
	p0 =	seq.s32 s7, s2  }
0x1e: {  	s7 =	smul.u32 @!p0 $0xF7A, s2;
	p2 =	seq.s32 @!p0 s5, $0x0  }
0x1f: {  	s9 =	smul.u32 $0xF7A, s1;
	s8 =	simm.s32 @!p0 $0x1BF5;
	p2 =	por !p2, p0  }
0x20: {  	[sflag:s8] =	ssyncset.s32 @!p0 $0xFFFFF086;
	s6 =	sadd.s32 @!p0 s3, s7;
	s7 =	simm.s32 @!p0 $0x108  }
0x21: {  	s3 =	sadd.s32 s3, s9;
	s6 =	sadd.s32 @!p0 $0x88, s6;
	s7 =	simm.s32 @p2 $0x1082  }
0x22: {  	[simem:s7], [sflag:s8] =	dma.local @!p0 [hbm:s6], $0xF7A  }
0x23: {  	s9 =	sor.u32 $0xD0000000, s2;
	s6 =	simm.s32 $0x108;
	_ =	swait.ge @!p0 [sflag:s8], $0x0  }
0x24: {  	s3 =	sadd.s32 $0x88, s3;
	s6 =	simm.s32 @!p1 $0x1082;
	[sflag:s4] =	ssyncset.s32 $0xFFFFF086  }
0x25: {  	[simem:s6], [sflag:s4] =	dma.local [hbm:s3], $0xF7A  }
0x26: {  	[smem:$0x3F91] =	sst s1;
	(tag) =	ssettag s2;
	_ =	strace s9  }
0x27: {  	s1 =	sld [smem:$0x3FA1]  }
0x28: {  	s2 =	sld [smem:$0x3FA2]  }
0x29: {  	s4 =	sld [smem:$0x3FA4]  }
0x2a: {  	p0 =	seq.s32 s5, $0x0;
	s5 =	sld [smem:$0x3FA5]  }
0x2b: {  	s6 =	sld [smem:$0x3FA6]  }
0x2c: {  	s7 =	sld [smem:$0x3FA7]  }
0x2d: {  	s3 =	simm.s32 $0x108;
	s8 =	sld [smem:$0x3FA8]  }
0x2e: {  	s3 =	simm.s32 @!p0 $0x1082;
	s9 =	sld [smem:$0x3FA9]  }
0x2f: {  	lr =	sadd.s32 s0, s3;
	s0 =	sld [smem:$0x3FA0]  }
0x30: {  	s3 =	sld [smem:$0x3FA3]  }
0x31: {  	[smem:$0x3FAC] =	sst s10  }
0x32: {  	s10 =	sld [smem:$0x3FAA];
	_ =	sdelay $0x3  }
0x33: {  	p0 =	seq.s32 s10, $0x1;
	s10 =	sld [smem:$0x3FAC];
	_ =	sdelay $0x3  }
0x34: {  	[smem:$0x3FAC] =	sst s10  }
0x35: {  	s10 =	sld [smem:$0x3FAB];
	_ =	sdelay $0x3  }
0x36: {  	p1 =	seq.s32 s10, $0x1;
	s10 =	sld [smem:$0x3FAC];
	_ =	sdelay $0x3  }
0x37: {  	[smem:$0x3FAC] =	sst s10  }
0x38: {  	s10 =	sld [smem:$0x3FAD]  }
0x39: {  	_ = 	snop;
	(pc) =	sbr.ind lr, $3  }
0x3a: {  	_ = 	snop  }
0x3b: {  	_ = 	snop  }
0x3c: {  	p2 =	seq.s32 s10, $0x1;
	s10 =	sld [smem:$0x3FAC]  }
0x3d: {  	_ =	shalt  }
0x3e: {  	_ =	shalt  }
0x3f: {  	_ =	shalt  }
0x40: {  	_ =	shalt  }
0x41: {  	_ =	shalt  }
0x42: {  	_ =	shalt  }
0x43: {  	_ =	shalt  }
0x44: {  	_ =	shalt  }
0x45: {  	_ =	shalt  }
0x46: {  	_ =	shalt  }
0x47: {  	_ =	shalt  }
0x48: {  	_ =	shalt  }
0x49: {  	_ =	shalt  }
0x4a: {  	_ =	shalt  }
0x4b: {  	_ =	shalt  }
0x4c: {  	_ =	shalt  }
0x4d: {  	_ =	shalt  }
0x4e: {  	_ =	shalt  }
0x4f: {  	_ =	shalt  }
0x50: {  	_ =	shalt  }
0x51: {  	_ =	shalt  }
0x52: {  	_ =	shalt  }
0x53: {  	_ =	shalt  }
0x54: {  	_ =	shalt  }
0x55: {  	_ =	shalt  }
0x56: {  	_ =	shalt  }
0x57: {  	_ =	shalt  }
0x58: {  	_ =	shalt  }
0x59: {  	_ =	shalt  }
0x5a: {  	_ =	shalt  }
0x5b: {  	_ =	shalt  }
0x5c: {  	_ =	shalt  }
0x5d: {  	_ =	shalt  }
0x5e: {  	_ =	shalt  }
0x5f: {  	_ =	shalt  }
0x60: {  	_ =	shalt  }
0x61: {  	_ =	shalt  }
0x62: {  	_ =	shalt  }
0x63: {  	_ =	shalt  }
0x64: {  	_ =	shalt  }
0x65: {  	_ =	shalt  }
0x66: {  	_ =	shalt  }
0x67: {  	_ =	shalt  }
0x68: {  	_ =	shalt  }
0x69: {  	_ =	shalt  }
0x6a: {  	_ =	shalt  }
0x6b: {  	_ =	shalt  }
0x6c: {  	_ =	shalt  }
0x6d: {  	_ =	shalt  }
0x6e: {  	_ =	shalt  }
0x6f: {  	_ =	shalt  }
0x70: {  	_ =	shalt  }
0x71: {  	_ =	shalt  }
0x72: {  	_ =	shalt  }
0x73: {  	_ =	shalt  }
0x74: {  	_ =	shalt  }
0x75: {  	_ =	shalt  }
0x76: {  	_ =	shalt  }
0x77: {  	_ =	shalt  }
0x78: {  	_ =	shalt  }
0x79: {  	_ =	shalt  }
0x7a: {  	_ =	shalt  }
0x7b: {  	_ =	shalt  }
0x7c: {  	_ =	shalt  }
0x7d: {  	_ =	shalt  }
0x7e: {  	_ =	shalt  }
0x7f: {  	_ =	shalt  }
0x80: {  	_ =	shalt  }
0x81: {  	_ =	shalt  }
0x82: {  	_ =	shalt  }
0x83: {  	_ =	shalt  }
0x84: {  	_ =	shalt  }
0x85: {  	_ =	shalt  }
0x86: {  	_ =	shalt  }
0x87: {  	_ =	shalt  }
.Lfunc_end0:
.L_simem_size_0:
called_computation.1_lowered:
.L_overlay_start_0:
0x88: {  	s2 =	sld [smem:$0x3FD9]  }
0x89: {  	s3 =	sld [smem:$0x3FFE];
	_ =	sdelay $0x1  }
0x8a: {  	s1 =	srdreg.scid  }
0x8b: {  	s0 =	sand.u32 $0x1, s1  }
0x8c: {  	s16 =	sshll.u32 s0, $0xA;
	s2 =	sadd.s32 s3, s2  }
0x8d: {  	s2 =	sadd.s32 s2, s16  }
0x8e: {  	[smem:$0x3FB8] =	sst s2  }
0x8f: {  	_ = 	snop  }
0x90: {  	(tm) =	ssettm $0x1  }
0x91: {  	s17 =	sld [smem:$0x3FFB];
	_ =	sdelay $0x3  }
0x92: {  	_ =	strace s17  }
0x93: {  	s2 =	sld [smem:$0x3FFC];
	_ =	sdelay $0x3  }
0x94: {  	_ =	strace s2  }
0x95: {  	s2 =	sld [smem:$0x3FFD];
	_ =	sdelay $0x3  }
0x96: {  	_ =	strace s2  }
0x97: {  	_ =	strace $0x8FFFFFFF  }
0x98: {  	s18 =	sld [smem:$0x3FDB];
	_ =	sdelay $0x1  }
0x99: {  	s19 =	simm.s32 $_scs_section_size  }
0x9a: {  	s4 =	simm.s32 $_size__tile_overlayer_lowered;
	s5 =	simm.s32 $_tile_overlayer_lowered  }
0x9b: {  	s22 =	simm.s32 $0x1BFF;
	s21 =	sshll.u32 s5, $0x1;
	s2 =	sadd.s32 s19, s18  }
0x9c: {  	s6 =	simm.s32 $0x0;
	s20 =	sshll.u32 s4, $0x1;
	s4 =	sadd.s32 s21, s2  }
0x9d: {  	[timem:s6], [sflag:s22] =	dma.local [hbm:s4], s20  }
0x9e: {  	_ =	swait.ge [sflag:s22], s20  }
0x9f: {  	s3 =	ssub.s32 $0x0, s20;
	[sflag:s22] =	ssyncset.done $0x0  }
0xa0: {  	[sflag:s22] =	ssyncadd.s32 s3;
	_ =	sdelay $0x1  }
0xa1: {  	s23 =	simm.s32 $0x1B8B  }
0xa2: {  	_ =	swait.ge [sflag:s23], $0x1  }
0xa3: {  	[sflag:s23] =	ssyncset.done $0x0  }
0xa4: {  	s25 =	simm.s32 $0x1B8E;
	s24 =	sld [smem:$0x3FFE];
	[sflag:s23] =	ssyncadd.s32 $0xFFFFFFFF  }
0xa5: {  	s26 =	simm.s32 $execute0_lowered;
	[smem:$0x3FD2] =	sst s25  }
0xa6: {  	s4 =	sshll.u32 s26, $0x1;
	_ =	strace $0x80000049;
	[dreg:$0x1] =	wrdreg $0xFFFFFFFF  }
0xa7: {  	s28 =	simm.s32 $_size_execute0_lowered;
	s2 =	sadd.s32 s2, s4;
	[dreg:$0x0] =	wrdreg $0x0  }
0xa8: {  	s4 =	sshll.u32 s28, $0x1;
	[dreg:$0x2] =	wrdreg s2  }
0xa9: {  	[dreg:$0x3] =	wrdreg s4  }
0xaa: {  	[dreg:$0x4] =	wrdreg $0xC0  }
0xab: {  	_ =	task [dreg:s6], $0x5FFFF  }
0xac: {  	[dreg:$0x1] =	wrdreg $0xFFFFFFFF  }
0xad: {  	[dreg:$0x0] =	wrdreg $0x60  }
0xae: {  	[dreg:$0x2] =	wrdreg s24  }
0xaf: {  	[dreg:$0x3] =	wrdreg $0x91000  }
0xb0: {  	[dreg:$0x4] =	wrdreg $0x9  }
0xb1: {  	_ =	task.clear_ibuf [dreg:s6], $0x5FFFF;
	_ =	strace $0x90000049  }
0xb2: {  	s29 =	simm.s32 $0x9;
	_ =	strace $0x8000004B  }
0xb3: {  	_ =	swait.ge [sflag:s29], $0x1  }
0xb4: {  	[sflag:s29] =	ssyncadd.s32 $0xFFFFFFFF  }
0xb5: {  	_ =	strace $0x9000004B  }
0xb6: {  	_ =	sfence  }
0xb7: {  	s30 =	sld [smem:$0x0];
	_ =	sdelay $0x2  }
0xb8: {  	s31 =	sshll.u32 s1, $0xD;
	s1 =	sshrl.u32 s1, $0x2  }
0xb9: {  	s3 =	sand.u32 $0x4000, s31;
	s1 =	sadd.s32 s1, s30  }
0xba: {  	s0 =	sor.u32 s3, s0;
	s1 =	sshll.u32 s1, $0x11  }
0xbb: {  	s0 =	sor.u32 s1, s0  }
0xbc: {  	s0 =	sadd.s32 $0x8F2B, s0  }
0xbd: {  	[sflag:s0] =	ssyncadd.remote.s32 $0x1  }
0xbe: {  	_ =	sfence.sel $0xFFFF  }
0xbf: {  	[dreg:$0x0] =	wrdreg $0xFFFFFFFF;
	(pc) =	sbr.abs _section_cstart, $3  }
0xc0: {  	[dreg:$0x1] =	wrdreg $0xFFFFFFFF  }
0xc1: {  	_ =	task.clear_ibuf [dreg:s6], $0x2FFFF;
	_ =	strace $0x9FFFFFFF  }
0xc2: {  	(tm) =	ssettm $0x7FFFFFFF  }
0xc3: {  	_ =	shalt  }
tec
execute0_lowered:
.L_overlay_start_1:
0x0: {  	(tag) =	ssettag $0x1  }
0x1: {  	s0 =	rddreg [dreg:$0x0]  }
0x2: {  	s1 =	rddreg [dreg:$0x1];
	s3 =	simm.s32 $0x0  }
0x3: {  	s2 =	srdreg.scid;
	s20 =	stileid.u32;
	s28 =	simm.s32 $0x3  }
0x4: {  	s29 =	simm.s32 $0x50;
	s30 =	simm.s32 $0x2;
	s31 =	simm.s32 $0x4  }
0x5: {  	[smem:$0x7FF] =	sst s3;
	s2 =	sand.u32 $0x1, s2;
	s6 =	smul.u32 $0x50000, s20  }
0x6: {  	s10 =	sadd.s32 $0xA46600, s0;
	s11 =	smul.u32 $0x14000, s20;
	s4 =	sadd.s32 $0x3200, s0  }
0x7: {  	s0 =	sadd.s32 $0x82600, s0;
	s24 =	sshll.u32 s20, $0x1;
	s17 =	smul.u32 $0x140000, s2  }
0x8: {  	_ =	strace $0x8000004A;
	s5 =	ssub.s32 $0x2, s2;
	s21 =	smul.u32 $0x2710, s2  }
0x9: {  	s9 =	sor.u32 s2, s24;
	s2 =	smul.u32 $0x27100, s2;
	s7 =	sshrl.u32 s5, $0x1  }
0xa: {  	s6 =	sshrl.u32 s6, $0x2;
	s13 =	sadd.s32 $0x4000, s11;
	s14 =	sadd.s32 $0x8000, s11  }
0xb: {  	s15 =	sadd.s32 $0xC000, s11;
	s16 =	smul.u32 $0x2710, s9;
	s18 =	sadd.s32 $0x10000, s11  }
0xc: {  	s19 =	smul.u32 $0x27100, s9;
	s12 =	ssub.s32 s5, s7;
	s5 =	sadd.s32 s6, s1  }
0xd: {  	s6 =	sadd.s32 s13, s1;
	s7 =	sadd.s32 s14, s1;
	s8 =	sadd.s32 s15, s1  }
0xe: {  	s9 =	sadd.s32 s18, s1;
	s11 =	sadd.s32 s11, s17;
	s13 =	sadd.s32 s17, s13  }
0xf: {  	s14 =	sadd.s32 s17, s14;
	s18 =	sadd.s32 s17, s18;
	s16 =	sshrl.u32 s16, $0x3  }
0x10: {  	s25 =	sadd.s32 s10, s19;
	s11 =	sshrl.u32 s11, $0x3;
	s26 =	sshrl.u32 s13, $0x3  }
0x11: {  	s13 =	sshrl.u32 s14, $0x3;
	s16 =	sadd.s32 s4, s16;
	[dreg:$0x4] =	wrdreg s25  }
0x12: {  	s14 =	smul.u32 $0x4E200, s20;
	s11 =	sadd.s32 s0, s11;
	[dreg:$0x3] =	wrdreg s16  }
0x13: {  	s20 =	smul.u32 $0x4E20, s20;
	s22 =	sshrl.u32 s18, $0x3;
	[dreg:$0x5] =	wrdreg s11  }
0x14: {  	s11 =	sadd.s32 s0, s26;
	s16 =	sadd.s32 s17, s15;
	s23 =	sadd.s32 s14, s10  }
0x15: {  	s24 =	sadd.s32 s21, s20;
	s17 =	smax.u32 s12, $0x1;
	s21 =	simm.s32 $0x5100  }
0x16: {  	[dreg:$0x6] =	wrdreg s11;
	s11 =	sadd.s32 s0, s13;
	s25 =	sadd.s32 $0x50, s24  }
0x17: {  	s19 =	sadd.s32 $0xA0, s24;
	s24 =	simm.s32 $0x80;
	[dreg:$0x7] =	wrdreg s11  }
0x18: {  	s11 =	sshrl.u32 s16, $0x3;
	s16 =	sadd.s32 s0, s22;
	s26 =	sshrl.u32 s25, $0x3  }
0x19: {  	s22 =	simm.s32 $0x5;
	s25 =	simm.s32 $0x2900;
	s15 =	sadd.s32 s0, s11  }
0x1a: {  	s0 =	sadd.s32 s2, s23;
	s20 =	sadd.s32 s26, s4;
	s23 =	simm.s32 $0x100  }
0x1b: {  	v0 =	vimm.f32 $0.0e+00;
	s26 =	simm.s32 $0x1;
	s18 =	sadd.s32 $0xA00, s0;
	s0 =	simm.s32 $0x0  }
.LBB2_1:
0x1c: {  	s2 =	simm.s32 $0x0;
	s10 =	simm.s32 $0x200  }
.LBB2_2:
0x1d: {  	p0 =	sne.s32 s10, $0xFE00;
	[tilespmem:s2+$0x5170] =	vst v0  }
0x1e: {  	[tilespmem:s2+$0x5100] =	vst v0  }
0x1f: {  	[tilespmem:s2+$0x5110] =	vst v0  }
.Ltmp0:
0x20: {  	[tilespmem:s2+$0x5120] =	vst v0;
	(pc) =	sbr.rel @p0 .LBB2_2-.Ltmp0, $4  }
0x21: {  	[tilespmem:s2+$0x5130] =	vst v0  }
0x22: {  	[tilespmem:s2+$0x5140] =	vst v0  }
0x23: {  	[tilespmem:s2+$0x5150] =	vst v0  }
0x24: {  	[tilespmem:s2+$0x5160] =	vst v0;
	s2 =	sshra.s32 s10, $0x2;
	s10 =	sadd.s32 $0x200, s10  }
0x25: {  	[tilespmem:s2+$0x5170] =	vst v0  }
0x26: {  	[tilespmem:s2+$0x5100] =	vst v0  }
0x27: {  	[tilespmem:s2+$0x5110] =	vst v0  }
0x28: {  	[tilespmem:s2+$0x5120] =	vst v0  }
0x29: {  	[tilespmem:s2+$0x5130] =	vst v0  }
0x2a: {  	[tilespmem:s2+$0x5140] =	vst v0  }
0x2b: {  	[tilespmem:s2+$0x5150] =	vst v0  }
0x2c: {  	[tilespmem:s2+$0x5160] =	vst v0  }
0x2d: {  	[spmem:s5] =	stream.linear.scatter [tilespmem:s21], [sflag:$0x5], $0x4000, $0x38;
	[tilespmem:$0x1D100] =	vst v63  }
0x2e: {  	_ =	swait.ge [sflag:s22], $0x4000  }
0x2f: {  	[sflag:s22] =	ssyncset.done $0x0  }
0x30: {  	[sflag:s22] =	ssyncadd.s32 $0xFFFFC000  }
0x31: {  	[spmem:s6] =	stream.linear.scatter [tilespmem:s21], [sflag:$0x5], $0x4000, $0x38;
	[tilespmem:$0x1D100] =	vst v63  }
0x32: {  	_ =	swait.ge [sflag:s22], $0x4000  }
0x33: {  	[sflag:s22] =	ssyncset.done $0x0  }
0x34: {  	[sflag:s22] =	ssyncadd.s32 $0xFFFFC000  }
0x35: {  	[spmem:s7] =	stream.linear.scatter [tilespmem:s21], [sflag:$0x5], $0x4000, $0x38;
	[tilespmem:$0x1D100] =	vst v63  }
0x36: {  	_ =	swait.ge [sflag:s22], $0x4000  }
0x37: {  	[sflag:s22] =	ssyncset.done $0x0  }
0x38: {  	[sflag:s22] =	ssyncadd.s32 $0xFFFFC000  }
0x39: {  	[spmem:s8] =	stream.linear.scatter [tilespmem:s21], [sflag:$0x5], $0x4000, $0x38;
	[tilespmem:$0x1D100] =	vst v63  }
0x3a: {  	_ =	swait.ge [sflag:s22], $0x4000  }
0x3b: {  	[sflag:s22] =	ssyncset.done $0x0  }
0x3c: {  	[sflag:s22] =	ssyncadd.s32 $0xFFFFC000  }
0x3d: {  	[spmem:s9] =	stream.linear.scatter [tilespmem:s21], [sflag:$0x5], $0x4000, $0x38;
	[tilespmem:$0x1D100] =	vst v63  }
0x3e: {  	_ =	swait.ge [sflag:s22], $0x4000  }
0x3f: {  	[sflag:s22] =	ssyncset.done $0x0  }
0x40: {  	[sflag:s22] =	ssyncadd.s32 $0xFFFFC000  }
0x41: {  	[bflag:$0x0] =	sbarrier.arrive $0xFFFF  }
0x42: {  	s14 =	simm.s32 $0x0;
	s10 =	rddreg [dreg:$0x3]  }
0x43: {  	[tilespmem:s14], [sflag:$0x1] =	stream.linear.gather [hbm4b:s10+s14], $0x50, $0x38;
	[tilespmem:$0x1D100] =	vst v63  }
0x44: {  	s11 =	rddreg [dreg:$0x4]  }
0x45: {  	[tilespmem:s23], [sflag:$0x3] =	stream.linear.gather [hbm4b:s11+s14], $0x2800, $0x38;
	[tilespmem:$0x1D100] =	vst v63  }
0x46: {  	s12 =	sadd.s32 $0x0, s20  }
0x47: {  	[tilespmem:s24], [sflag:$0x2] =	stream.linear.gather [hbm4b:s12+s3], $0x50, $0x38;
	[tilespmem:$0x1D100] =	vst v63  }
0x48: {  	s13 =	sadd.s32 $0xFFFFFB00, s18  }
0x49: {  	[tilespmem:s25], [sflag:$0x4] =	stream.linear.gather [hbm4b:s13+s3], $0x2800, $0x38;
	[tilespmem:$0x1D100] =	vst v63  }
0x4a: {  	_ =	swait.ge [sflag:s26], $0x50  }
0x4b: {  	[sflag:s26] =	ssyncset.done $0x0  }
0x4c: {  	[sflag:s26] =	ssyncadd.s32 $0xFFFFFFB0  }
0x4d: {  	_ =	swait.ge [sflag:s28], $0x2800  }
0x4e: {  	[sflag:s28] =	ssyncset.done $0x0  }
0x4f: {  	[sflag:s28] =	ssyncadd.s32 $0xFFFFD800  }
0x50: {  	[spmem:s1] =	stream.indirect.scatter.add.f32 [tilespmem:s23], [sflag:$0x5], $0x80, s3, s29, $0xb8;
	[tilespmem:$0x1D100] =	vst v63  }
0x51: {  	_ =	swait.ge [sflag:s22], $0x2800  }
0x52: {  	s14 =	sshrl.u32 s19, $0x3;
	[sflag:s22] =	ssyncset.done $0x0  }
0x53: {  	s2 =	sadd.s32 s4, s14;
	[sflag:s22] =	ssyncadd.s32 $0xFFFFD800  }
0x54: {  	[tilespmem:s3], [sflag:$0x1] =	stream.linear.gather [hbm4b:s2+s3], $0x50, $0x38;
	[tilespmem:$0x1D100] =	vst v63  }
0x55: {  	_ = 	snop  }
0x56: {  	[tilespmem:s23], [sflag:$0x3] =	stream.linear.gather [hbm4b:s18+s3], $0x2800, $0x38;
	[tilespmem:$0x1D100] =	vst v63  }
0x57: {  	_ =	swait.ge [sflag:s30], $0x50  }
0x58: {  	[sflag:s30] =	ssyncset.done $0x0  }
0x59: {  	[sflag:s30] =	ssyncadd.s32 $0xFFFFFFB0  }
0x5a: {  	_ =	swait.ge [sflag:s31], $0x2800  }
0x5b: {  	[sflag:s31] =	ssyncset.done $0x0  }
0x5c: {  	[sflag:s31] =	ssyncadd.s32 $0xFFFFD800  }
0x5d: {  	[spmem:s1] =	stream.indirect.scatter.add.f32 [tilespmem:s25], [sflag:$0x5], $0x80, s24, s29, $0xb8;
	[tilespmem:$0x1D100] =	vst v63  }
0x5e: {  	s10 =	sadd.s32 $0xA0, s19;
	s11 =	simm.s32 $0x14;
	_ =	swait.ge [sflag:s22], $0x2800  }
0x5f: {  	s12 =	simm.s32 $0x28;
	s2 =	sadd.s32 $0xA00, s18;
	[sflag:s22] =	ssyncset.done $0x0  }
.LBB2_4:
0x60: {  	s13 =	sadd.s32 s11, s20  }
0x61: {  	[sflag:s22] =	ssyncadd.s32 $0xFFFFD800;
	s11 =	smov.u32 s12;
	s14 =	sadd.s32 $0x14, s12  }
0x62: {  	[tilespmem:s24], [sflag:$0x2] =	stream.linear.gather [hbm4b:s13+s3], $0x50, $0x38;
	[tilespmem:$0x1D100] =	vst v63  }
0x63: {  	p0 =	sne.s32 s12, $0x4C4;
	s12 =	sadd.s32 $0xFFFFFB00, s2  }
0x64: {  	[tilespmem:s25], [sflag:$0x4] =	stream.linear.gather [hbm4b:s12+s3], $0x2800, $0x38;
	[tilespmem:$0x1D100] =	vst v63  }
0x65: {  	_ =	swait.ge [sflag:s26], $0x50  }
0x66: {  	[sflag:s26] =	ssyncset.done $0x0  }
0x67: {  	[sflag:s26] =	ssyncadd.s32 $0xFFFFFFB0  }
0x68: {  	_ =	swait.ge [sflag:s28], $0x2800  }
0x69: {  	[sflag:s28] =	ssyncset.done $0x0  }
0x6a: {  	[sflag:s28] =	ssyncadd.s32 $0xFFFFD800  }
0x6b: {  	[spmem:s1] =	stream.indirect.scatter.add.f32 [tilespmem:s23], [sflag:$0x5], $0x80, s3, s29, $0xb8;
	[tilespmem:$0x1D100] =	vst v63  }
0x6c: {  	_ =	swait.ge [sflag:s22], $0x2800  }
0x6d: {  	s12 =	sshrl.u32 s10, $0x3;
	[sflag:s22] =	ssyncset.done $0x0  }
0x6e: {  	s12 =	sadd.s32 s4, s12;
	[sflag:s22] =	ssyncadd.s32 $0xFFFFD800  }
0x6f: {  	[tilespmem:s3], [sflag:$0x1] =	stream.linear.gather [hbm4b:s12+s3], $0x50, $0x38;
	[tilespmem:$0x1D100] =	vst v63  }
0x70: {  	_ = 	snop  }
0x71: {  	[tilespmem:s23], [sflag:$0x3] =	stream.linear.gather [hbm4b:s2+s3], $0x2800, $0x38;
	[tilespmem:$0x1D100] =	vst v63  }
0x72: {  	_ =	swait.ge [sflag:s30], $0x50  }
0x73: {  	[sflag:s30] =	ssyncset.done $0x0  }
0x74: {  	[sflag:s30] =	ssyncadd.s32 $0xFFFFFFB0  }
0x75: {  	_ =	swait.ge [sflag:s31], $0x2800  }
.Ltmp1:
0x76: {  	[sflag:s31] =	ssyncset.done $0x0;
	(pc) =	sbr.rel @p0 .LBB2_4-.Ltmp1, $4  }
0x77: {  	[sflag:s31] =	ssyncadd.s32 $0xFFFFD800  }
0x78: {  	[spmem:s1] =	stream.indirect.scatter.add.f32 [tilespmem:s25], [sflag:$0x5], $0x80, s24, s29, $0xb8;
	[tilespmem:$0x1D100] =	vst v63  }
0x79: {  	s10 =	sadd.s32 $0xA0, s10;
	_ =	swait.ge [sflag:s22], $0x2800  }
0x7a: {  	s12 =	smov.u32 s14;
	s2 =	sadd.s32 $0xA00, s2;
	[sflag:s22] =	ssyncset.done $0x0  }
0x7b: {  	s11 =	sadd.s32 s11, s20;
	[sflag:s22] =	ssyncadd.s32 $0xFFFFD800  }
0x7c: {  	[tilespmem:s24], [sflag:$0x2] =	stream.linear.gather [hbm4b:s11+s3], $0x50, $0x38;
	[tilespmem:$0x1D100] =	vst v63  }
0x7d: {  	s14 =	sadd.s32 $0xFFFFFB00, s2  }
0x7e: {  	[tilespmem:s25], [sflag:$0x4] =	stream.linear.gather [hbm4b:s14+s3], $0x2800, $0x38;
	[tilespmem:$0x1D100] =	vst v63  }
0x7f: {  	_ =	swait.ge [sflag:s26], $0x50  }
0x80: {  	[sflag:s26] =	ssyncset.done $0x0  }
0x81: {  	[sflag:s26] =	ssyncadd.s32 $0xFFFFFFB0  }
0x82: {  	_ =	swait.ge [sflag:s28], $0x2800  }
0x83: {  	[sflag:s28] =	ssyncset.done $0x0  }
0x84: {  	[sflag:s28] =	ssyncadd.s32 $0xFFFFD800  }
0x85: {  	[spmem:s1] =	stream.indirect.scatter.add.f32 [tilespmem:s23], [sflag:$0x5], $0x80, s3, s29, $0xb8;
	[tilespmem:$0x1D100] =	vst v63  }
0x86: {  	_ =	swait.ge [sflag:s22], $0x2800  }
0x87: {  	s10 =	sshrl.u32 s10, $0x3;
	[sflag:s22] =	ssyncset.done $0x0  }
0x88: {  	s10 =	sadd.s32 s4, s10;
	[sflag:s22] =	ssyncadd.s32 $0xFFFFD800  }
0x89: {  	[tilespmem:s3], [sflag:$0x1] =	stream.linear.gather [hbm4b:s10+s3], $0x50, $0x38;
	[tilespmem:$0x1D100] =	vst v63  }
0x8a: {  	_ = 	snop  }
0x8b: {  	[tilespmem:s23], [sflag:$0x3] =	stream.linear.gather [hbm4b:s2+s3], $0x2800, $0x38;
	[tilespmem:$0x1D100] =	vst v63  }
0x8c: {  	_ =	swait.ge [sflag:s30], $0x50  }
0x8d: {  	[sflag:s30] =	ssyncset.done $0x0  }
0x8e: {  	[sflag:s30] =	ssyncadd.s32 $0xFFFFFFB0  }
0x8f: {  	_ =	swait.ge [sflag:s31], $0x2800  }
0x90: {  	[sflag:s31] =	ssyncset.done $0x0  }
0x91: {  	[sflag:s31] =	ssyncadd.s32 $0xFFFFD800  }
0x92: {  	[spmem:s1] =	stream.indirect.scatter.add.f32 [tilespmem:s25], [sflag:$0x5], $0x80, s24, s29, $0xb8;
	[tilespmem:$0x1D100] =	vst v63  }
0x93: {  	_ =	swait.ge [sflag:s22], $0x2800  }
0x94: {  	[sflag:s22] =	ssyncset.done $0x0  }
0x95: {  	[sflag:s22] =	ssyncadd.s32 $0xFFFFD800  }
0x96: {  	_ =	swait.ge [sflag:s26], $0x50  }
0x97: {  	[sflag:s26] =	ssyncset.done $0x0  }
0x98: {  	[sflag:s26] =	ssyncadd.s32 $0xFFFFFFB0  }
0x99: {  	_ =	swait.ge [sflag:s28], $0x2800  }
0x9a: {  	[sflag:s28] =	ssyncset.done $0x0  }
0x9b: {  	[sflag:s28] =	ssyncadd.s32 $0xFFFFD800  }
0x9c: {  	[spmem:s1] =	stream.indirect.scatter.add.f32 [tilespmem:s23], [sflag:$0x5], $0x80, s3, s29, $0xb8;
	[tilespmem:$0x1D100] =	vst v63  }
0x9d: {  	_ =	swait.ge [sflag:s22], $0x2800  }
0x9e: {  	[sflag:s22] =	ssyncset.done $0x0  }
0x9f: {  	s10 =	stileid.u32;
	[sflag:s22] =	ssyncadd.s32 $0xFFFFD800  }
0xa0: {  	s2 =	sshll.u32 s10, $0x6;
	[bflag:$0x0] =	sbarrier.arrive $0xFFFF  }
0xa1: {  	s11 =	sshrl.u32 s5, $0x3;
	s2 =	sor.u32 $0x1C05, s2;
	s12 =	rddreg [dreg:$0x5]  }
0xa2: {  	[hbm:s12], [sflag:s2] =	dma.local [spmem:s11], $0x800  }
0xa3: {  	_ =	swait.ge [sflag:s22], $0x800  }
0xa4: {  	[sflag:s22] =	ssyncset.done $0x0  }
0xa5: {  	s13 =	sshrl.u32 s6, $0x3;
	s14 =	rddreg [dreg:$0x6];
	[sflag:s22] =	ssyncadd.s32 $0xFFFFF800  }
0xa6: {  	[hbm:s14], [sflag:s2] =	dma.local [spmem:s13], $0x800  }
0xa7: {  	_ =	swait.ge [sflag:s22], $0x800  }
0xa8: {  	[sflag:s22] =	ssyncset.done $0x0  }
0xa9: {  	s11 =	sshrl.u32 s7, $0x3;
	s12 =	rddreg [dreg:$0x7];
	[sflag:s22] =	ssyncadd.s32 $0xFFFFF800  }
0xaa: {  	[hbm:s12], [sflag:s2] =	dma.local [spmem:s11], $0x800  }
0xab: {  	_ =	swait.ge [sflag:s22], $0x800  }
0xac: {  	[sflag:s22] =	ssyncset.done $0x0  }
0xad: {  	s13 =	sshrl.u32 s8, $0x3;
	[sflag:s22] =	ssyncadd.s32 $0xFFFFF800  }
0xae: {  	[hbm:s15], [sflag:s2] =	dma.local [spmem:s13], $0x800  }
0xaf: {  	s0 =	sadd.s32 $0x1, s0;
	_ =	swait.ge [sflag:s22], $0x800  }
0xb0: {  	p0 =	sne.s32 s0, s17;
	[sflag:s22] =	ssyncset.done $0x0  }
.Ltmp2:
0xb1: {  	s14 =	sshrl.u32 s9, $0x3;
	[sflag:s22] =	ssyncadd.s32 $0xFFFFF800;
	(pc) =	sbr.rel @p0 .LBB2_1-.Ltmp2, $4  }
0xb2: {  	[hbm:s16], [sflag:s2] =	dma.local [spmem:s14], $0x800  }
0xb3: {  	_ =	swait.ge [sflag:s22], $0x800  }
0xb4: {  	[sflag:s22] =	ssyncset.done $0x0  }
0xb5: {  	[sflag:s22] =	ssyncadd.s32 $0xFFFFF800  }
0xb6: {  	_ =	sfence.sel $0x180000  }
0xb7: {  	[bflag:$0x0] =	sbarrier.arrive $0xFFFF  }
0xb8: {  	_ =	strace $0x9000004A  }
0xb9: {  	s0 =	stileid.u32;
	[bflag:$0x2] =	sbarrier.arrive $0xFFFF  }
0xba: {  	p0 =	sne.s32 s0, $0x0;
	s0 =	rddreg [dreg:$0x2]  }
0xbb: {  	s0 =	sadd.s32 @!p0 $0x100000, s0  }
0xbc: {  	[sflag:s0] =	ssyncadd.tile.s32 @!p0 $0x1;
	_ =	shalt  }
.Lfunc_end2:
_tile_overlayer_lowered:
.L_overlay_start_2:
0xbd: {  	(tag) =	ssettag $0x2  }
0xbe: {  	s0 =	rddreg [dreg:$0x0];
	s2 =	stileid.u32  }
0xbf: {  	s1 =	rddreg [dreg:$0x1];
	p0 =	sne.s32 s2, $0x0  }
0xc0: {  	s3 =	rddreg [dreg:$0x2];
	[bflag:$0x3] =	sbarrier.arrive $0xFFFF;
	s2 =	simm.s32 @!p0 $0x1C05  }
0xc1: {  	[timem:s3], [sflag:s2] =	dma.local @!p0 [hbm:s0], s1  }
0xc2: {  	s0 =	simm.s32 @!p0 $0x5  }
0xc3: {  	_ =	swait.ge @!p0 [sflag:s0], s1  }
0xc4: {  	s1 =	ssub.s32 @!p0 $0x0, s1;
	[sflag:s0] =	ssyncset.done @!p0 $0x0  }
0xc5: {  	[sflag:s0] =	ssyncadd.s32 @!p0 s1  }
0xc6: {  	[bflag:$0x3] =	sbarrier.arrive $0xFFFF  }
0xc7: {  	_ =	shalt  }

// kernel: kernel.15.cloned.1.call-start
scs
__scs_entry_jumppad:
0x0: {  	(pc) =	sbr.rel $0x88, $3  }
0x1: {  	(tag) =	ssettag $0x0;
	lr =	simm.s32 $0x1  }
0x2: {  	[smem:$0x3F91] =	sst lr;
	_ =	strace $0xD0000000  }
0x3: {  	_ = 	snop  }
0x4: {  	_ = 	snop  }
0x5: {  	_ = 	snop  }
0x6: {  	_ = 	snop  }
0x7: {  	_ = 	snop  }
__scs_overlays_trampoline_lowered:
0x8: {  	[smem:$0x3FA0] =	sst s0  }
0x9: {  	[smem:$0x3FA1] =	sst s1  }
0xa: {  	[smem:$0x3FA2] =	sst s2  }
0xb: {  	[smem:$0x3FA3] =	sst s3  }
0xc: {  	[smem:$0x3FA4] =	sst s4  }
0xd: {  	[smem:$0x3FA5] =	sst s5  }
0xe: {  	[smem:$0x3FA6] =	sst s6  }
0xf: {  	[smem:$0x3FA7] =	sst s7  }
0x10: {  	[smem:$0x3FA8] =	sst s8  }
0x11: {  	[smem:$0x3FA9] =	sst s9;
	s0 =	simm.s32 @!p0 $0x0  }
0x12: {  	s1 =	sld [smem:$0x3F8F];
	s0 =	simm.s32 @p0 $0x1  }
0x13: {  	[smem:$0x3FAA] =	sst s0;
	s0 =	simm.s32 @!p1 $0x0  }
0x14: {  	s2 =	sld [smem:$0x3F8E];
	s0 =	simm.s32 @p1 $0x1  }
0x15: {  	[smem:$0x3FAB] =	sst s0;
	s0 =	simm.s32 @!p2 $0x0  }
0x16: {  	s3 =	sld [smem:$0x3FDB];
	s0 =	simm.s32 @p2 $0x1  }
0x17: {  	s4 =	simm.s32 $0x1BF5;
	[smem:$0x3FAD] =	sst s0  }
0x18: {  	s0 =	sld [smem:$0x3F90];
	_ =	swait.ge [sflag:s4], $0x0  }
0x19: {  	s7 =	sld [smem:$0x3F91]  }
0x1a: {  	s8 =	sadd.s32 $0xFFFFE003, lr  }
0x1b: {  	s9 =	sadd.s32 $0xFFFFFEF7, lr;
	s5 =	simm.s32 $0xFFFFFFFF;
	p2 =	slt.u32 s8, $0xFFFFF086  }
0x1c: {  	p1 =	slt.u32 s9, $0xF7A;
	s5 =	simm.s32 @!p2 $0x0  }
0x1d: {  	s5 =	simm.s32 @p1 $0x1;
	p0 =	seq.s32 s7, s2  }
0x1e: {  	s7 =	smul.u32 @!p0 $0xF7A, s2;
	p2 =	seq.s32 @!p0 s5, $0x0  }
0x1f: {  	s9 =	smul.u32 $0xF7A, s1;
	s8 =	simm.s32 @!p0 $0x1BF5;
	p2 =	por !p2, p0  }
0x20: {  	[sflag:s8] =	ssyncset.s32 @!p0 $0xFFFFF086;
	s6 =	sadd.s32 @!p0 s3, s7;
	s7 =	simm.s32 @!p0 $0x108  }
0x21: {  	s3 =	sadd.s32 s3, s9;
	s6 =	sadd.s32 @!p0 $0x88, s6;
	s7 =	simm.s32 @p2 $0x1082  }
0x22: {  	[simem:s7], [sflag:s8] =	dma.local @!p0 [hbm:s6], $0xF7A  }
0x23: {  	s9 =	sor.u32 $0xD0000000, s2;
	s6 =	simm.s32 $0x108;
	_ =	swait.ge @!p0 [sflag:s8], $0x0  }
0x24: {  	s3 =	sadd.s32 $0x88, s3;
	s6 =	simm.s32 @!p1 $0x1082;
	[sflag:s4] =	ssyncset.s32 $0xFFFFF086  }
0x25: {  	[simem:s6], [sflag:s4] =	dma.local [hbm:s3], $0xF7A  }
0x26: {  	[smem:$0x3F91] =	sst s1;
	(tag) =	ssettag s2;
	_ =	strace s9  }
0x27: {  	s1 =	sld [smem:$0x3FA1]  }
0x28: {  	s2 =	sld [smem:$0x3FA2]  }
0x29: {  	s4 =	sld [smem:$0x3FA4]  }
0x2a: {  	p0 =	seq.s32 s5, $0x0;
	s5 =	sld [smem:$0x3FA5]  }
0x2b: {  	s6 =	sld [smem:$0x3FA6]  }
0x2c: {  	s7 =	sld [smem:$0x3FA7]  }
0x2d: {  	s3 =	simm.s32 $0x108;
	s8 =	sld [smem:$0x3FA8]  }
0x2e: {  	s3 =	simm.s32 @!p0 $0x1082;
	s9 =	sld [smem:$0x3FA9]  }
0x2f: {  	lr =	sadd.s32 s0, s3;
	s0 =	sld [smem:$0x3FA0]  }
0x30: {  	s3 =	sld [smem:$0x3FA3]  }
0x31: {  	[smem:$0x3FAC] =	sst s10  }
0x32: {  	s10 =	sld [smem:$0x3FAA];
	_ =	sdelay $0x3  }
0x33: {  	p0 =	seq.s32 s10, $0x1;
	s10 =	sld [smem:$0x3FAC];
	_ =	sdelay $0x3  }
0x34: {  	[smem:$0x3FAC] =	sst s10  }
0x35: {  	s10 =	sld [smem:$0x3FAB];
	_ =	sdelay $0x3  }
0x36: {  	p1 =	seq.s32 s10, $0x1;
	s10 =	sld [smem:$0x3FAC];
	_ =	sdelay $0x3  }
0x37: {  	[smem:$0x3FAC] =	sst s10  }
0x38: {  	s10 =	sld [smem:$0x3FAD]  }
0x39: {  	_ = 	snop;
	(pc) =	sbr.ind lr, $3  }
0x3a: {  	_ = 	snop  }
0x3b: {  	_ = 	snop  }
0x3c: {  	p2 =	seq.s32 s10, $0x1;
	s10 =	sld [smem:$0x3FAC]  }
0x3d: {  	_ =	shalt  }
0x3e: {  	_ =	shalt  }
0x3f: {  	_ =	shalt  }
0x40: {  	_ =	shalt  }
0x41: {  	_ =	shalt  }
0x42: {  	_ =	shalt  }
0x43: {  	_ =	shalt  }
0x44: {  	_ =	shalt  }
0x45: {  	_ =	shalt  }
0x46: {  	_ =	shalt  }
0x47: {  	_ =	shalt  }
0x48: {  	_ =	shalt  }
0x49: {  	_ =	shalt  }
0x4a: {  	_ =	shalt  }
0x4b: {  	_ =	shalt  }
0x4c: {  	_ =	shalt  }
0x4d: {  	_ =	shalt  }
0x4e: {  	_ =	shalt  }
0x4f: {  	_ =	shalt  }
0x50: {  	_ =	shalt  }
0x51: {  	_ =	shalt  }
0x52: {  	_ =	shalt  }
0x53: {  	_ =	shalt  }
0x54: {  	_ =	shalt  }
0x55: {  	_ =	shalt  }
0x56: {  	_ =	shalt  }
0x57: {  	_ =	shalt  }
0x58: {  	_ =	shalt  }
0x59: {  	_ =	shalt  }
0x5a: {  	_ =	shalt  }
0x5b: {  	_ =	shalt  }
0x5c: {  	_ =	shalt  }
0x5d: {  	_ =	shalt  }
0x5e: {  	_ =	shalt  }
0x5f: {  	_ =	shalt  }
0x60: {  	_ =	shalt  }
0x61: {  	_ =	shalt  }
0x62: {  	_ =	shalt  }
0x63: {  	_ =	shalt  }
0x64: {  	_ =	shalt  }
0x65: {  	_ =	shalt  }
0x66: {  	_ =	shalt  }
0x67: {  	_ =	shalt  }
0x68: {  	_ =	shalt  }
0x69: {  	_ =	shalt  }
0x6a: {  	_ =	shalt  }
0x6b: {  	_ =	shalt  }
0x6c: {  	_ =	shalt  }
0x6d: {  	_ =	shalt  }
0x6e: {  	_ =	shalt  }
0x6f: {  	_ =	shalt  }
0x70: {  	_ =	shalt  }
0x71: {  	_ =	shalt  }
0x72: {  	_ =	shalt  }
0x73: {  	_ =	shalt  }
0x74: {  	_ =	shalt  }
0x75: {  	_ =	shalt  }
0x76: {  	_ =	shalt  }
0x77: {  	_ =	shalt  }
0x78: {  	_ =	shalt  }
0x79: {  	_ =	shalt  }
0x7a: {  	_ =	shalt  }
0x7b: {  	_ =	shalt  }
0x7c: {  	_ =	shalt  }
0x7d: {  	_ =	shalt  }
0x7e: {  	_ =	shalt  }
0x7f: {  	_ =	shalt  }
0x80: {  	_ =	shalt  }
0x81: {  	_ =	shalt  }
0x82: {  	_ =	shalt  }
0x83: {  	_ =	shalt  }
0x84: {  	_ =	shalt  }
0x85: {  	_ =	shalt  }
0x86: {  	_ =	shalt  }
0x87: {  	_ =	shalt  }
.Lfunc_end0:
.L_simem_size_0:
called_computation.2_lowered:
.L_overlay_start_0:
0x88: {  	s2 =	sld [smem:$0x3FD9]  }
0x89: {  	s3 =	sld [smem:$0x3FFE];
	_ =	sdelay $0x1  }
0x8a: {  	s1 =	srdreg.scid  }
0x8b: {  	s0 =	sand.u32 $0x1, s1  }
0x8c: {  	s17 =	sshll.u32 s0, $0xA;
	s2 =	sadd.s32 s3, s2  }
0x8d: {  	s2 =	sadd.s32 s2, s17  }
0x8e: {  	[smem:$0x3FB8] =	sst s2  }
0x8f: {  	_ = 	snop  }
0x90: {  	s2 =	sld [smem:$0x3FD0];
	(tm) =	ssettm $0x1  }
0x91: {  	s18 =	sld [smem:$0x3FFB];
	_ =	sdelay $0x3  }
0x92: {  	_ =	strace s18  }
0x93: {  	s3 =	sld [smem:$0x3FFC];
	_ =	sdelay $0x3  }
0x94: {  	_ =	strace s3  }
0x95: {  	s3 =	sld [smem:$0x3FFD];
	_ =	sdelay $0x3  }
0x96: {  	_ =	strace s3  }
0x97: {  	_ =	strace $0x8FFFFFFF  }
0x98: {  	s19 =	sld [smem:$0x3FDB];
	_ =	sdelay $0x1  }
0x99: {  	s4 =	simm.s32 $_scs_section_size  }
0x9a: {  	s5 =	simm.s32 $_size__tile_overlayer_lowered;
	s6 =	simm.s32 $_tile_overlayer_lowered  }
0x9b: {  	s22 =	simm.s32 $0x1BFF;
	s21 =	sshll.u32 s6, $0x1;
	s3 =	sadd.s32 s4, s19  }
0x9c: {  	s7 =	simm.s32 $0x0;
	s20 =	sshll.u32 s5, $0x1;
	s5 =	sadd.s32 s21, s3  }
0x9d: {  	[timem:s7], [sflag:s22] =	dma.local [hbm:s5], s20  }
0x9e: {  	_ =	swait.ge [sflag:s22], s20  }
0x9f: {  	s4 =	ssub.s32 $0x0, s20;
	[sflag:s22] =	ssyncset.done $0x0  }
0xa0: {  	[sflag:s22] =	ssyncadd.s32 s4;
	_ =	sdelay $0x1  }
0xa1: {  	s23 =	simm.s32 $0x1B8B  }
0xa2: {  	_ =	swait.ge [sflag:s23], $0x1  }
0xa3: {  	[sflag:s23] =	ssyncset.done $0x0  }
0xa4: {  	s25 =	simm.s32 $0x1B8E;
	s24 =	sld [smem:$0x3FFE];
	[sflag:s23] =	ssyncadd.s32 $0xFFFFFFFF  }
0xa5: {  	s26 =	simm.s32 $execute0_lowered;
	[smem:$0x3FD2] =	sst s25  }
0xa6: {  	s5 =	sshll.u32 s26, $0x1;
	_ =	strace $0x8000004C;
	[dreg:$0x1] =	wrdreg $0xFFFFFFFF  }
0xa7: {  	s28 =	simm.s32 $_size_execute0_lowered;
	s3 =	sadd.s32 s3, s5;
	[dreg:$0x0] =	wrdreg $0x0  }
0xa8: {  	s5 =	sshll.u32 s28, $0x1;
	[dreg:$0x2] =	wrdreg s3  }
0xa9: {  	[dreg:$0x3] =	wrdreg s5  }
0xaa: {  	[dreg:$0x4] =	wrdreg $0xC0  }
0xab: {  	_ =	task [dreg:s7], $0x5FFFF  }
0xac: {  	[dreg:$0x1] =	wrdreg $0xFFFFFFFF  }
0xad: {  	[dreg:$0x0] =	wrdreg $0x60  }
0xae: {  	[dreg:$0x2] =	wrdreg s24  }
0xaf: {  	[dreg:$0x3] =	wrdreg s2  }
0xb0: {  	[dreg:$0x4] =	wrdreg $0x9  }
0xb1: {  	_ =	task.clear_ibuf [dreg:s7], $0x5FFFF;
	_ =	strace $0x9000004C  }
0xb2: {  	s29 =	simm.s32 $0x9;
	_ =	strace $0x8000004E  }
0xb3: {  	_ =	swait.ge [sflag:s29], $0x1  }
0xb4: {  	[sflag:s29] =	ssyncadd.s32 $0xFFFFFFFF  }
0xb5: {  	_ =	strace $0x9000004E  }
0xb6: {  	_ =	sfence  }
0xb7: {  	s30 =	sld [smem:$0x0];
	_ =	sdelay $0x2  }
0xb8: {  	s31 =	sshll.u32 s1, $0xD;
	s1 =	sshrl.u32 s1, $0x2  }
0xb9: {  	s3 =	sand.u32 $0x4000, s31;
	s1 =	sadd.s32 s1, s30  }
0xba: {  	s0 =	sor.u32 s3, s0;
	s1 =	sshll.u32 s1, $0x11  }
0xbb: {  	s0 =	sor.u32 s1, s0  }
0xbc: {  	s0 =	sadd.s32 $0x8F2B, s0  }
0xbd: {  	[sflag:s0] =	ssyncadd.remote.s32 $0x1  }
0xbe: {  	_ =	sfence.sel $0xFFFF  }
0xbf: {  	[dreg:$0x0] =	wrdreg $0xFFFFFFFF;
	(pc) =	sbr.abs _section_cstart, $3  }
0xc0: {  	[dreg:$0x1] =	wrdreg $0xFFFFFFFF  }
0xc1: {  	_ =	task.clear_ibuf [dreg:s7], $0x2FFFF;
	_ =	strace $0x9FFFFFFF  }
0xc2: {  	(tm) =	ssettm $0x7FFFFFFF  }
0xc3: {  	_ =	shalt  }
tec
execute0_lowered:
.L_overlay_start_1:
0x0: {  	(tag) =	ssettag $0x1  }
0x1: {  	s0 =	rddreg [dreg:$0x0];
	s1 =	srdreg.scid  }
0x2: {  	s12 =	stileid.u32;
	s5 =	rddreg [dreg:$0x1]  }
0x3: {  	s2 =	simm.s32 $0x0;
	s13 =	simm.s32 $0x4F00;
	s14 =	simm.s32 $0xEF00  }
0x4: {  	s18 =	simm.s32 $0x9F00;
	s19 =	simm.s32 $0x13F00;
	s28 =	simm.s32 $0xD  }
0x5: {  	s29 =	simm.s32 $0x3;
	s30 =	simm.s32 $0x7;
	s31 =	simm.s32 $0xA  }
0x6: {  	s16 =	simm.s32 $0x8;
	s1 =	sand.u32 $0x1, s1;
	s3 =	sshll.u32 s12, $0x1  }
0x7: {  	[smem:$0x7FF] =	sst s2;
	s4 =	sadd.s32 $0x34200, s0;
	s10 =	sadd.s32 $0x5B400, s0  }
0x8: {  	s20 =	smul.u32 $0x4E200, s12;
	s12 =	simm.s32 $0x50;
	s6 =	sor.u32 s1, s3  }
0x9: {  	_ =	strace $0x8000004D;
	s9 =	ssub.s32 $0x2, s1;
	s1 =	smul.u32 $0x27100, s1  }
0xa: {  	s3 =	sadd.s32 $0xD000, s0;
	s7 =	smul.u32 $0x2710, s6;
	s11 =	sshrl.u32 s9, $0x1  }
0xb: {  	s6 =	smul.u32 $0x138800, s6;
	s24 =	sadd.s32 s20, s10;
	s9 =	ssub.s32 s9, s11  }
0xc: {  	s25 =	sadd.s32 s1, s24;
	s24 =	simm.s32 $0x2;
	s7 =	sshrl.u32 s7, $0x3  }
0xd: {  	s6 =	sshrl.u32 s6, $0x3;
	s26 =	smax.u32 s9, $0x1;
	[dreg:$0x3] =	wrdreg s25  }
0xe: {  	s25 =	simm.s32 $0x6;
	s8 =	sadd.s32 s7, s0;
	s0 =	sadd.s32 $0x53D400, s0  }
0xf: {  	s5 =	sadd.s32 s5, s7;
	s21 =	sadd.s32 $0x26C00, s6;
	[dreg:$0x9] =	wrdreg s26  }
0x10: {  	s26 =	simm.s32 $0x9;
	[dreg:$0x5] =	wrdreg s5;
	s22 =	sadd.s32 $0x3200, s8  }
0x11: {  	s6 =	simm.s32 $0x0;
	s23 =	sadd.s32 s10, s21;
	[dreg:$0x6] =	wrdreg s22  }
0x12: {  	s5 =	sadd.s32 s0, s21;
	s0 =	sadd.s32 s20, s0;
	[dreg:$0x7] =	wrdreg s23  }
0x13: {  	s20 =	simm.s32 $0x1;
	s21 =	simm.s32 $0x5;
	[dreg:$0x8] =	wrdreg s5  }
0x14: {  	s0 =	sadd.s32 s1, s0;
	s22 =	simm.s32 $0xC700;
	s23 =	simm.s32 $0x16700  }
0x15: {  	s1 =	simm.s32 $0xE;
	[dreg:$0x4] =	wrdreg s0;
	s0 =	simm.s32 $0x4  }
.LBB2_1:
0x16: {  	[dreg:$0xa] =	wrdreg s6  }
0x17: {  	s5 =	rddreg [dreg:$0x5];
	s10 =	simm.s32 $0x11  }
0x18: {  	[tilespmem:s2], [sflag:$0x11] =	stream.linear.gather [hbm4b:s5+s2], $0x2710, $0x38;
	[tilespmem:$0x18F00] =	vst v63  }
0x19: {  	_ =	swait.ge [sflag:s10], $0x2710  }
0x1a: {  	[sflag:s10] =	ssyncset.done $0x0  }
0x1b: {  	s7 =	simm.s32 $0x2780;
	s11 =	rddreg [dreg:$0x6];
	[sflag:s10] =	ssyncadd.s32 $0xFFFFD8F0  }
0x1c: {  	[tilespmem:s7], [sflag:$0x11] =	stream.linear.gather [hbm4b:s11+s2], $0x2710, $0x38;
	[tilespmem:$0x18F00] =	vst v63  }
0x1d: {  	_ =	swait.ge [sflag:s10], $0x2710  }
0x1e: {  	[sflag:s10] =	ssyncset.done $0x0  }
0x1f: {  	[sflag:s10] =	ssyncadd.s32 $0xFFFFD8F0  }
0x20: {  	[tilespmem:s13], [sflag:$0x1] =	stream.indirect.gather [hbm4b:s3+s12], $0x80, s2, s12, $0xb8;
	[tilespmem:$0x18F00] =	vst v63  }
0x21: {  	_ = 	snop  }
0x22: {  	[tilespmem:s14], [sflag:$0x5] =	stream.indirect.gather [hbm4b:s4+s12], $0x80, s7, s12, $0xb8;
	[tilespmem:$0x18F00] =	vst v63  }
0x23: {  	s8 =	simm.s32 $0x7700;
	p0 =	por $0x1, $0x1  }
0x24: {  	[tilespmem:s8], [sflag:$0x2] =	stream.indirect.gather [hbm4b:s3+s12], $0x80, s12, s12, $0xb8;
	[tilespmem:$0x18F00] =	vst v63  }
0x25: {  	s15 =	simm.s32 $0x27D0;
	s9 =	simm.s32 $0x11700;
	s5 =	simm.s32 @!p0 $0xB  }
0x26: {  	[tilespmem:s9], [sflag:$0x6] =	stream.indirect.gather [hbm4b:s4+s12], $0x80, s15, s12, $0xb8;
	[tilespmem:$0x18F00] =	vst v63  }
0x27: {  	_ =	swait.ge @!p0 [sflag:s5], $0x2800  }
0x28: {  	[sflag:s5] =	ssyncset.done @!p0 $0x0  }
0x29: {  	[sflag:s5] =	ssyncadd.s32 @!p0 $0xFFFFD800;
	s5 =	simm.s32 @!p0 $0xF  }
0x2a: {  	_ =	swait.ge @!p0 [sflag:s5], $0x2800  }
0x2b: {  	[sflag:s5] =	ssyncset.done @!p0 $0x0  }
0x2c: {  	s17 =	simm.s32 $0xA0;
	[sflag:s5] =	ssyncadd.s32 @!p0 $0xFFFFD800  }
0x2d: {  	[tilespmem:s18], [sflag:$0x3] =	stream.indirect.gather [hbm4b:s3+s12], $0x80, s17, s12, $0xb8;
	[tilespmem:$0x18F00] =	vst v63  }
0x2e: {  	s6 =	simm.s32 $0x2820  }
0x2f: {  	[tilespmem:s19], [sflag:$0x7] =	stream.indirect.gather [hbm4b:s4+s12], $0x80, s6, s12, $0xb8;
	[tilespmem:$0x18F00] =	vst v63  }
0x30: {  	_ =	swait.ge [sflag:s20], $0x2800  }
0x31: {  	[sflag:s20] =	ssyncset.done $0x0  }
0x32: {  	[sflag:s20] =	ssyncadd.s32 $0xFFFFD800  }
0x33: {  	_ =	swait.ge [sflag:s21], $0x2800  }
0x34: {  	s7 =	rddreg [dreg:$0x3];
	[sflag:s21] =	ssyncset.done $0x0  }
0x35: {  	s10 =	rddreg [dreg:$0x4];
	[sflag:s21] =	ssyncadd.s32 $0xFFFFD800;
	s6 =	sadd.s32 $0x0, s7  }
0x36: {  	[hbm4b:s6+s2] =	stream.linear.scatter [tilespmem:s13], [sflag:$0x9], $0x2800, $0x38;
	[tilespmem:$0x18F00] =	vst v63  }
0x37: {  	s5 =	sadd.s32 $0x0, s10;
	s7 =	simm.s32 @!p0 $0xC  }
0x38: {  	[hbm4b:s5+s2] =	stream.linear.scatter [tilespmem:s14], [sflag:$0xD], $0x2800, $0x38;
	[tilespmem:$0x18F00] =	vst v63  }
0x39: {  	_ =	swait.ge @!p0 [sflag:s7], $0x2800  }
0x3a: {  	[sflag:s7] =	ssyncset.done @!p0 $0x0  }
0x3b: {  	[sflag:s7] =	ssyncadd.s32 @!p0 $0xFFFFD800;
	s7 =	simm.s32 @!p0 $0x10  }
0x3c: {  	_ =	swait.ge @!p0 [sflag:s7], $0x2800  }
0x3d: {  	[sflag:s7] =	ssyncset.done @!p0 $0x0  }
0x3e: {  	s11 =	simm.s32 $0xF0;
	[sflag:s7] =	ssyncadd.s32 @!p0 $0xFFFFD800  }
0x3f: {  	[tilespmem:s22], [sflag:$0x4] =	stream.indirect.gather [hbm4b:s3+s12], $0x80, s11, s12, $0xb8;
	[tilespmem:$0x18F00] =	vst v63  }
0x40: {  	s15 =	simm.s32 $0x2870  }
0x41: {  	[tilespmem:s23], [sflag:$0x8] =	stream.indirect.gather [hbm4b:s4+s12], $0x80, s15, s12, $0xb8;
	[tilespmem:$0x18F00] =	vst v63  }
0x42: {  	_ =	swait.ge [sflag:s24], $0x2800  }
0x43: {  	[sflag:s24] =	ssyncset.done $0x0  }
0x44: {  	[sflag:s24] =	ssyncadd.s32 $0xFFFFD800  }
0x45: {  	_ =	swait.ge [sflag:s25], $0x2800  }
0x46: {  	[sflag:s25] =	ssyncset.done $0x0  }
0x47: {  	s17 =	sadd.s32 $0x500, s6;
	[sflag:s25] =	ssyncadd.s32 $0xFFFFD800  }
0x48: {  	[hbm4b:s17+s2] =	stream.linear.scatter [tilespmem:s8], [sflag:$0xA], $0x2800, $0x38;
	[tilespmem:$0x18F00] =	vst v63  }
0x49: {  	s8 =	sadd.s32 $0x500, s5  }
0x4a: {  	[hbm4b:s8+s2] =	stream.linear.scatter [tilespmem:s9], [sflag:$0xE], $0x2800, $0x38;
	[tilespmem:$0x18F00] =	vst v63  }
0x4b: {  	_ =	swait.ge [sflag:s26], $0x2800  }
0x4c: {  	[sflag:s26] =	ssyncset.done $0x0  }
0x4d: {  	[sflag:s26] =	ssyncadd.s32 $0xFFFFD800  }
0x4e: {  	_ =	swait.ge [sflag:s28], $0x2800  }
0x4f: {  	[sflag:s28] =	ssyncset.done $0x0  }
0x50: {  	s10 =	simm.s32 $0x140;
	[sflag:s28] =	ssyncadd.s32 $0xFFFFD800  }
0x51: {  	[tilespmem:s13], [sflag:$0x1] =	stream.indirect.gather [hbm4b:s3+s12], $0x80, s10, s12, $0xb8;
	[tilespmem:$0x18F00] =	vst v63  }
0x52: {  	s11 =	simm.s32 $0x28C0  }
0x53: {  	[tilespmem:s14], [sflag:$0x5] =	stream.indirect.gather [hbm4b:s4+s12], $0x80, s11, s12, $0xb8;
	[tilespmem:$0x18F00] =	vst v63  }
0x54: {  	_ =	swait.ge [sflag:s29], $0x2800  }
0x55: {  	[sflag:s29] =	ssyncset.done $0x0  }
0x56: {  	[sflag:s29] =	ssyncadd.s32 $0xFFFFD800  }
0x57: {  	_ =	swait.ge [sflag:s30], $0x2800  }
0x58: {  	[sflag:s30] =	ssyncset.done $0x0  }
0x59: {  	s15 =	sadd.s32 $0xA00, s6;
	[sflag:s30] =	ssyncadd.s32 $0xFFFFD800  }
0x5a: {  	[hbm4b:s15+s2] =	stream.linear.scatter [tilespmem:s18], [sflag:$0xB], $0x2800, $0x38;
	[tilespmem:$0x18F00] =	vst v63  }
0x5b: {  	s17 =	sadd.s32 $0xA00, s5  }
0x5c: {  	[hbm4b:s17+s2] =	stream.linear.scatter [tilespmem:s19], [sflag:$0xF], $0x2800, $0x38;
	[tilespmem:$0x18F00] =	vst v63  }
0x5d: {  	_ =	swait.ge [sflag:s31], $0x2800  }
0x5e: {  	[sflag:s31] =	ssyncset.done $0x0  }
0x5f: {  	[sflag:s31] =	ssyncadd.s32 $0xFFFFD800  }
0x60: {  	p0 =	por $0x0, $0x0;
	_ =	swait.ge [sflag:s1], $0x2800  }
0x61: {  	s7 =	simm.s32 @!p0 $0x7700;
	[sflag:s1] =	ssyncset.done $0x0  }
0x62: {  	s8 =	simm.s32 @!p0 $0x190;
	s9 =	simm.s32 @!p0 $0x50;
	[sflag:s1] =	ssyncadd.s32 $0xFFFFD800  }
0x63: {  	[tilespmem:s7], [sflag:$0x2] =	stream.indirect.gather @!p0 [hbm4b:s3+s9], $0x80, s8, s9, $0xb8;
	[tilespmem:$0x18F00] =	vst v63  }
0x64: {  	s7 =	simm.s32 @!p0 $0x2910;
	s8 =	simm.s32 @!p0 $0x11700  }
0x65: {  	[tilespmem:s8], [sflag:$0x6] =	stream.indirect.gather @!p0 [hbm4b:s4+s9], $0x80, s7, s9, $0xb8;
	[tilespmem:$0x18F00] =	vst v63  }
0x66: {  	_ =	swait.ge [sflag:s0], $0x2800  }
0x67: {  	[sflag:s0] =	ssyncset.done $0x0  }
0x68: {  	[sflag:s0] =	ssyncadd.s32 $0xFFFFD800  }
0x69: {  	_ =	swait.ge [sflag:s16], $0x2800  }
0x6a: {  	p1 =	por $0x0, $0x0;
	[sflag:s16] =	ssyncset.done $0x0  }
0x6b: {  	s6 =	sadd.s32 $0xF00, s6;
	s9 =	simm.s32 $0x1400;
	[sflag:s16] =	ssyncadd.s32 $0xFFFFD800  }
0x6c: {  	[hbm4b:s6+s2] =	stream.linear.scatter [tilespmem:s22], [sflag:$0xC], $0x2800, $0x38;
	[tilespmem:$0x18F00] =	vst v63  }
0x6d: {  	s8 =	sadd.s32 $0xF00, s5;
	s5 =	simm.s32 $0x0;
	s6 =	simm.s32 $0x2800  }
.LBB2_2:
0x6e: {  	s10 =	simm.s32 @!p1 $0xB  }
0x6f: {  	[hbm4b:s8+s2] =	stream.linear.scatter [tilespmem:s23], [sflag:$0x10], $0x2800, $0x38;
	[tilespmem:$0x18F00] =	vst v63  }
0x70: {  	_ =	swait.ge @!p1 [sflag:s10], $0x2800  }
0x71: {  	[sflag:s10] =	ssyncset.done @!p1 $0x0  }
0x72: {  	s8 =	simm.s32 @!p1 $0xF;
	[sflag:s10] =	ssyncadd.s32 @!p1 $0xFFFFD800  }
0x73: {  	s5 =	sadd.s32 $0x500, s5;
	_ =	swait.ge @!p1 [sflag:s8], $0x2800  }
0x74: {  	s11 =	sshra.s32 s5, $0x2;
	[sflag:s8] =	ssyncset.done @!p1 $0x0  }
0x75: {  	s15 =	sadd.s32 $0xA0, s11;
	[sflag:s8] =	ssyncadd.s32 @!p1 $0xFFFFD800  }
0x76: {  	[tilespmem:s18], [sflag:$0x3] =	stream.indirect.gather [hbm4b:s3+s12], $0x80, s15, s12, $0xb8;
	[tilespmem:$0x18F00] =	vst v63  }
0x77: {  	s17 =	sadd.s32 $0x2820, s11  }
0x78: {  	[tilespmem:s19], [sflag:$0x7] =	stream.indirect.gather [hbm4b:s4+s12], $0x80, s17, s12, $0xb8;
	[tilespmem:$0x18F00] =	vst v63  }
0x79: {  	_ =	swait.ge [sflag:s20], $0x2800  }
0x7a: {  	[sflag:s20] =	ssyncset.done $0x0  }
0x7b: {  	[sflag:s20] =	ssyncadd.s32 $0xFFFFD800  }
0x7c: {  	_ =	swait.ge [sflag:s21], $0x2800  }
0x7d: {  	s10 =	rddreg [dreg:$0x3];
	[sflag:s21] =	ssyncset.done $0x0  }
0x7e: {  	s15 =	rddreg [dreg:$0x4];
	[sflag:s21] =	ssyncadd.s32 $0xFFFFD800;
	s8 =	sadd.s32 s9, s10  }
0x7f: {  	[hbm4b:s8+s2] =	stream.linear.scatter [tilespmem:s13], [sflag:$0x9], $0x2800, $0x38;
	[tilespmem:$0x18F00] =	vst v63  }
0x80: {  	s10 =	sadd.s32 s9, s15;
	s15 =	simm.s32 @!p1 $0xC  }
0x81: {  	[hbm4b:s10+s2] =	stream.linear.scatter [tilespmem:s14], [sflag:$0xD], $0x2800, $0x38;
	[tilespmem:$0x18F00] =	vst v63  }
0x82: {  	_ =	swait.ge @!p1 [sflag:s15], $0x2800  }
0x83: {  	[sflag:s15] =	ssyncset.done @!p1 $0x0  }
0x84: {  	[sflag:s15] =	ssyncadd.s32 @!p1 $0xFFFFD800;
	s15 =	simm.s32 @!p1 $0x10  }
0x85: {  	_ =	swait.ge @!p1 [sflag:s15], $0x2800  }
0x86: {  	[sflag:s15] =	ssyncset.done @!p1 $0x0  }
0x87: {  	s17 =	sadd.s32 $0xF0, s11;
	[sflag:s15] =	ssyncadd.s32 @!p1 $0xFFFFD800  }
0x88: {  	[tilespmem:s22], [sflag:$0x4] =	stream.indirect.gather [hbm4b:s3+s12], $0x80, s17, s12, $0xb8;
	[tilespmem:$0x18F00] =	vst v63  }
0x89: {  	s17 =	sadd.s32 $0x2870, s11  }
0x8a: {  	[tilespmem:s23], [sflag:$0x8] =	stream.indirect.gather [hbm4b:s4+s12], $0x80, s17, s12, $0xb8;
	[tilespmem:$0x18F00] =	vst v63  }
0x8b: {  	_ =	swait.ge [sflag:s24], $0x2800  }
0x8c: {  	[sflag:s24] =	ssyncset.done $0x0  }
0x8d: {  	[sflag:s24] =	ssyncadd.s32 $0xFFFFD800  }
0x8e: {  	_ =	swait.ge [sflag:s25], $0x2800  }
0x8f: {  	[sflag:s25] =	ssyncset.done $0x0  }
0x90: {  	s15 =	sadd.s32 $0x500, s8;
	s17 =	simm.s32 $0x7700;
	[sflag:s25] =	ssyncadd.s32 $0xFFFFD800  }
0x91: {  	[hbm4b:s15+s2] =	stream.linear.scatter [tilespmem:s17], [sflag:$0xA], $0x2800, $0x38;
	[tilespmem:$0x18F00] =	vst v63  }
0x92: {  	s15 =	sadd.s32 $0x500, s10;
	s17 =	simm.s32 $0x11700  }
0x93: {  	[hbm4b:s15+s2] =	stream.linear.scatter [tilespmem:s17], [sflag:$0xE], $0x2800, $0x38;
	[tilespmem:$0x18F00] =	vst v63  }
0x94: {  	_ =	swait.ge [sflag:s26], $0x2800  }
0x95: {  	[sflag:s26] =	ssyncset.done $0x0  }
0x96: {  	[sflag:s26] =	ssyncadd.s32 $0xFFFFD800  }
0x97: {  	_ =	swait.ge [sflag:s28], $0x2800  }
0x98: {  	[sflag:s28] =	ssyncset.done $0x0  }
0x99: {  	s17 =	sadd.s32 $0x140, s11;
	[sflag:s28] =	ssyncadd.s32 $0xFFFFD800  }
0x9a: {  	[tilespmem:s13], [sflag:$0x1] =	stream.indirect.gather [hbm4b:s3+s12], $0x80, s17, s12, $0xb8;
	[tilespmem:$0x18F00] =	vst v63  }
0x9b: {  	s11 =	sadd.s32 $0x28C0, s11  }
0x9c: {  	[tilespmem:s14], [sflag:$0x5] =	stream.indirect.gather [hbm4b:s4+s12], $0x80, s11, s12, $0xb8;
	[tilespmem:$0x18F00] =	vst v63  }
0x9d: {  	_ =	swait.ge [sflag:s29], $0x2800  }
0x9e: {  	[sflag:s29] =	ssyncset.done $0x0  }
0x9f: {  	[sflag:s29] =	ssyncadd.s32 $0xFFFFD800  }
0xa0: {  	_ =	swait.ge [sflag:s30], $0x2800  }
0xa1: {  	[sflag:s30] =	ssyncset.done $0x0  }
0xa2: {  	s17 =	sadd.s32 $0xA00, s8;
	[sflag:s30] =	ssyncadd.s32 $0xFFFFD800  }
0xa3: {  	[hbm4b:s17+s2] =	stream.linear.scatter [tilespmem:s18], [sflag:$0xB], $0x2800, $0x38;
	[tilespmem:$0x18F00] =	vst v63  }
0xa4: {  	s15 =	sadd.s32 $0xA00, s10  }
0xa5: {  	[hbm4b:s15+s2] =	stream.linear.scatter [tilespmem:s19], [sflag:$0xF], $0x2800, $0x38;
	[tilespmem:$0x18F00] =	vst v63  }
0xa6: {  	_ =	swait.ge [sflag:s31], $0x2800  }
0xa7: {  	[sflag:s31] =	ssyncset.done $0x0  }
0xa8: {  	s7 =	smov.u32 s6;
	[sflag:s31] =	ssyncadd.s32 $0xFFFFD800  }
0xa9: {  	p1 =	seq.s32 s9, $0x25800;
	s9 =	smov.u32 s7;
	_ =	swait.ge [sflag:s1], $0x2800  }
0xaa: {  	s7 =	sshra.s32 @!p1 s5, $0x2;
	s11 =	simm.s32 @!p1 $0x7700;
	[sflag:s1] =	ssyncset.done $0x0  }
0xab: {  	s17 =	simm.s32 @!p1 $0x50;
	s15 =	sadd.s32 @!p1 $0x190, s7;
	[sflag:s1] =	ssyncadd.s32 $0xFFFFD800  }
0xac: {  	[tilespmem:s11], [sflag:$0x2] =	stream.indirect.gather @!p1 [hbm4b:s3+s17], $0x80, s15, s17, $0xb8;
	[tilespmem:$0x18F00] =	vst v63  }
0xad: {  	s7 =	sadd.s32 @!p1 $0x2910, s7;
	s11 =	simm.s32 @!p1 $0x11700  }
0xae: {  	[tilespmem:s11], [sflag:$0x6] =	stream.indirect.gather @!p1 [hbm4b:s4+s17], $0x80, s7, s17, $0xb8;
	[tilespmem:$0x18F00] =	vst v63  }
0xaf: {  	s6 =	sadd.s32 $0x1400, s6;
	_ =	swait.ge [sflag:s0], $0x2800  }
0xb0: {  	p0 =	sne.s32 s6, $0x26C00;
	[sflag:s0] =	ssyncset.done $0x0  }
.Ltmp0:
0xb1: {  	[sflag:s0] =	ssyncadd.s32 $0xFFFFD800;
	(pc) =	sbr.rel @p0 .LBB2_2-.Ltmp0, $4  }
0xb2: {  	_ =	swait.ge [sflag:s16], $0x2800  }
0xb3: {  	p1 =	seq.s32 s9, $0x0;
	[sflag:s16] =	ssyncset.done $0x0  }
0xb4: {  	s17 =	sadd.s32 $0xF00, s8;
	s8 =	sadd.s32 $0xF00, s10;
	[sflag:s16] =	ssyncadd.s32 $0xFFFFD800  }
0xb5: {  	[hbm4b:s17+s2] =	stream.linear.scatter [tilespmem:s22], [sflag:$0xC], $0x2800, $0x38;
	[tilespmem:$0x18F00] =	vst v63  }
0xb6: {  	s6 =	simm.s32 @!p1 $0xB  }
0xb7: {  	[hbm4b:s8+s2] =	stream.linear.scatter [tilespmem:s23], [sflag:$0x10], $0x2800, $0x38;
	[tilespmem:$0x18F00] =	vst v63  }
0xb8: {  	_ =	swait.ge @!p1 [sflag:s6], $0x2800  }
0xb9: {  	[sflag:s6] =	ssyncset.done @!p1 $0x0  }
0xba: {  	[sflag:s6] =	ssyncadd.s32 @!p1 $0xFFFFD800;
	s6 =	simm.s32 @!p1 $0xF  }
0xbb: {  	s5 =	sadd.s32 $0x500, s5;
	_ =	swait.ge @!p1 [sflag:s6], $0x2800  }
0xbc: {  	s8 =	sshra.s32 s5, $0x2;
	[sflag:s6] =	ssyncset.done @!p1 $0x0  }
0xbd: {  	s17 =	sadd.s32 $0xA0, s8;
	[sflag:s6] =	ssyncadd.s32 @!p1 $0xFFFFD800  }
0xbe: {  	[tilespmem:s18], [sflag:$0x3] =	stream.indirect.gather [hbm4b:s3+s12], $0x80, s17, s12, $0xb8;
	[tilespmem:$0x18F00] =	vst v63  }
0xbf: {  	s7 =	sadd.s32 $0x2820, s8  }
0xc0: {  	[tilespmem:s19], [sflag:$0x7] =	stream.indirect.gather [hbm4b:s4+s12], $0x80, s7, s12, $0xb8;
	[tilespmem:$0x18F00] =	vst v63  }
0xc1: {  	_ =	swait.ge [sflag:s20], $0x2800  }
0xc2: {  	[sflag:s20] =	ssyncset.done $0x0  }
0xc3: {  	[sflag:s20] =	ssyncadd.s32 $0xFFFFD800  }
0xc4: {  	_ =	swait.ge [sflag:s21], $0x2800  }
0xc5: {  	s10 =	rddreg [dreg:$0x3];
	[sflag:s21] =	ssyncset.done $0x0  }
0xc6: {  	s7 =	rddreg [dreg:$0x4];
	[sflag:s21] =	ssyncadd.s32 $0xFFFFD800;
	s6 =	sadd.s32 s9, s10  }
0xc7: {  	[hbm4b:s6+s2] =	stream.linear.scatter [tilespmem:s13], [sflag:$0x9], $0x2800, $0x38;
	[tilespmem:$0x18F00] =	vst v63  }
0xc8: {  	s7 =	sadd.s32 s9, s7;
	s10 =	simm.s32 @!p1 $0xC  }
0xc9: {  	[hbm4b:s7+s2] =	stream.linear.scatter [tilespmem:s14], [sflag:$0xD], $0x2800, $0x38;
	[tilespmem:$0x18F00] =	vst v63  }
0xca: {  	_ =	swait.ge @!p1 [sflag:s10], $0x2800  }
0xcb: {  	[sflag:s10] =	ssyncset.done @!p1 $0x0  }
0xcc: {  	[sflag:s10] =	ssyncadd.s32 @!p1 $0xFFFFD800;
	s10 =	simm.s32 @!p1 $0x10  }
0xcd: {  	_ =	swait.ge @!p1 [sflag:s10], $0x2800  }
0xce: {  	[sflag:s10] =	ssyncset.done @!p1 $0x0  }
0xcf: {  	s11 =	sadd.s32 $0xF0, s8;
	[sflag:s10] =	ssyncadd.s32 @!p1 $0xFFFFD800  }
0xd0: {  	[tilespmem:s22], [sflag:$0x4] =	stream.indirect.gather [hbm4b:s3+s12], $0x80, s11, s12, $0xb8;
	[tilespmem:$0x18F00] =	vst v63  }
0xd1: {  	s15 =	sadd.s32 $0x2870, s8  }
0xd2: {  	[tilespmem:s23], [sflag:$0x8] =	stream.indirect.gather [hbm4b:s4+s12], $0x80, s15, s12, $0xb8;
	[tilespmem:$0x18F00] =	vst v63  }
0xd3: {  	_ =	swait.ge [sflag:s24], $0x2800  }
0xd4: {  	[sflag:s24] =	ssyncset.done $0x0  }
0xd5: {  	[sflag:s24] =	ssyncadd.s32 $0xFFFFD800  }
0xd6: {  	_ =	swait.ge [sflag:s25], $0x2800  }
0xd7: {  	[sflag:s25] =	ssyncset.done $0x0  }
0xd8: {  	s17 =	sadd.s32 $0x500, s6;
	s11 =	simm.s32 $0x7700;
	[sflag:s25] =	ssyncadd.s32 $0xFFFFD800  }
0xd9: {  	[hbm4b:s17+s2] =	stream.linear.scatter [tilespmem:s11], [sflag:$0xA], $0x2800, $0x38;
	[tilespmem:$0x18F00] =	vst v63  }
0xda: {  	s15 =	simm.s32 $0x11700;
	s11 =	sadd.s32 $0x500, s7  }
0xdb: {  	[hbm4b:s11+s2] =	stream.linear.scatter [tilespmem:s15], [sflag:$0xE], $0x2800, $0x38;
	[tilespmem:$0x18F00] =	vst v63  }
0xdc: {  	_ =	swait.ge [sflag:s26], $0x2800  }
0xdd: {  	[sflag:s26] =	ssyncset.done $0x0  }
0xde: {  	[sflag:s26] =	ssyncadd.s32 $0xFFFFD800  }
0xdf: {  	_ =	swait.ge [sflag:s28], $0x2800  }
0xe0: {  	[sflag:s28] =	ssyncset.done $0x0  }
0xe1: {  	s17 =	sadd.s32 $0x140, s8;
	[sflag:s28] =	ssyncadd.s32 $0xFFFFD800  }
0xe2: {  	[tilespmem:s13], [sflag:$0x1] =	stream.indirect.gather [hbm4b:s3+s12], $0x80, s17, s12, $0xb8;
	[tilespmem:$0x18F00] =	vst v63  }
0xe3: {  	s8 =	sadd.s32 $0x28C0, s8  }
0xe4: {  	[tilespmem:s14], [sflag:$0x5] =	stream.indirect.gather [hbm4b:s4+s12], $0x80, s8, s12, $0xb8;
	[tilespmem:$0x18F00] =	vst v63  }
0xe5: {  	_ =	swait.ge [sflag:s29], $0x2800  }
0xe6: {  	[sflag:s29] =	ssyncset.done $0x0  }
0xe7: {  	[sflag:s29] =	ssyncadd.s32 $0xFFFFD800  }
0xe8: {  	_ =	swait.ge [sflag:s30], $0x2800  }
0xe9: {  	[sflag:s30] =	ssyncset.done $0x0  }
0xea: {  	s10 =	sadd.s32 $0xA00, s6;
	[sflag:s30] =	ssyncadd.s32 $0xFFFFD800  }
0xeb: {  	[hbm4b:s10+s2] =	stream.linear.scatter [tilespmem:s18], [sflag:$0xB], $0x2800, $0x38;
	[tilespmem:$0x18F00] =	vst v63  }
0xec: {  	s11 =	sadd.s32 $0xA00, s7  }
0xed: {  	[hbm4b:s11+s2] =	stream.linear.scatter [tilespmem:s19], [sflag:$0xF], $0x2800, $0x38;
	[tilespmem:$0x18F00] =	vst v63  }
0xee: {  	_ =	swait.ge [sflag:s31], $0x2800  }
0xef: {  	[sflag:s31] =	ssyncset.done $0x0  }
0xf0: {  	p0 =	seq.s32 s9, $0x25800;
	[sflag:s31] =	ssyncadd.s32 $0xFFFFD800  }
0xf1: {  	s5 =	sshra.s32 @!p0 s5, $0x2;
	_ =	swait.ge [sflag:s1], $0x2800  }
0xf2: {  	s9 =	sadd.s32 @!p0 $0x190, s5;
	[sflag:s1] =	ssyncset.done $0x0  }
0xf3: {  	s8 =	simm.s32 @!p0 $0x7700;
	s10 =	simm.s32 @!p0 $0x50;
	[sflag:s1] =	ssyncadd.s32 $0xFFFFD800  }
0xf4: {  	[tilespmem:s8], [sflag:$0x2] =	stream.indirect.gather @!p0 [hbm4b:s3+s10], $0x80, s9, s10, $0xb8;
	[tilespmem:$0x18F00] =	vst v63  }
0xf5: {  	s5 =	sadd.s32 @!p0 $0x2910, s5;
	s8 =	simm.s32 @!p0 $0x11700  }
0xf6: {  	[tilespmem:s8], [sflag:$0x6] =	stream.indirect.gather @!p0 [hbm4b:s4+s10], $0x80, s5, s10, $0xb8;
	[tilespmem:$0x18F00] =	vst v63  }
0xf7: {  	_ =	swait.ge [sflag:s0], $0x2800  }
0xf8: {  	[sflag:s0] =	ssyncset.done $0x0  }
0xf9: {  	[sflag:s0] =	ssyncadd.s32 $0xFFFFD800  }
0xfa: {  	_ =	swait.ge [sflag:s16], $0x2800  }
0xfb: {  	[sflag:s16] =	ssyncset.done $0x0  }
0xfc: {  	s15 =	sadd.s32 $0xF00, s6;
	[sflag:s16] =	ssyncadd.s32 $0xFFFFD800  }
0xfd: {  	[hbm4b:s15+s2] =	stream.linear.scatter [tilespmem:s22], [sflag:$0xC], $0x2800, $0x38;
	[tilespmem:$0x18F00] =	vst v63  }
0xfe: {  	s17 =	sadd.s32 $0xF00, s7  }
0xff: {  	[hbm4b:s17+s2] =	stream.linear.scatter [tilespmem:s23], [sflag:$0x10], $0x2800, $0x38;
	[tilespmem:$0x18F00] =	vst v63  }
0x100: {  	_ =	swait.ge [sflag:s20], $0x2800  }
0x101: {  	[sflag:s20] =	ssyncset.done $0x0  }
0x102: {  	[sflag:s20] =	ssyncadd.s32 $0xFFFFD800  }
0x103: {  	_ =	swait.ge [sflag:s21], $0x2800  }
0x104: {  	[sflag:s21] =	ssyncset.done $0x0  }
0x105: {  	s6 =	rddreg [dreg:$0x7];
	[sflag:s21] =	ssyncadd.s32 $0xFFFFD800  }
0x106: {  	[hbm4b:s6+s2] =	stream.linear.scatter [tilespmem:s13], [sflag:$0x9], $0x2800, $0x38;
	[tilespmem:$0x18F00] =	vst v63  }
0x107: {  	s8 =	simm.s32 $0xB;
	s7 =	rddreg [dreg:$0x8]  }
0x108: {  	[hbm4b:s7+s2] =	stream.linear.scatter [tilespmem:s14], [sflag:$0xD], $0x2800, $0x38;
	[tilespmem:$0x18F00] =	vst v63  }
0x109: {  	_ =	swait.ge [sflag:s8], $0x2800  }
0x10a: {  	[sflag:s8] =	ssyncset.done $0x0  }
0x10b: {  	s9 =	simm.s32 $0xF;
	[sflag:s8] =	ssyncadd.s32 $0xFFFFD800  }
0x10c: {  	_ =	swait.ge [sflag:s9], $0x2800  }
0x10d: {  	[sflag:s9] =	ssyncset.done $0x0  }
0x10e: {  	s10 =	simm.s32 $0xC;
	[sflag:s9] =	ssyncadd.s32 $0xFFFFD800  }
0x10f: {  	_ =	swait.ge [sflag:s10], $0x2800  }
0x110: {  	[sflag:s10] =	ssyncset.done $0x0  }
0x111: {  	s11 =	simm.s32 $0x10;
	[sflag:s10] =	ssyncadd.s32 $0xFFFFD800  }
0x112: {  	_ =	swait.ge [sflag:s11], $0x2800  }
0x113: {  	[sflag:s11] =	ssyncset.done $0x0  }
0x114: {  	[sflag:s11] =	ssyncadd.s32 $0xFFFFD800  }
0x115: {  	_ =	swait.ge [sflag:s26], $0x2800  }
0x116: {  	[sflag:s26] =	ssyncset.done $0x0  }
0x117: {  	[sflag:s26] =	ssyncadd.s32 $0xFFFFD800  }
0x118: {  	_ =	swait.ge [sflag:s28], $0x2800  }
0x119: {  	s15 =	rddreg [dreg:$0xa]  }
0x11a: {  	s17 =	rddreg [dreg:$0x9];
	s6 =	sadd.s32 $0x1, s15  }
0x11b: {  	p0 =	sne.s32 s6, s17  }
.Ltmp1:
0x11c: {  	_ = 	snop;
	(pc) =	sbr.rel @p0 .LBB2_1-.Ltmp1, $3  }
0x11d: {  	_ =	sdelay $0x1  }
0x11e: {  	[sflag:s28] =	ssyncset.done $0x0  }
0x11f: {  	[sflag:s28] =	ssyncadd.s32 $0xFFFFD800  }
0x120: {  	_ =	sfence.sel $0x180000  }
0x121: {  	[bflag:$0x0] =	sbarrier.arrive $0xFFFF  }
0x122: {  	_ =	strace $0x9000004D  }
0x123: {  	s0 =	stileid.u32;
	[bflag:$0x2] =	sbarrier.arrive $0xFFFF  }
0x124: {  	p0 =	sne.s32 s0, $0x0;
	s0 =	rddreg [dreg:$0x2]  }
0x125: {  	s0 =	sadd.s32 @!p0 $0x100000, s0  }
0x126: {  	[sflag:s0] =	ssyncadd.tile.s32 @!p0 $0x1;
	_ =	shalt  }
.Lfunc_end2:
_tile_overlayer_lowered:
.L_overlay_start_2:
0x127: {  	(tag) =	ssettag $0x2  }
0x128: {  	s0 =	rddreg [dreg:$0x0];
	s2 =	stileid.u32  }
0x129: {  	s1 =	rddreg [dreg:$0x1];
	p0 =	sne.s32 s2, $0x0  }
0x12a: {  	s3 =	rddreg [dreg:$0x2];
	[bflag:$0x3] =	sbarrier.arrive $0xFFFF;
	s2 =	simm.s32 @!p0 $0x1C11  }
0x12b: {  	[timem:s3], [sflag:s2] =	dma.local @!p0 [hbm:s0], s1  }
0x12c: {  	s0 =	simm.s32 @!p0 $0x11  }
0x12d: {  	_ =	swait.ge @!p0 [sflag:s0], s1  }
0x12e: {  	s1 =	ssub.s32 @!p0 $0x0, s1;
	[sflag:s0] =	ssyncset.done @!p0 $0x0  }
0x12f: {  	[sflag:s0] =	ssyncadd.s32 @!p0 s1  }
0x130: {  	[bflag:$0x3] =	sbarrier.arrive $0xFFFF  }
0x131: {  	_ =	shalt  }

// kernel: kernel.9.cloned.1.call-start
scs
__scs_entry_jumppad:
0x0: {  	(pc) =	sbr.rel $0x88, $3  }
0x1: {  	(tag) =	ssettag $0x0;
	lr =	simm.s32 $0x1  }
0x2: {  	[smem:$0x3F91] =	sst lr;
	_ =	strace $0xD0000000  }
0x3: {  	_ = 	snop  }
0x4: {  	_ = 	snop  }
0x5: {  	_ = 	snop  }
0x6: {  	_ = 	snop  }
0x7: {  	_ = 	snop  }
__scs_overlays_trampoline_lowered:
0x8: {  	[smem:$0x3FA0] =	sst s0  }
0x9: {  	[smem:$0x3FA1] =	sst s1  }
0xa: {  	[smem:$0x3FA2] =	sst s2  }
0xb: {  	[smem:$0x3FA3] =	sst s3  }
0xc: {  	[smem:$0x3FA4] =	sst s4  }
0xd: {  	[smem:$0x3FA5] =	sst s5  }
0xe: {  	[smem:$0x3FA6] =	sst s6  }
0xf: {  	[smem:$0x3FA7] =	sst s7  }
0x10: {  	[smem:$0x3FA8] =	sst s8  }
0x11: {  	[smem:$0x3FA9] =	sst s9;
	s0 =	simm.s32 @!p0 $0x0  }
0x12: {  	s1 =	sld [smem:$0x3F8F];
	s0 =	simm.s32 @p0 $0x1  }
0x13: {  	[smem:$0x3FAA] =	sst s0;
	s0 =	simm.s32 @!p1 $0x0  }
0x14: {  	s2 =	sld [smem:$0x3F8E];
	s0 =	simm.s32 @p1 $0x1  }
0x15: {  	[smem:$0x3FAB] =	sst s0;
	s0 =	simm.s32 @!p2 $0x0  }
0x16: {  	s3 =	sld [smem:$0x3FDB];
	s0 =	simm.s32 @p2 $0x1  }
0x17: {  	s4 =	simm.s32 $0x1BF5;
	[smem:$0x3FAD] =	sst s0  }
0x18: {  	s0 =	sld [smem:$0x3F90];
	_ =	swait.ge [sflag:s4], $0x0  }
0x19: {  	s7 =	sld [smem:$0x3F91]  }
0x1a: {  	s8 =	sadd.s32 $0xFFFFE003, lr  }
0x1b: {  	s9 =	sadd.s32 $0xFFFFFEF7, lr;
	s5 =	simm.s32 $0xFFFFFFFF;
	p2 =	slt.u32 s8, $0xFFFFF086  }
0x1c: {  	p1 =	slt.u32 s9, $0xF7A;
	s5 =	simm.s32 @!p2 $0x0  }
0x1d: {  	s5 =	simm.s32 @p1 $0x1;
	p0 =	seq.s32 s7, s2  }
0x1e: {  	s7 =	smul.u32 @!p0 $0xF7A, s2;
	p2 =	seq.s32 @!p0 s5, $0x0  }
0x1f: {  	s9 =	smul.u32 $0xF7A, s1;
	s8 =	simm.s32 @!p0 $0x1BF5;
	p2 =	por !p2, p0  }
0x20: {  	[sflag:s8] =	ssyncset.s32 @!p0 $0xFFFFF086;
	s6 =	sadd.s32 @!p0 s3, s7;
	s7 =	simm.s32 @!p0 $0x108  }
0x21: {  	s3 =	sadd.s32 s3, s9;
	s6 =	sadd.s32 @!p0 $0x88, s6;
	s7 =	simm.s32 @p2 $0x1082  }
0x22: {  	[simem:s7], [sflag:s8] =	dma.local @!p0 [hbm:s6], $0xF7A  }
0x23: {  	s9 =	sor.u32 $0xD0000000, s2;
	s6 =	simm.s32 $0x108;
	_ =	swait.ge @!p0 [sflag:s8], $0x0  }
0x24: {  	s3 =	sadd.s32 $0x88, s3;
	s6 =	simm.s32 @!p1 $0x1082;
	[sflag:s4] =	ssyncset.s32 $0xFFFFF086  }
0x25: {  	[simem:s6], [sflag:s4] =	dma.local [hbm:s3], $0xF7A  }
0x26: {  	[smem:$0x3F91] =	sst s1;
	(tag) =	ssettag s2;
	_ =	strace s9  }
0x27: {  	s1 =	sld [smem:$0x3FA1]  }
0x28: {  	s2 =	sld [smem:$0x3FA2]  }
0x29: {  	s4 =	sld [smem:$0x3FA4]  }
0x2a: {  	p0 =	seq.s32 s5, $0x0;
	s5 =	sld [smem:$0x3FA5]  }
0x2b: {  	s6 =	sld [smem:$0x3FA6]  }
0x2c: {  	s7 =	sld [smem:$0x3FA7]  }
0x2d: {  	s3 =	simm.s32 $0x108;
	s8 =	sld [smem:$0x3FA8]  }
0x2e: {  	s3 =	simm.s32 @!p0 $0x1082;
	s9 =	sld [smem:$0x3FA9]  }
0x2f: {  	lr =	sadd.s32 s0, s3;
	s0 =	sld [smem:$0x3FA0]  }
0x30: {  	s3 =	sld [smem:$0x3FA3]  }
0x31: {  	[smem:$0x3FAC] =	sst s10  }
0x32: {  	s10 =	sld [smem:$0x3FAA];
	_ =	sdelay $0x3  }
0x33: {  	p0 =	seq.s32 s10, $0x1;
	s10 =	sld [smem:$0x3FAC];
	_ =	sdelay $0x3  }
0x34: {  	[smem:$0x3FAC] =	sst s10  }
0x35: {  	s10 =	sld [smem:$0x3FAB];
	_ =	sdelay $0x3  }
0x36: {  	p1 =	seq.s32 s10, $0x1;
	s10 =	sld [smem:$0x3FAC];
	_ =	sdelay $0x3  }
0x37: {  	[smem:$0x3FAC] =	sst s10  }
0x38: {  	s10 =	sld [smem:$0x3FAD]  }
0x39: {  	_ = 	snop;
	(pc) =	sbr.ind lr, $3  }
0x3a: {  	_ = 	snop  }
0x3b: {  	_ = 	snop  }
0x3c: {  	p2 =	seq.s32 s10, $0x1;
	s10 =	sld [smem:$0x3FAC]  }
0x3d: {  	_ =	shalt  }
0x3e: {  	_ =	shalt  }
0x3f: {  	_ =	shalt  }
0x40: {  	_ =	shalt  }
0x41: {  	_ =	shalt  }
0x42: {  	_ =	shalt  }
0x43: {  	_ =	shalt  }
0x44: {  	_ =	shalt  }
0x45: {  	_ =	shalt  }
0x46: {  	_ =	shalt  }
0x47: {  	_ =	shalt  }
0x48: {  	_ =	shalt  }
0x49: {  	_ =	shalt  }
0x4a: {  	_ =	shalt  }
0x4b: {  	_ =	shalt  }
0x4c: {  	_ =	shalt  }
0x4d: {  	_ =	shalt  }
0x4e: {  	_ =	shalt  }
0x4f: {  	_ =	shalt  }
0x50: {  	_ =	shalt  }
0x51: {  	_ =	shalt  }
0x52: {  	_ =	shalt  }
0x53: {  	_ =	shalt  }
0x54: {  	_ =	shalt  }
0x55: {  	_ =	shalt  }
0x56: {  	_ =	shalt  }
0x57: {  	_ =	shalt  }
0x58: {  	_ =	shalt  }
0x59: {  	_ =	shalt  }
0x5a: {  	_ =	shalt  }
0x5b: {  	_ =	shalt  }
0x5c: {  	_ =	shalt  }
0x5d: {  	_ =	shalt  }
0x5e: {  	_ =	shalt  }
0x5f: {  	_ =	shalt  }
0x60: {  	_ =	shalt  }
0x61: {  	_ =	shalt  }
0x62: {  	_ =	shalt  }
0x63: {  	_ =	shalt  }
0x64: {  	_ =	shalt  }
0x65: {  	_ =	shalt  }
0x66: {  	_ =	shalt  }
0x67: {  	_ =	shalt  }
0x68: {  	_ =	shalt  }
0x69: {  	_ =	shalt  }
0x6a: {  	_ =	shalt  }
0x6b: {  	_ =	shalt  }
0x6c: {  	_ =	shalt  }
0x6d: {  	_ =	shalt  }
0x6e: {  	_ =	shalt  }
0x6f: {  	_ =	shalt  }
0x70: {  	_ =	shalt  }
0x71: {  	_ =	shalt  }
0x72: {  	_ =	shalt  }
0x73: {  	_ =	shalt  }
0x74: {  	_ =	shalt  }
0x75: {  	_ =	shalt  }
0x76: {  	_ =	shalt  }
0x77: {  	_ =	shalt  }
0x78: {  	_ =	shalt  }
0x79: {  	_ =	shalt  }
0x7a: {  	_ =	shalt  }
0x7b: {  	_ =	shalt  }
0x7c: {  	_ =	shalt  }
0x7d: {  	_ =	shalt  }
0x7e: {  	_ =	shalt  }
0x7f: {  	_ =	shalt  }
0x80: {  	_ =	shalt  }
0x81: {  	_ =	shalt  }
0x82: {  	_ =	shalt  }
0x83: {  	_ =	shalt  }
0x84: {  	_ =	shalt  }
0x85: {  	_ =	shalt  }
0x86: {  	_ =	shalt  }
0x87: {  	_ =	shalt  }
.Lfunc_end0:
.L_simem_size_0:
called_computation_lowered:
.L_overlay_start_0:
0x88: {  	s2 =	sld [smem:$0x3FD9]  }
0x89: {  	s3 =	sld [smem:$0x3FFE];
	_ =	sdelay $0x1  }
0x8a: {  	s1 =	srdreg.scid  }
0x8b: {  	s0 =	sand.u32 $0x1, s1  }
0x8c: {  	s17 =	sshll.u32 s0, $0xA;
	s2 =	sadd.s32 s3, s2  }
0x8d: {  	s2 =	sadd.s32 s2, s17  }
0x8e: {  	[smem:$0x3FB8] =	sst s2  }
0x8f: {  	_ = 	snop  }
0x90: {  	s2 =	sld [smem:$0x3FD0];
	(tm) =	ssettm $0x1  }
0x91: {  	s18 =	sld [smem:$0x3FFB];
	_ =	sdelay $0x3  }
0x92: {  	_ =	strace s18  }
0x93: {  	s3 =	sld [smem:$0x3FFC];
	_ =	sdelay $0x3  }
0x94: {  	_ =	strace s3  }
0x95: {  	s3 =	sld [smem:$0x3FFD];
	_ =	sdelay $0x3  }
0x96: {  	_ =	strace s3  }
0x97: {  	_ =	strace $0x8FFFFFFF  }
0x98: {  	s19 =	sld [smem:$0x3FDB];
	_ =	sdelay $0x1  }
0x99: {  	s4 =	simm.s32 $_scs_section_size  }
0x9a: {  	s5 =	simm.s32 $_size__tile_overlayer_lowered;
	s6 =	simm.s32 $_tile_overlayer_lowered  }
0x9b: {  	s22 =	simm.s32 $0x1BFF;
	s21 =	sshll.u32 s6, $0x1;
	s3 =	sadd.s32 s4, s19  }
0x9c: {  	s7 =	simm.s32 $0x0;
	s20 =	sshll.u32 s5, $0x1;
	s5 =	sadd.s32 s21, s3  }
0x9d: {  	[timem:s7], [sflag:s22] =	dma.local [hbm:s5], s20  }
0x9e: {  	_ =	swait.ge [sflag:s22], s20  }
0x9f: {  	s4 =	ssub.s32 $0x0, s20;
	[sflag:s22] =	ssyncset.done $0x0  }
0xa0: {  	[sflag:s22] =	ssyncadd.s32 s4;
	_ =	sdelay $0x1  }
0xa1: {  	s23 =	simm.s32 $0x1B8B  }
0xa2: {  	_ =	swait.ge [sflag:s23], $0x1  }
0xa3: {  	[sflag:s23] =	ssyncset.done $0x0  }
0xa4: {  	s25 =	simm.s32 $0x1B8E;
	s24 =	sld [smem:$0x3FFE];
	[sflag:s23] =	ssyncadd.s32 $0xFFFFFFFF  }
0xa5: {  	s26 =	simm.s32 $execute0_lowered;
	[smem:$0x3FD2] =	sst s25  }
0xa6: {  	s5 =	sshll.u32 s26, $0x1;
	_ =	strace $0x80000046;
	[dreg:$0x1] =	wrdreg $0xFFFFFFFF  }
0xa7: {  	s28 =	simm.s32 $_size_execute0_lowered;
	s3 =	sadd.s32 s3, s5;
	[dreg:$0x0] =	wrdreg $0x0  }
0xa8: {  	s5 =	sshll.u32 s28, $0x1;
	[dreg:$0x2] =	wrdreg s3  }
0xa9: {  	[dreg:$0x3] =	wrdreg s5  }
0xaa: {  	[dreg:$0x4] =	wrdreg $0xC0  }
0xab: {  	_ =	task [dreg:s7], $0x5FFFF  }
0xac: {  	[dreg:$0x1] =	wrdreg $0xFFFFFFFF  }
0xad: {  	[dreg:$0x0] =	wrdreg $0x60  }
0xae: {  	[dreg:$0x2] =	wrdreg s24  }
0xaf: {  	[dreg:$0x3] =	wrdreg s2  }
0xb0: {  	[dreg:$0x4] =	wrdreg $0x9  }
0xb1: {  	_ =	task.clear_ibuf [dreg:s7], $0x5FFFF;
	_ =	strace $0x90000046  }
0xb2: {  	s29 =	simm.s32 $0x9;
	_ =	strace $0x80000048  }
0xb3: {  	_ =	swait.ge [sflag:s29], $0x1  }
0xb4: {  	[sflag:s29] =	ssyncadd.s32 $0xFFFFFFFF  }
0xb5: {  	_ =	strace $0x90000048  }
0xb6: {  	_ =	sfence  }
0xb7: {  	s30 =	sld [smem:$0x0];
	_ =	sdelay $0x2  }
0xb8: {  	s31 =	sshll.u32 s1, $0xD;
	s1 =	sshrl.u32 s1, $0x2  }
0xb9: {  	s3 =	sand.u32 $0x4000, s31;
	s1 =	sadd.s32 s1, s30  }
0xba: {  	s0 =	sor.u32 s3, s0;
	s1 =	sshll.u32 s1, $0x11  }
0xbb: {  	s0 =	sor.u32 s1, s0  }
0xbc: {  	s0 =	sadd.s32 $0x8F2B, s0  }
0xbd: {  	[sflag:s0] =	ssyncadd.remote.s32 $0x1  }
0xbe: {  	_ =	sfence.sel $0xFFFF  }
0xbf: {  	[dreg:$0x0] =	wrdreg $0xFFFFFFFF;
	(pc) =	sbr.abs _section_cstart, $3  }
0xc0: {  	[dreg:$0x1] =	wrdreg $0xFFFFFFFF  }
0xc1: {  	_ =	task.clear_ibuf [dreg:s7], $0x2FFFF;
	_ =	strace $0x9FFFFFFF  }
0xc2: {  	(tm) =	ssettm $0x7FFFFFFF  }
0xc3: {  	_ =	shalt  }
tec
execute0_lowered:
.L_overlay_start_1:
0x0: {  	(tag) =	ssettag $0x1  }
0x1: {  	s0 =	rddreg [dreg:$0x0];
	s1 =	srdreg.scid  }
0x2: {  	s12 =	stileid.u32;
	s5 =	rddreg [dreg:$0x1]  }
0x3: {  	s2 =	simm.s32 $0x0;
	s13 =	simm.s32 $0x4F00;
	s14 =	simm.s32 $0xEF00  }
0x4: {  	s18 =	simm.s32 $0x9F00;
	s19 =	simm.s32 $0x13F00;
	s20 =	simm.s32 $0x1  }
0x5: {  	s21 =	simm.s32 $0x5;
	s22 =	simm.s32 $0xC700;
	s28 =	simm.s32 $0xD  }
0x6: {  	s29 =	simm.s32 $0x3;
	s30 =	simm.s32 $0x7;
	s31 =	simm.s32 $0xA  }
0x7: {  	s16 =	simm.s32 $0x8;
	s1 =	sand.u32 $0x1, s1;
	s3 =	sshll.u32 s12, $0x1  }
0x8: {  	[smem:$0x7FF] =	sst s2;
	s4 =	sadd.s32 $0x34200, s0;
	s10 =	sadd.s32 $0x82600, s0  }
0x9: {  	s23 =	smul.u32 $0x4E200, s12;
	s12 =	simm.s32 $0x50;
	s6 =	sor.u32 s1, s3  }
0xa: {  	_ =	strace $0x80000047;
	s9 =	ssub.s32 $0x2, s1;
	s7 =	smul.u32 $0x2710, s6  }
0xb: {  	s3 =	sadd.s32 $0xD000, s0;
	s6 =	smul.u32 $0x138800, s6;
	s11 =	sshrl.u32 s9, $0x1  }
0xc: {  	s1 =	smul.u32 $0x27100, s1;
	s25 =	sadd.s32 s23, s10;
	s9 =	ssub.s32 s9, s11  }
0xd: {  	s7 =	sshrl.u32 s7, $0x3;
	s6 =	sshrl.u32 s6, $0x3;
	s26 =	smax.u32 s9, $0x1  }
0xe: {  	s8 =	sadd.s32 s7, s0;
	s5 =	sadd.s32 s5, s7;
	[dreg:$0x9] =	wrdreg s26  }
0xf: {  	s6 =	sadd.s32 $0x26C00, s6;
	s8 =	sadd.s32 $0x3200, s8;
	[dreg:$0x6] =	wrdreg s5  }
0x10: {  	s0 =	sadd.s32 $0x564600, s0;
	s24 =	sadd.s32 s10, s6;
	[dreg:$0x5] =	wrdreg s8  }
0x11: {  	s26 =	simm.s32 $0x9;
	s6 =	sadd.s32 s0, s6;
	[dreg:$0x7] =	wrdreg s24  }
0x12: {  	s5 =	sadd.s32 s1, s25;
	s0 =	sadd.s32 s23, s0;
	[dreg:$0x8] =	wrdreg s6  }
0x13: {  	s23 =	simm.s32 $0x16700;
	s25 =	simm.s32 $0x6;
	[dreg:$0x3] =	wrdreg s5  }
0x14: {  	s0 =	sadd.s32 s1, s0;
	s24 =	simm.s32 $0x2;
	s1 =	simm.s32 $0xE  }
0x15: {  	s6 =	simm.s32 $0x0;
	[dreg:$0x4] =	wrdreg s0;
	s0 =	simm.s32 $0x4  }
.LBB2_1:
0x16: {  	[dreg:$0xa] =	wrdreg s6  }
0x17: {  	s5 =	rddreg [dreg:$0x5];
	s10 =	simm.s32 $0x11  }
0x18: {  	[tilespmem:s2], [sflag:$0x11] =	stream.linear.gather [hbm4b:s5+s2], $0x2710, $0x38;
	[tilespmem:$0x18F00] =	vst v63  }
0x19: {  	_ =	swait.ge [sflag:s10], $0x2710  }
0x1a: {  	[sflag:s10] =	ssyncset.done $0x0  }
0x1b: {  	s7 =	simm.s32 $0x2780;
	s11 =	rddreg [dreg:$0x6];
	[sflag:s10] =	ssyncadd.s32 $0xFFFFD8F0  }
0x1c: {  	[tilespmem:s7], [sflag:$0x11] =	stream.linear.gather [hbm4b:s11+s2], $0x2710, $0x38;
	[tilespmem:$0x18F00] =	vst v63  }
0x1d: {  	_ =	swait.ge [sflag:s10], $0x2710  }
0x1e: {  	[sflag:s10] =	ssyncset.done $0x0  }
0x1f: {  	[sflag:s10] =	ssyncadd.s32 $0xFFFFD8F0  }
0x20: {  	[tilespmem:s13], [sflag:$0x1] =	stream.indirect.gather [hbm4b:s3+s12], $0x80, s2, s12, $0xb8;
	[tilespmem:$0x18F00] =	vst v63  }
0x21: {  	_ = 	snop  }
0x22: {  	[tilespmem:s14], [sflag:$0x5] =	stream.indirect.gather [hbm4b:s4+s12], $0x80, s7, s12, $0xb8;
	[tilespmem:$0x18F00] =	vst v63  }
0x23: {  	s8 =	simm.s32 $0x7700;
	p0 =	por $0x1, $0x1  }
0x24: {  	[tilespmem:s8], [sflag:$0x2] =	stream.indirect.gather [hbm4b:s3+s12], $0x80, s12, s12, $0xb8;
	[tilespmem:$0x18F00] =	vst v63  }
0x25: {  	s15 =	simm.s32 $0x27D0;
	s9 =	simm.s32 $0x11700;
	s5 =	simm.s32 @!p0 $0xB  }
0x26: {  	[tilespmem:s9], [sflag:$0x6] =	stream.indirect.gather [hbm4b:s4+s12], $0x80, s15, s12, $0xb8;
	[tilespmem:$0x18F00] =	vst v63  }
0x27: {  	_ =	swait.ge @!p0 [sflag:s5], $0x2800  }
0x28: {  	[sflag:s5] =	ssyncset.done @!p0 $0x0  }
0x29: {  	[sflag:s5] =	ssyncadd.s32 @!p0 $0xFFFFD800;
	s5 =	simm.s32 @!p0 $0xF  }
0x2a: {  	_ =	swait.ge @!p0 [sflag:s5], $0x2800  }
0x2b: {  	[sflag:s5] =	ssyncset.done @!p0 $0x0  }
0x2c: {  	s17 =	simm.s32 $0xA0;
	[sflag:s5] =	ssyncadd.s32 @!p0 $0xFFFFD800  }
0x2d: {  	[tilespmem:s18], [sflag:$0x3] =	stream.indirect.gather [hbm4b:s3+s12], $0x80, s17, s12, $0xb8;
	[tilespmem:$0x18F00] =	vst v63  }
0x2e: {  	s6 =	simm.s32 $0x2820  }
0x2f: {  	[tilespmem:s19], [sflag:$0x7] =	stream.indirect.gather [hbm4b:s4+s12], $0x80, s6, s12, $0xb8;
	[tilespmem:$0x18F00] =	vst v63  }
0x30: {  	_ =	swait.ge [sflag:s20], $0x2800  }
0x31: {  	[sflag:s20] =	ssyncset.done $0x0  }
0x32: {  	[sflag:s20] =	ssyncadd.s32 $0xFFFFD800  }
0x33: {  	_ =	swait.ge [sflag:s21], $0x2800  }
0x34: {  	s7 =	rddreg [dreg:$0x3];
	[sflag:s21] =	ssyncset.done $0x0  }
0x35: {  	s10 =	rddreg [dreg:$0x4];
	[sflag:s21] =	ssyncadd.s32 $0xFFFFD800;
	s6 =	sadd.s32 $0x0, s7  }
0x36: {  	[hbm4b:s6+s2] =	stream.linear.scatter [tilespmem:s13], [sflag:$0x9], $0x2800, $0x38;
	[tilespmem:$0x18F00] =	vst v63  }
0x37: {  	s5 =	sadd.s32 $0x0, s10;
	s7 =	simm.s32 @!p0 $0xC  }
0x38: {  	[hbm4b:s5+s2] =	stream.linear.scatter [tilespmem:s14], [sflag:$0xD], $0x2800, $0x38;
	[tilespmem:$0x18F00] =	vst v63  }
0x39: {  	_ =	swait.ge @!p0 [sflag:s7], $0x2800  }
0x3a: {  	[sflag:s7] =	ssyncset.done @!p0 $0x0  }
0x3b: {  	[sflag:s7] =	ssyncadd.s32 @!p0 $0xFFFFD800;
	s7 =	simm.s32 @!p0 $0x10  }
0x3c: {  	_ =	swait.ge @!p0 [sflag:s7], $0x2800  }
0x3d: {  	[sflag:s7] =	ssyncset.done @!p0 $0x0  }
0x3e: {  	s11 =	simm.s32 $0xF0;
	[sflag:s7] =	ssyncadd.s32 @!p0 $0xFFFFD800  }
0x3f: {  	[tilespmem:s22], [sflag:$0x4] =	stream.indirect.gather [hbm4b:s3+s12], $0x80, s11, s12, $0xb8;
	[tilespmem:$0x18F00] =	vst v63  }
0x40: {  	s15 =	simm.s32 $0x2870  }
0x41: {  	[tilespmem:s23], [sflag:$0x8] =	stream.indirect.gather [hbm4b:s4+s12], $0x80, s15, s12, $0xb8;
	[tilespmem:$0x18F00] =	vst v63  }
0x42: {  	_ =	swait.ge [sflag:s24], $0x2800  }
0x43: {  	[sflag:s24] =	ssyncset.done $0x0  }
0x44: {  	[sflag:s24] =	ssyncadd.s32 $0xFFFFD800  }
0x45: {  	_ =	swait.ge [sflag:s25], $0x2800  }
0x46: {  	[sflag:s25] =	ssyncset.done $0x0  }
0x47: {  	s17 =	sadd.s32 $0x500, s6;
	[sflag:s25] =	ssyncadd.s32 $0xFFFFD800  }
0x48: {  	[hbm4b:s17+s2] =	stream.linear.scatter [tilespmem:s8], [sflag:$0xA], $0x2800, $0x38;
	[tilespmem:$0x18F00] =	vst v63  }
0x49: {  	s8 =	sadd.s32 $0x500, s5  }
0x4a: {  	[hbm4b:s8+s2] =	stream.linear.scatter [tilespmem:s9], [sflag:$0xE], $0x2800, $0x38;
	[tilespmem:$0x18F00] =	vst v63  }
0x4b: {  	_ =	swait.ge [sflag:s26], $0x2800  }
0x4c: {  	[sflag:s26] =	ssyncset.done $0x0  }
0x4d: {  	[sflag:s26] =	ssyncadd.s32 $0xFFFFD800  }
0x4e: {  	_ =	swait.ge [sflag:s28], $0x2800  }
0x4f: {  	[sflag:s28] =	ssyncset.done $0x0  }
0x50: {  	s10 =	simm.s32 $0x140;
	[sflag:s28] =	ssyncadd.s32 $0xFFFFD800  }
0x51: {  	[tilespmem:s13], [sflag:$0x1] =	stream.indirect.gather [hbm4b:s3+s12], $0x80, s10, s12, $0xb8;
	[tilespmem:$0x18F00] =	vst v63  }
0x52: {  	s11 =	simm.s32 $0x28C0  }
0x53: {  	[tilespmem:s14], [sflag:$0x5] =	stream.indirect.gather [hbm4b:s4+s12], $0x80, s11, s12, $0xb8;
	[tilespmem:$0x18F00] =	vst v63  }
0x54: {  	_ =	swait.ge [sflag:s29], $0x2800  }
0x55: {  	[sflag:s29] =	ssyncset.done $0x0  }
0x56: {  	[sflag:s29] =	ssyncadd.s32 $0xFFFFD800  }
0x57: {  	_ =	swait.ge [sflag:s30], $0x2800  }
0x58: {  	[sflag:s30] =	ssyncset.done $0x0  }
0x59: {  	s15 =	sadd.s32 $0xA00, s6;
	[sflag:s30] =	ssyncadd.s32 $0xFFFFD800  }
0x5a: {  	[hbm4b:s15+s2] =	stream.linear.scatter [tilespmem:s18], [sflag:$0xB], $0x2800, $0x38;
	[tilespmem:$0x18F00] =	vst v63  }
0x5b: {  	s17 =	sadd.s32 $0xA00, s5  }
0x5c: {  	[hbm4b:s17+s2] =	stream.linear.scatter [tilespmem:s19], [sflag:$0xF], $0x2800, $0x38;
	[tilespmem:$0x18F00] =	vst v63  }
0x5d: {  	_ =	swait.ge [sflag:s31], $0x2800  }
0x5e: {  	[sflag:s31] =	ssyncset.done $0x0  }
0x5f: {  	[sflag:s31] =	ssyncadd.s32 $0xFFFFD800  }
0x60: {  	p0 =	por $0x0, $0x0;
	_ =	swait.ge [sflag:s1], $0x2800  }
0x61: {  	s7 =	simm.s32 @!p0 $0x7700;
	[sflag:s1] =	ssyncset.done $0x0  }
0x62: {  	s8 =	simm.s32 @!p0 $0x190;
	s9 =	simm.s32 @!p0 $0x50;
	[sflag:s1] =	ssyncadd.s32 $0xFFFFD800  }
0x63: {  	[tilespmem:s7], [sflag:$0x2] =	stream.indirect.gather @!p0 [hbm4b:s3+s9], $0x80, s8, s9, $0xb8;
	[tilespmem:$0x18F00] =	vst v63  }
0x64: {  	s7 =	simm.s32 @!p0 $0x2910;
	s8 =	simm.s32 @!p0 $0x11700  }
0x65: {  	[tilespmem:s8], [sflag:$0x6] =	stream.indirect.gather @!p0 [hbm4b:s4+s9], $0x80, s7, s9, $0xb8;
	[tilespmem:$0x18F00] =	vst v63  }
0x66: {  	_ =	swait.ge [sflag:s0], $0x2800  }
0x67: {  	[sflag:s0] =	ssyncset.done $0x0  }
0x68: {  	[sflag:s0] =	ssyncadd.s32 $0xFFFFD800  }
0x69: {  	_ =	swait.ge [sflag:s16], $0x2800  }
0x6a: {  	p1 =	por $0x0, $0x0;
	[sflag:s16] =	ssyncset.done $0x0  }
0x6b: {  	s6 =	sadd.s32 $0xF00, s6;
	s9 =	simm.s32 $0x1400;
	[sflag:s16] =	ssyncadd.s32 $0xFFFFD800  }
0x6c: {  	[hbm4b:s6+s2] =	stream.linear.scatter [tilespmem:s22], [sflag:$0xC], $0x2800, $0x38;
	[tilespmem:$0x18F00] =	vst v63  }
0x6d: {  	s8 =	sadd.s32 $0xF00, s5;
	s5 =	simm.s32 $0x0;
	s6 =	simm.s32 $0x2800  }
.LBB2_2:
0x6e: {  	s10 =	simm.s32 @!p1 $0xB  }
0x6f: {  	[hbm4b:s8+s2] =	stream.linear.scatter [tilespmem:s23], [sflag:$0x10], $0x2800, $0x38;
	[tilespmem:$0x18F00] =	vst v63  }
0x70: {  	_ =	swait.ge @!p1 [sflag:s10], $0x2800  }
0x71: {  	[sflag:s10] =	ssyncset.done @!p1 $0x0  }
0x72: {  	s8 =	simm.s32 @!p1 $0xF;
	[sflag:s10] =	ssyncadd.s32 @!p1 $0xFFFFD800  }
0x73: {  	s5 =	sadd.s32 $0x500, s5;
	_ =	swait.ge @!p1 [sflag:s8], $0x2800  }
0x74: {  	s11 =	sshra.s32 s5, $0x2;
	[sflag:s8] =	ssyncset.done @!p1 $0x0  }
0x75: {  	s15 =	sadd.s32 $0xA0, s11;
	[sflag:s8] =	ssyncadd.s32 @!p1 $0xFFFFD800  }
0x76: {  	[tilespmem:s18], [sflag:$0x3] =	stream.indirect.gather [hbm4b:s3+s12], $0x80, s15, s12, $0xb8;
	[tilespmem:$0x18F00] =	vst v63  }
0x77: {  	s17 =	sadd.s32 $0x2820, s11  }
0x78: {  	[tilespmem:s19], [sflag:$0x7] =	stream.indirect.gather [hbm4b:s4+s12], $0x80, s17, s12, $0xb8;
	[tilespmem:$0x18F00] =	vst v63  }
0x79: {  	_ =	swait.ge [sflag:s20], $0x2800  }
0x7a: {  	[sflag:s20] =	ssyncset.done $0x0  }
0x7b: {  	[sflag:s20] =	ssyncadd.s32 $0xFFFFD800  }
0x7c: {  	_ =	swait.ge [sflag:s21], $0x2800  }
0x7d: {  	s10 =	rddreg [dreg:$0x3];
	[sflag:s21] =	ssyncset.done $0x0  }
0x7e: {  	s15 =	rddreg [dreg:$0x4];
	[sflag:s21] =	ssyncadd.s32 $0xFFFFD800;
	s8 =	sadd.s32 s9, s10  }
0x7f: {  	[hbm4b:s8+s2] =	stream.linear.scatter [tilespmem:s13], [sflag:$0x9], $0x2800, $0x38;
	[tilespmem:$0x18F00] =	vst v63  }
0x80: {  	s10 =	sadd.s32 s9, s15;
	s15 =	simm.s32 @!p1 $0xC  }
0x81: {  	[hbm4b:s10+s2] =	stream.linear.scatter [tilespmem:s14], [sflag:$0xD], $0x2800, $0x38;
	[tilespmem:$0x18F00] =	vst v63  }
0x82: {  	_ =	swait.ge @!p1 [sflag:s15], $0x2800  }
0x83: {  	[sflag:s15] =	ssyncset.done @!p1 $0x0  }
0x84: {  	[sflag:s15] =	ssyncadd.s32 @!p1 $0xFFFFD800;
	s15 =	simm.s32 @!p1 $0x10  }
0x85: {  	_ =	swait.ge @!p1 [sflag:s15], $0x2800  }
0x86: {  	[sflag:s15] =	ssyncset.done @!p1 $0x0  }
0x87: {  	s17 =	sadd.s32 $0xF0, s11;
	[sflag:s15] =	ssyncadd.s32 @!p1 $0xFFFFD800  }
0x88: {  	[tilespmem:s22], [sflag:$0x4] =	stream.indirect.gather [hbm4b:s3+s12], $0x80, s17, s12, $0xb8;
	[tilespmem:$0x18F00] =	vst v63  }
0x89: {  	s17 =	sadd.s32 $0x2870, s11  }
0x8a: {  	[tilespmem:s23], [sflag:$0x8] =	stream.indirect.gather [hbm4b:s4+s12], $0x80, s17, s12, $0xb8;
	[tilespmem:$0x18F00] =	vst v63  }
0x8b: {  	_ =	swait.ge [sflag:s24], $0x2800  }
0x8c: {  	[sflag:s24] =	ssyncset.done $0x0  }
0x8d: {  	[sflag:s24] =	ssyncadd.s32 $0xFFFFD800  }
0x8e: {  	_ =	swait.ge [sflag:s25], $0x2800  }
0x8f: {  	[sflag:s25] =	ssyncset.done $0x0  }
0x90: {  	s15 =	sadd.s32 $0x500, s8;
	s17 =	simm.s32 $0x7700;
	[sflag:s25] =	ssyncadd.s32 $0xFFFFD800  }
0x91: {  	[hbm4b:s15+s2] =	stream.linear.scatter [tilespmem:s17], [sflag:$0xA], $0x2800, $0x38;
	[tilespmem:$0x18F00] =	vst v63  }
0x92: {  	s15 =	sadd.s32 $0x500, s10;
	s17 =	simm.s32 $0x11700  }
0x93: {  	[hbm4b:s15+s2] =	stream.linear.scatter [tilespmem:s17], [sflag:$0xE], $0x2800, $0x38;
	[tilespmem:$0x18F00] =	vst v63  }
0x94: {  	_ =	swait.ge [sflag:s26], $0x2800  }
0x95: {  	[sflag:s26] =	ssyncset.done $0x0  }
0x96: {  	[sflag:s26] =	ssyncadd.s32 $0xFFFFD800  }
0x97: {  	_ =	swait.ge [sflag:s28], $0x2800  }
0x98: {  	[sflag:s28] =	ssyncset.done $0x0  }
0x99: {  	s17 =	sadd.s32 $0x140, s11;
	[sflag:s28] =	ssyncadd.s32 $0xFFFFD800  }
0x9a: {  	[tilespmem:s13], [sflag:$0x1] =	stream.indirect.gather [hbm4b:s3+s12], $0x80, s17, s12, $0xb8;
	[tilespmem:$0x18F00] =	vst v63  }
0x9b: {  	s11 =	sadd.s32 $0x28C0, s11  }
0x9c: {  	[tilespmem:s14], [sflag:$0x5] =	stream.indirect.gather [hbm4b:s4+s12], $0x80, s11, s12, $0xb8;
	[tilespmem:$0x18F00] =	vst v63  }
0x9d: {  	_ =	swait.ge [sflag:s29], $0x2800  }
0x9e: {  	[sflag:s29] =	ssyncset.done $0x0  }
0x9f: {  	[sflag:s29] =	ssyncadd.s32 $0xFFFFD800  }
0xa0: {  	_ =	swait.ge [sflag:s30], $0x2800  }
0xa1: {  	[sflag:s30] =	ssyncset.done $0x0  }
0xa2: {  	s17 =	sadd.s32 $0xA00, s8;
	[sflag:s30] =	ssyncadd.s32 $0xFFFFD800  }
0xa3: {  	[hbm4b:s17+s2] =	stream.linear.scatter [tilespmem:s18], [sflag:$0xB], $0x2800, $0x38;
	[tilespmem:$0x18F00] =	vst v63  }
0xa4: {  	s15 =	sadd.s32 $0xA00, s10  }
0xa5: {  	[hbm4b:s15+s2] =	stream.linear.scatter [tilespmem:s19], [sflag:$0xF], $0x2800, $0x38;
	[tilespmem:$0x18F00] =	vst v63  }
0xa6: {  	_ =	swait.ge [sflag:s31], $0x2800  }
0xa7: {  	[sflag:s31] =	ssyncset.done $0x0  }
0xa8: {  	s7 =	smov.u32 s6;
	[sflag:s31] =	ssyncadd.s32 $0xFFFFD800  }
0xa9: {  	p1 =	seq.s32 s9, $0x25800;
	s9 =	smov.u32 s7;
	_ =	swait.ge [sflag:s1], $0x2800  }
0xaa: {  	s7 =	sshra.s32 @!p1 s5, $0x2;
	s11 =	simm.s32 @!p1 $0x7700;
	[sflag:s1] =	ssyncset.done $0x0  }
0xab: {  	s17 =	simm.s32 @!p1 $0x50;
	s15 =	sadd.s32 @!p1 $0x190, s7;
	[sflag:s1] =	ssyncadd.s32 $0xFFFFD800  }
0xac: {  	[tilespmem:s11], [sflag:$0x2] =	stream.indirect.gather @!p1 [hbm4b:s3+s17], $0x80, s15, s17, $0xb8;
	[tilespmem:$0x18F00] =	vst v63  }
0xad: {  	s7 =	sadd.s32 @!p1 $0x2910, s7;
	s11 =	simm.s32 @!p1 $0x11700  }
0xae: {  	[tilespmem:s11], [sflag:$0x6] =	stream.indirect.gather @!p1 [hbm4b:s4+s17], $0x80, s7, s17, $0xb8;
	[tilespmem:$0x18F00] =	vst v63  }
0xaf: {  	s6 =	sadd.s32 $0x1400, s6;
	_ =	swait.ge [sflag:s0], $0x2800  }
0xb0: {  	p0 =	sne.s32 s6, $0x26C00;
	[sflag:s0] =	ssyncset.done $0x0  }
.Ltmp0:
0xb1: {  	[sflag:s0] =	ssyncadd.s32 $0xFFFFD800;
	(pc) =	sbr.rel @p0 .LBB2_2-.Ltmp0, $4  }
0xb2: {  	_ =	swait.ge [sflag:s16], $0x2800  }
0xb3: {  	p1 =	seq.s32 s9, $0x0;
	[sflag:s16] =	ssyncset.done $0x0  }
0xb4: {  	s17 =	sadd.s32 $0xF00, s8;
	s8 =	sadd.s32 $0xF00, s10;
	[sflag:s16] =	ssyncadd.s32 $0xFFFFD800  }
0xb5: {  	[hbm4b:s17+s2] =	stream.linear.scatter [tilespmem:s22], [sflag:$0xC], $0x2800, $0x38;
	[tilespmem:$0x18F00] =	vst v63  }
0xb6: {  	s6 =	simm.s32 @!p1 $0xB  }
0xb7: {  	[hbm4b:s8+s2] =	stream.linear.scatter [tilespmem:s23], [sflag:$0x10], $0x2800, $0x38;
	[tilespmem:$0x18F00] =	vst v63  }
0xb8: {  	_ =	swait.ge @!p1 [sflag:s6], $0x2800  }
0xb9: {  	[sflag:s6] =	ssyncset.done @!p1 $0x0  }
0xba: {  	[sflag:s6] =	ssyncadd.s32 @!p1 $0xFFFFD800;
	s6 =	simm.s32 @!p1 $0xF  }
0xbb: {  	s5 =	sadd.s32 $0x500, s5;
	_ =	swait.ge @!p1 [sflag:s6], $0x2800  }
0xbc: {  	s8 =	sshra.s32 s5, $0x2;
	[sflag:s6] =	ssyncset.done @!p1 $0x0  }
0xbd: {  	s17 =	sadd.s32 $0xA0, s8;
	[sflag:s6] =	ssyncadd.s32 @!p1 $0xFFFFD800  }
0xbe: {  	[tilespmem:s18], [sflag:$0x3] =	stream.indirect.gather [hbm4b:s3+s12], $0x80, s17, s12, $0xb8;
	[tilespmem:$0x18F00] =	vst v63  }
0xbf: {  	s7 =	sadd.s32 $0x2820, s8  }
0xc0: {  	[tilespmem:s19], [sflag:$0x7] =	stream.indirect.gather [hbm4b:s4+s12], $0x80, s7, s12, $0xb8;
	[tilespmem:$0x18F00] =	vst v63  }
0xc1: {  	_ =	swait.ge [sflag:s20], $0x2800  }
0xc2: {  	[sflag:s20] =	ssyncset.done $0x0  }
0xc3: {  	[sflag:s20] =	ssyncadd.s32 $0xFFFFD800  }
0xc4: {  	_ =	swait.ge [sflag:s21], $0x2800  }
0xc5: {  	s10 =	rddreg [dreg:$0x3];
	[sflag:s21] =	ssyncset.done $0x0  }
0xc6: {  	s7 =	rddreg [dreg:$0x4];
	[sflag:s21] =	ssyncadd.s32 $0xFFFFD800;
	s6 =	sadd.s32 s9, s10  }
0xc7: {  	[hbm4b:s6+s2] =	stream.linear.scatter [tilespmem:s13], [sflag:$0x9], $0x2800, $0x38;
	[tilespmem:$0x18F00] =	vst v63  }
0xc8: {  	s7 =	sadd.s32 s9, s7;
	s10 =	simm.s32 @!p1 $0xC  }
0xc9: {  	[hbm4b:s7+s2] =	stream.linear.scatter [tilespmem:s14], [sflag:$0xD], $0x2800, $0x38;
	[tilespmem:$0x18F00] =	vst v63  }
0xca: {  	_ =	swait.ge @!p1 [sflag:s10], $0x2800  }
0xcb: {  	[sflag:s10] =	ssyncset.done @!p1 $0x0  }
0xcc: {  	[sflag:s10] =	ssyncadd.s32 @!p1 $0xFFFFD800;
	s10 =	simm.s32 @!p1 $0x10  }
0xcd: {  	_ =	swait.ge @!p1 [sflag:s10], $0x2800  }
0xce: {  	[sflag:s10] =	ssyncset.done @!p1 $0x0  }
0xcf: {  	s11 =	sadd.s32 $0xF0, s8;
	[sflag:s10] =	ssyncadd.s32 @!p1 $0xFFFFD800  }
0xd0: {  	[tilespmem:s22], [sflag:$0x4] =	stream.indirect.gather [hbm4b:s3+s12], $0x80, s11, s12, $0xb8;
	[tilespmem:$0x18F00] =	vst v63  }
0xd1: {  	s15 =	sadd.s32 $0x2870, s8  }
0xd2: {  	[tilespmem:s23], [sflag:$0x8] =	stream.indirect.gather [hbm4b:s4+s12], $0x80, s15, s12, $0xb8;
	[tilespmem:$0x18F00] =	vst v63  }
0xd3: {  	_ =	swait.ge [sflag:s24], $0x2800  }
0xd4: {  	[sflag:s24] =	ssyncset.done $0x0  }
0xd5: {  	[sflag:s24] =	ssyncadd.s32 $0xFFFFD800  }
0xd6: {  	_ =	swait.ge [sflag:s25], $0x2800  }
0xd7: {  	[sflag:s25] =	ssyncset.done $0x0  }
0xd8: {  	s17 =	sadd.s32 $0x500, s6;
	s11 =	simm.s32 $0x7700;
	[sflag:s25] =	ssyncadd.s32 $0xFFFFD800  }
0xd9: {  	[hbm4b:s17+s2] =	stream.linear.scatter [tilespmem:s11], [sflag:$0xA], $0x2800, $0x38;
	[tilespmem:$0x18F00] =	vst v63  }
0xda: {  	s15 =	simm.s32 $0x11700;
	s11 =	sadd.s32 $0x500, s7  }
0xdb: {  	[hbm4b:s11+s2] =	stream.linear.scatter [tilespmem:s15], [sflag:$0xE], $0x2800, $0x38;
	[tilespmem:$0x18F00] =	vst v63  }
0xdc: {  	_ =	swait.ge [sflag:s26], $0x2800  }
0xdd: {  	[sflag:s26] =	ssyncset.done $0x0  }
0xde: {  	[sflag:s26] =	ssyncadd.s32 $0xFFFFD800  }
0xdf: {  	_ =	swait.ge [sflag:s28], $0x2800  }
0xe0: {  	[sflag:s28] =	ssyncset.done $0x0  }
0xe1: {  	s17 =	sadd.s32 $0x140, s8;
	[sflag:s28] =	ssyncadd.s32 $0xFFFFD800  }
0xe2: {  	[tilespmem:s13], [sflag:$0x1] =	stream.indirect.gather [hbm4b:s3+s12], $0x80, s17, s12, $0xb8;
	[tilespmem:$0x18F00] =	vst v63  }
0xe3: {  	s8 =	sadd.s32 $0x28C0, s8  }
0xe4: {  	[tilespmem:s14], [sflag:$0x5] =	stream.indirect.gather [hbm4b:s4+s12], $0x80, s8, s12, $0xb8;
	[tilespmem:$0x18F00] =	vst v63  }
0xe5: {  	_ =	swait.ge [sflag:s29], $0x2800  }
0xe6: {  	[sflag:s29] =	ssyncset.done $0x0  }
0xe7: {  	[sflag:s29] =	ssyncadd.s32 $0xFFFFD800  }
0xe8: {  	_ =	swait.ge [sflag:s30], $0x2800  }
0xe9: {  	[sflag:s30] =	ssyncset.done $0x0  }
0xea: {  	s10 =	sadd.s32 $0xA00, s6;
	[sflag:s30] =	ssyncadd.s32 $0xFFFFD800  }
0xeb: {  	[hbm4b:s10+s2] =	stream.linear.scatter [tilespmem:s18], [sflag:$0xB], $0x2800, $0x38;
	[tilespmem:$0x18F00] =	vst v63  }
0xec: {  	s11 =	sadd.s32 $0xA00, s7  }
0xed: {  	[hbm4b:s11+s2] =	stream.linear.scatter [tilespmem:s19], [sflag:$0xF], $0x2800, $0x38;
	[tilespmem:$0x18F00] =	vst v63  }
0xee: {  	_ =	swait.ge [sflag:s31], $0x2800  }
0xef: {  	[sflag:s31] =	ssyncset.done $0x0  }
0xf0: {  	p0 =	seq.s32 s9, $0x25800;
	[sflag:s31] =	ssyncadd.s32 $0xFFFFD800  }
0xf1: {  	s5 =	sshra.s32 @!p0 s5, $0x2;
	_ =	swait.ge [sflag:s1], $0x2800  }
0xf2: {  	s9 =	sadd.s32 @!p0 $0x190, s5;
	[sflag:s1] =	ssyncset.done $0x0  }
0xf3: {  	s8 =	simm.s32 @!p0 $0x7700;
	s10 =	simm.s32 @!p0 $0x50;
	[sflag:s1] =	ssyncadd.s32 $0xFFFFD800  }
0xf4: {  	[tilespmem:s8], [sflag:$0x2] =	stream.indirect.gather @!p0 [hbm4b:s3+s10], $0x80, s9, s10, $0xb8;
	[tilespmem:$0x18F00] =	vst v63  }
0xf5: {  	s5 =	sadd.s32 @!p0 $0x2910, s5;
	s8 =	simm.s32 @!p0 $0x11700  }
0xf6: {  	[tilespmem:s8], [sflag:$0x6] =	stream.indirect.gather @!p0 [hbm4b:s4+s10], $0x80, s5, s10, $0xb8;
	[tilespmem:$0x18F00] =	vst v63  }
0xf7: {  	_ =	swait.ge [sflag:s0], $0x2800  }
0xf8: {  	[sflag:s0] =	ssyncset.done $0x0  }
0xf9: {  	[sflag:s0] =	ssyncadd.s32 $0xFFFFD800  }
0xfa: {  	_ =	swait.ge [sflag:s16], $0x2800  }
0xfb: {  	[sflag:s16] =	ssyncset.done $0x0  }
0xfc: {  	s15 =	sadd.s32 $0xF00, s6;
	[sflag:s16] =	ssyncadd.s32 $0xFFFFD800  }
0xfd: {  	[hbm4b:s15+s2] =	stream.linear.scatter [tilespmem:s22], [sflag:$0xC], $0x2800, $0x38;
	[tilespmem:$0x18F00] =	vst v63  }
0xfe: {  	s17 =	sadd.s32 $0xF00, s7  }
0xff: {  	[hbm4b:s17+s2] =	stream.linear.scatter [tilespmem:s23], [sflag:$0x10], $0x2800, $0x38;
	[tilespmem:$0x18F00] =	vst v63  }
0x100: {  	_ =	swait.ge [sflag:s20], $0x2800  }
0x101: {  	[sflag:s20] =	ssyncset.done $0x0  }
0x102: {  	[sflag:s20] =	ssyncadd.s32 $0xFFFFD800  }
0x103: {  	_ =	swait.ge [sflag:s21], $0x2800  }
0x104: {  	[sflag:s21] =	ssyncset.done $0x0  }
0x105: {  	s6 =	rddreg [dreg:$0x7];
	[sflag:s21] =	ssyncadd.s32 $0xFFFFD800  }
0x106: {  	[hbm4b:s6+s2] =	stream.linear.scatter [tilespmem:s13], [sflag:$0x9], $0x2800, $0x38;
	[tilespmem:$0x18F00] =	vst v63  }
0x107: {  	s8 =	simm.s32 $0xB;
	s7 =	rddreg [dreg:$0x8]  }
0x108: {  	[hbm4b:s7+s2] =	stream.linear.scatter [tilespmem:s14], [sflag:$0xD], $0x2800, $0x38;
	[tilespmem:$0x18F00] =	vst v63  }
0x109: {  	_ =	swait.ge [sflag:s8], $0x2800  }
0x10a: {  	[sflag:s8] =	ssyncset.done $0x0  }
0x10b: {  	s9 =	simm.s32 $0xF;
	[sflag:s8] =	ssyncadd.s32 $0xFFFFD800  }
0x10c: {  	_ =	swait.ge [sflag:s9], $0x2800  }
0x10d: {  	[sflag:s9] =	ssyncset.done $0x0  }
0x10e: {  	s10 =	simm.s32 $0xC;
	[sflag:s9] =	ssyncadd.s32 $0xFFFFD800  }
0x10f: {  	_ =	swait.ge [sflag:s10], $0x2800  }
0x110: {  	[sflag:s10] =	ssyncset.done $0x0  }
0x111: {  	s11 =	simm.s32 $0x10;
	[sflag:s10] =	ssyncadd.s32 $0xFFFFD800  }
0x112: {  	_ =	swait.ge [sflag:s11], $0x2800  }
0x113: {  	[sflag:s11] =	ssyncset.done $0x0  }
0x114: {  	[sflag:s11] =	ssyncadd.s32 $0xFFFFD800  }
0x115: {  	_ =	swait.ge [sflag:s26], $0x2800  }
0x116: {  	[sflag:s26] =	ssyncset.done $0x0  }
0x117: {  	[sflag:s26] =	ssyncadd.s32 $0xFFFFD800  }
0x118: {  	_ =	swait.ge [sflag:s28], $0x2800  }
0x119: {  	s15 =	rddreg [dreg:$0xa]  }
0x11a: {  	s17 =	rddreg [dreg:$0x9];
	s6 =	sadd.s32 $0x1, s15  }
0x11b: {  	p0 =	sne.s32 s6, s17  }
.Ltmp1:
0x11c: {  	_ = 	snop;
	(pc) =	sbr.rel @p0 .LBB2_1-.Ltmp1, $3  }
0x11d: {  	_ =	sdelay $0x1  }
0x11e: {  	[sflag:s28] =	ssyncset.done $0x0  }
0x11f: {  	[sflag:s28] =	ssyncadd.s32 $0xFFFFD800  }
0x120: {  	_ =	sfence.sel $0x180000  }
0x121: {  	[bflag:$0x0] =	sbarrier.arrive $0xFFFF  }
0x122: {  	_ =	strace $0x90000047  }
0x123: {  	s0 =	stileid.u32;
	[bflag:$0x2] =	sbarrier.arrive $0xFFFF  }
0x124: {  	p0 =	sne.s32 s0, $0x0;
	s0 =	rddreg [dreg:$0x2]  }
0x125: {  	s0 =	sadd.s32 @!p0 $0x100000, s0  }
0x126: {  	[sflag:s0] =	ssyncadd.tile.s32 @!p0 $0x1;
	_ =	shalt  }
.Lfunc_end2:
_tile_overlayer_lowered:
.L_overlay_start_2:
0x127: {  	(tag) =	ssettag $0x2  }
0x128: {  	s0 =	rddreg [dreg:$0x0];
	s2 =	stileid.u32  }
0x129: {  	s1 =	rddreg [dreg:$0x1];
	p0 =	sne.s32 s2, $0x0  }
0x12a: {  	s3 =	rddreg [dreg:$0x2];
	[bflag:$0x3] =	sbarrier.arrive $0xFFFF;
	s2 =	simm.s32 @!p0 $0x1C11  }
0x12b: {  	[timem:s3], [sflag:s2] =	dma.local @!p0 [hbm:s0], s1  }
0x12c: {  	s0 =	simm.s32 @!p0 $0x11  }
0x12d: {  	_ =	swait.ge @!p0 [sflag:s0], s1  }
0x12e: {  	s1 =	ssub.s32 @!p0 $0x0, s1;
	[sflag:s0] =	ssyncset.done @!p0 $0x0  }
0x12f: {  	[sflag:s0] =	ssyncadd.s32 @!p0 s1  }
0x130: {  	[bflag:$0x3] =	sbarrier.arrive $0xFFFF  }
0x131: {  	_ =	shalt  }

</sc_bundles>
